<compile_context>
chip_gen: v7x
topology: tpu7x:2x2x1
jax: 0.10.2.dev20260603
libtpu: 0.0.44.dev20260713+nightly
codegen_flags: <defaults>
</compile_context>

<pallas_src>
import functools

import jax
import jax.numpy as jnp
from jax import lax
from jax.experimental import pallas as pl
from jax.experimental.pallas import tpu as pltpu
from jax.experimental.pallas import tpu_sc as plsc

S = 2048
D = 768
OUT = 768
E = 8
K = 2
TB = 256
NPAIR = S * K
NBUF = NPAIR + E * TB
NBLK = NBUF // TB
NW = 32
CB = 256



def _gate_body(x_ref, gw_ref, gb_ref, d0_ref, d1_ref, p0_ref, p1_ref,
               be_ref, sl_ref, eo_ref):
    x = x_ref[...]
    gw = gw_ref[...]
    logits = lax.dot_general(gw, x, (((1,), (1,)), ((), ())),
                             preferred_element_type=jnp.float32)
    logits = logits + gb_ref[...]
    m = jnp.max(logits, axis=0, keepdims=True)
    ex = jnp.exp(logits - m)
    p = ex / jnp.sum(ex, axis=0, keepdims=True)
    ii = lax.broadcasted_iota(jnp.int32, (E, S), 0)
    m1 = jnp.max(p, axis=0, keepdims=True)
    i1 = jnp.min(jnp.where(p == m1, ii, E), axis=0, keepdims=True)
    pm = jnp.where(ii == i1, -1.0, p)
    m2 = jnp.max(pm, axis=0, keepdims=True)
    i2 = jnp.min(jnp.where(pm == m2, ii, E), axis=0, keepdims=True)
    p0_ref[...] = jnp.sum(jnp.where(ii == 0, p, 0.0), axis=0)
    p1_ref[...] = jnp.sum(jnp.where(ii == 1, p, 0.0), axis=0)

    oh = (ii == i1).astype(jnp.float32) + (ii == i2).astype(jnp.float32)
    ri = lax.broadcasted_iota(jnp.int32, (CB, CB), 0)
    ci = lax.broadcasted_iota(jnp.int32, (CB, CB), 1)
    ut = (ri <= ci).astype(jnp.float32)
    blocks = []
    carry = jnp.zeros((E, 1), jnp.float32)
    for c in range(S // CB):
        blk = oh[:, c * CB:(c + 1) * CB]
        cum = lax.dot_general(blk, ut, (((1,), (0,)), ((), ())),
                              preferred_element_type=jnp.float32) + carry
        blocks.append(cum)
        carry = cum[:, CB - 1:CB]
    ct = jnp.concatenate(blocks, axis=1)

    counts = ct[:, S - 1:S]
    pc = jnp.floor((counts + (TB - 1)) * (1.0 / TB)) * TB
    ii8 = lax.broadcasted_iota(jnp.int32, (E, E), 0)
    jj8 = lax.broadcasted_iota(jnp.int32, (E, E), 1)
    cummat = (jj8 <= ii8).astype(jnp.float32)
    ends = lax.dot_general(cummat, pc, (((1,), (0,)), ((), ())),
                           preferred_element_type=jnp.float32)
    starts = ends - pc

    slot = ct + starts - 1.0
    d0 = jnp.sum(jnp.where(ii == i1, slot, 0.0), axis=0)
    d1 = jnp.sum(jnp.where(ii == i2, slot, 0.0), axis=0)
    d0_ref[...] = d0.astype(jnp.int32)
    d1_ref[...] = d1.astype(jnp.int32)

    bi = lax.broadcasted_iota(jnp.int32, (E, 32), 1).astype(jnp.float32) * float(TB)
    be = jnp.sum((ends <= bi).astype(jnp.int32), axis=0)
    be = jnp.minimum(be, E - 1)
    jj32 = lax.broadcasted_iota(jnp.int32, (E, 32), 1)
    ii32 = lax.broadcasted_iota(jnp.int32, (E, 32), 0)
    total = jnp.sum(jnp.where((jj32 == 31) & (ii32 == E - 1),
                              ends * (1.0 / TB), 0.0), axis=0).astype(jnp.int32)
    be_ref[...] = jnp.where(jnp.arange(32) == 31, total, be)

    live = (pc > 0.0)
    ii8f = ii8.astype(jnp.float32)
    jj8f = jj8.astype(jnp.float32)
    slt = (jj8f < ii8f).astype(jnp.float32)
    rk = lax.dot_general(slt, jnp.where(live, 1.0, 0.0),
                         (((1,), (0,)), ((), ())),
                         preferred_element_type=jnp.float32)
    live_b = jnp.broadcast_to(live, (E, 32))
    rk_b = jnp.broadcast_to(rk.astype(jnp.int32), (E, 32))
    eo_raw = jnp.sum(jnp.where(live_b & (rk_b == jj32), ii32, 0), axis=0)
    nexp = jnp.sum(jnp.where(live, 1, 0).astype(jnp.int32))
    ar32 = jnp.arange(32)
    eo = jnp.where(ar32 < nexp, eo_raw, E - 1)
    eo_ref[...] = jnp.where(ar32 == 8, nexp, eo)
    bsl = jnp.sum(jnp.where(live_b & (jnp.broadcast_to(ends, (E, 32)) <= bi),
                            1, 0), axis=0)
    fbv = jnp.sum(jnp.where(live_b & (jnp.broadcast_to(starts, (E, 32)) == bi),
                            1, 0), axis=0)
    sl_ref[...] = bsl * 2 + fbv


def _gate(x2d, gate_w, gate_b):
    return pl.pallas_call(
        _gate_body,
        out_shape=(
            jax.ShapeDtypeStruct((S,), jnp.int32),
            jax.ShapeDtypeStruct((S,), jnp.int32),
            jax.ShapeDtypeStruct((S,), jnp.float32),
            jax.ShapeDtypeStruct((S,), jnp.float32),
            jax.ShapeDtypeStruct((32,), jnp.int32),
            jax.ShapeDtypeStruct((32,), jnp.int32),
            jax.ShapeDtypeStruct((32,), jnp.int32),
        ),
    )(x2d, gate_w, gate_b.reshape(E, 1))



_X_PER_W = S // NW


@functools.cache
def _sc_mesh():
    return plsc.VectorSubcoreMesh(core_axis_name="c", subcore_axis_name="s")


@functools.cache
def _sc_scatter_fn():
    @functools.partial(
        pl.kernel,
        out_type=jax.ShapeDtypeStruct((NBUF, D), jnp.float32),
        mesh=_sc_mesh(),
        scratch_types=[
            pltpu.VMEM((_X_PER_W, D), jnp.float32),
            pltpu.VMEM((_X_PER_W,), jnp.int32),
            pltpu.VMEM((_X_PER_W,), jnp.int32),
            pltpu.SemaphoreType.DMA,
            pltpu.SemaphoreType.DMA,
        ],
    )
    def scatter(x_hbm, d0_hbm, d1_hbm, out_hbm, xrows_v, i0_v, i1_v,
                sem0, sem1):
        wid = lax.axis_index("s") * 2 + lax.axis_index("c")
        base = wid * _X_PER_W
        pltpu.sync_copy(x_hbm.at[pl.ds(base, _X_PER_W)], xrows_v)
        pltpu.sync_copy(d0_hbm.at[pl.ds(base, _X_PER_W)], i0_v)
        pltpu.sync_copy(d1_hbm.at[pl.ds(base, _X_PER_W)], i1_v)
        c0 = pltpu.async_copy(xrows_v, out_hbm.at[i0_v], sem0)
        c1 = pltpu.async_copy(xrows_v, out_hbm.at[i1_v], sem1)
        c0.wait()
        c1.wait()

    return scatter


def _sc_scatter(x2d, d0, d1):
    return _sc_scatter_fn()(x2d, d0, d1)



def _mlp_body(be_ref, sl_ref, eo_ref, xg_ref, b1_ref, b2_ref, b3_ref,
              w1_hbm, w2_hbm, w3_hbm, out_ref,
              w1b, w2b, w3b, sem1, sem2, sem3):
    i = pl.program_id(0)
    nv = be_ref[31]
    nexp = eo_ref[8]
    svf = sl_ref[i]
    s = svf // 2
    fb = svf - 2 * s

    def fetch(slot):
        @pl.when(slot < nexp)
        def _():
            e = eo_ref[jnp.minimum(slot, 7)]
            k = lax.rem(slot, 3)
            pltpu.make_async_copy(w1_hbm.at[e], w1b.at[k], sem1.at[k]).start()
            pltpu.make_async_copy(w2_hbm.at[e], w2b.at[k], sem2.at[k]).start()
            pltpu.make_async_copy(w3_hbm.at[e], w3b.at[k], sem3.at[k]).start()

    @pl.when(i == 0)
    def _():
        fetch(jnp.int32(0))
        fetch(jnp.int32(1))

    @pl.when((i < nv) & (fb == 1))
    def _():
        fetch(s + 2)
        e = eo_ref[jnp.minimum(s, 7)]
        k = lax.rem(s, 3)
        pltpu.make_async_copy(w1_hbm.at[e], w1b.at[k], sem1.at[k]).wait()
        pltpu.make_async_copy(w2_hbm.at[e], w2b.at[k], sem2.at[k]).wait()
        pltpu.make_async_copy(w3_hbm.at[e], w3b.at[k], sem3.at[k]).wait()

    @pl.when(i < nv)
    def _():
        k = lax.rem(s, 3)
        xb = xg_ref[...]
        h = lax.dot_general(xb, w1b[k], (((1,), (1,)), ((), ())),
                            preferred_element_type=jnp.float32)
        h = jnp.maximum(h + b1_ref[0], 0.0)
        h = lax.dot_general(h, w2b[k], (((1,), (1,)), ((), ())),
                            preferred_element_type=jnp.float32)
        h = jnp.maximum(h + b2_ref[0], 0.0)
        h = lax.dot_general(h, w3b[k], (((1,), (1,)), ((), ())),
                            preferred_element_type=jnp.float32)
        out_ref[...] = h + b3_ref[0]


def _mlp(xg, benv, sl, eo, fc1_w, fc1_b, fc2_w, fc2_b, fc3_w, fc3_b):
    grid_spec = pltpu.PrefetchScalarGridSpec(
        num_scalar_prefetch=3,
        grid=(NBLK,),
        in_specs=[
            pl.BlockSpec((TB, D), lambda i, be, sl, eo: (i, 0)),
            pl.BlockSpec((1, 1, OUT), lambda i, be, sl, eo: (be[i], 0, 0)),
            pl.BlockSpec((1, 1, OUT), lambda i, be, sl, eo: (be[i], 0, 0)),
            pl.BlockSpec((1, 1, OUT), lambda i, be, sl, eo: (be[i], 0, 0)),
            pl.BlockSpec(memory_space=pl.ANY),
            pl.BlockSpec(memory_space=pl.ANY),
            pl.BlockSpec(memory_space=pl.ANY),
        ],
        out_specs=pl.BlockSpec((TB, OUT), lambda i, be, sl, eo: (i, 0)),
        scratch_shapes=[
            pltpu.VMEM((3, OUT, D), jnp.float32),
            pltpu.VMEM((3, OUT, OUT), jnp.float32),
            pltpu.VMEM((3, OUT, OUT), jnp.float32),
            pltpu.SemaphoreType.DMA((3,)),
            pltpu.SemaphoreType.DMA((3,)),
            pltpu.SemaphoreType.DMA((3,)),
        ],
    )
    return pl.pallas_call(
        _mlp_body,
        grid_spec=grid_spec,
        out_shape=jax.ShapeDtypeStruct((NBUF, OUT), jnp.float32),
    )(benv, sl, eo, xg, fc1_b.reshape(E, 1, OUT), fc2_b.reshape(E, 1, OUT),
      fc3_b.reshape(E, 1, OUT), fc1_w, fc2_w, fc3_w)



_C_PER_W = S // NW
_NL = 16


def _lane_bcast(v, l):
    idx = jnp.full((_NL,), l, jnp.int32)
    return lax.gather(
        v, idx[:, None],
        lax.GatherDimensionNumbers(offset_dims=(), collapsed_slice_dims=(0,),
                                   start_index_map=(0,)),
        (1,), mode=lax.GatherScatterMode.PROMISE_IN_BOUNDS)


@functools.cache
def _sc_combine_fn():
    @functools.partial(
        pl.kernel,
        out_type=jax.ShapeDtypeStruct((S, OUT), jnp.float32),
        mesh=_sc_mesh(),
        scratch_types=[
            pltpu.VMEM((_C_PER_W,), jnp.int32),
            pltpu.VMEM((_C_PER_W,), jnp.int32),
            pltpu.VMEM((_C_PER_W,), jnp.float32),
            pltpu.VMEM((_C_PER_W,), jnp.float32),
            pltpu.VMEM((_C_PER_W, OUT), jnp.float32),
            pltpu.VMEM((_C_PER_W, OUT), jnp.float32),
            pltpu.SemaphoreType.DMA,
            pltpu.SemaphoreType.DMA,
        ],
    )
    def combine(ybuf_hbm, d0_hbm, d1_hbm, p0_hbm, p1_hbm, out_hbm,
                i0_v, i1_v, p0_v, p1_v, r0_v, r1_v, sem0, sem1):
        wid = lax.axis_index("s") * 2 + lax.axis_index("c")
        base = wid * _C_PER_W
        pltpu.sync_copy(d0_hbm.at[pl.ds(base, _C_PER_W)], i0_v)
        pltpu.sync_copy(d1_hbm.at[pl.ds(base, _C_PER_W)], i1_v)
        c0 = pltpu.async_copy(ybuf_hbm.at[i0_v], r0_v, sem0)
        c1 = pltpu.async_copy(ybuf_hbm.at[i1_v], r1_v, sem1)
        pltpu.sync_copy(p0_hbm.at[pl.ds(base, _C_PER_W)], p0_v)
        pltpu.sync_copy(p1_hbm.at[pl.ds(base, _C_PER_W)], p1_v)
        c0.wait()
        c1.wait()

        @plsc.parallel_loop(0, _C_PER_W, 1, unroll=2)
        def _(t):
            cbase = (t // _NL) * _NL
            lane = t - cbase
            b0 = _lane_bcast(p0_v[pl.ds(cbase, _NL)], lane)
            b1 = _lane_bcast(p1_v[pl.ds(cbase, _NL)], lane)
            for j in range(OUT // _NL):
                sl = pl.ds(j * _NL, _NL)
                r0_v[t, sl] = r0_v[t, sl] * b0 + r1_v[t, sl] * b1
        pltpu.sync_copy(r0_v, out_hbm.at[pl.ds(base, _C_PER_W)])

    return combine


def _sc_combine(ybuf, d0, d1, p0, p1):
    return _sc_combine_fn()(ybuf, d0, d1, p0, p1)


def kernel(x, gate_w, gate_b, fc1_w, fc1_b, fc2_w, fc2_b, fc3_w, fc3_b):
    x2d = x.reshape(S, D)
    d0, d1, p0, p1, benv, sl, eo = _gate(x2d, gate_w, gate_b)
    xg = _sc_scatter(x2d, d0, d1)
    ybuf = _mlp(xg, benv, sl, eo, fc1_w, fc1_b, fc2_w, fc2_b, fc3_w, fc3_b)
    out = _sc_combine(ybuf, d0, d1, p0, p1)
    return out.reshape(1, S, OUT)

# --- scband reference (transcript-rebuilt; emitter-appended) ---
"""Pipeline reference for scband-moe-fc-31275951850271 (READ-ONLY COPY).

The authoritative reference and input builder live on the scoring server;
editing this copy changes nothing except your own understanding.
"""

import jax, jax.numpy as jnp
import numpy as np

B, S, D, OUT, E, K = 1, 2048, 768, 768, 8, 2


def setup_inputs(seed: int = 0) -> dict:
    key = jax.random.key(seed)
    ks = jax.random.split(key, 8)
    inp = {
        "x": jax.random.normal(ks[0], (B, S, D), dtype=jnp.float32),
        "gate_w": jax.random.normal(ks[1], (E, D), dtype=jnp.float32) * 0.02,
        "gate_b": jnp.zeros((E,), dtype=jnp.float32),
        "fc1_w": jax.random.normal(ks[2], (E, OUT, D), dtype=jnp.float32) * 0.02,
        "fc1_b": jnp.zeros((E, OUT), dtype=jnp.float32),
        "fc2_w": jax.random.normal(ks[3], (E, OUT, OUT), dtype=jnp.float32) * 0.02,
        "fc2_b": jnp.zeros((E, OUT), dtype=jnp.float32),
        "fc3_w": jax.random.normal(ks[4], (E, OUT, OUT), dtype=jnp.float32) * 0.02,
        "fc3_b": jnp.zeros((E, OUT), dtype=jnp.float32),
    }
    return inp


def reference(x, gate_w, gate_b, fc1_w, fc1_b, fc2_w, fc2_b, fc3_w, fc3_b):
    # gate: softmax over experts
    logits = jnp.einsum('bsd,ed->bse', x, gate_w) + gate_b[None, None, :]
    probs = jax.nn.softmax(logits, axis=-1)  # [B,S,E]
    # topk over experts
    topv, topi = jax.lax.top_k(probs, K)  # [B,S,K]
    # Faithful to original torch code: the mixing weight uses
    # gateProbabilities[b, s, slot] where slot is the top-k slot index (0..K-1),
    # NOT the expert index (a quirk of the original indexing).
    slot_probs = probs[..., :K]  # [B,S,K]
    onehot = jax.nn.one_hot(topi, E, dtype=probs.dtype)  # [B,S,K,E]
    # per-(token,expert) weight; at most one slot matches per expert per token
    w = jnp.einsum('bske,bsk->bse', onehot, slot_probs)  # [B,S,E]
    # dense expert computation (mathematically identical to the masked loop,
    # since unrouted tokens get weight 0)
    h = jnp.einsum('bsd,eod->bseo', x, fc1_w) + fc1_b[None, None, :, :]
    h = jax.nn.relu(h)
    h = jnp.einsum('bseo,epo->bsep', h, fc2_w) + fc2_b[None, None, :, :]
    h = jax.nn.relu(h)
    h = jnp.einsum('bsep,eqp->bseq', h, fc3_w) + fc3_b[None, None, :, :]
    out = jnp.einsum('bseq,bse->bsq', h, w)
    return out

if __name__ == "__main__":
    import jax
    _d = setup_inputs()
    print(jax.jit(kernel)(*tuple(_d.values())))

</pallas_src>

<mosaic_0001>
#map = affine_map<(d0, d1) -> (0, 0)>
#map1 = affine_map<(d0, d1) -> (0)>
module attributes {stable_mosaic.version = 14 : i64} {
  func.func @combine(%arg0: i32, %arg1: i32, %arg2: memref<6144x768xf32, #tpu.memory_space<hbm>>, %arg3: memref<2048xi32, #tpu.memory_space<hbm>>, %arg4: memref<2048xi32, #tpu.memory_space<hbm>>, %arg5: memref<2048xf32, #tpu.memory_space<hbm>>, %arg6: memref<2048xf32, #tpu.memory_space<hbm>>, %arg7: memref<2048x768xf32, #tpu.memory_space<hbm>>, %arg8: memref<64xi32, #tpu.memory_space<vmem>>, %arg9: memref<64xi32, #tpu.memory_space<vmem>>, %arg10: memref<64xf32, #tpu.memory_space<vmem>>, %arg11: memref<64xf32, #tpu.memory_space<vmem>>, %arg12: memref<64x768xf32, #tpu.memory_space<vmem>>, %arg13: memref<64x768xf32, #tpu.memory_space<vmem>>, %arg14: memref<!tpu.dma_semaphore, #tpu.memory_space<semaphore_mem>>, %arg15: memref<!tpu.dma_semaphore, #tpu.memory_space<semaphore_mem>>) attributes {dimension_semantics = [#tpu.dimension_semantics<core_parallel>, #tpu.dimension_semantics<subcore_parallel>], iteration_bounds = array<i64: 2, 16>, scalar_prefetch = 0 : i64, scratch_operands = 8 : i64, tpu.core_type = #tpu.core_type<sc_vector_subcore>, window_params = [{transform_indices = #map}, {transform_indices = #map1}, {transform_indices = #map1}, {transform_indices = #map1}, {transform_indices = #map1}, {transform_indices = #map}]} {
    %mul3A = arith.constant 2 : i32
    %mul3A_0 = arith.muli %arg1, %mul3A : i32
    %add3A = arith.addi %mul3A_0, %arg0 : i32
    %mul3A_1 = arith.constant 64 : i32
    %mul3A_2 = arith.muli %add3A, %mul3A_1 : i32
    "tpu.region"() ({
      %run_scoped3A = tpu.sem_alloc : memref<!tpu.dma_semaphore, #tpu.memory_space<semaphore_mem>>
      %dma_start3A_15 = tpu.memref_slice %arg3[%mul3A_2] : memref<2048xi32, #tpu.memory_space<hbm>> -> memref<64xi32, #tpu.memory_space<hbm>>
      %dma_start3A_16 = tpu.memref_slice %arg3[%mul3A_2] : memref<2048xi32, #tpu.memory_space<hbm>> -> memref<64xi32, #tpu.memory_space<hbm>>
      tpu.enqueue_dma source(%dma_start3A_16 : memref<64xi32, #tpu.memory_space<hbm>>) target(%arg8 : memref<64xi32, #tpu.memory_space<vmem>>) target_semaphore(%run_scoped3A : memref<!tpu.dma_semaphore, #tpu.memory_space<semaphore_mem>>)
      %dma_wait3A_17 = tpu.memref_slice %arg3[%mul3A_2] : memref<2048xi32, #tpu.memory_space<hbm>> -> memref<64xi32, #tpu.memory_space<hbm>>
      %dma_wait3A_18 = tpu.memref_slice %arg3[%mul3A_2] : memref<2048xi32, #tpu.memory_space<hbm>> -> memref<64xi32, #tpu.memory_space<hbm>>
      tpu.wait_dma2 semaphore(%run_scoped3A : memref<!tpu.dma_semaphore, #tpu.memory_space<semaphore_mem>>) src(%dma_wait3A_18 : memref<64xi32, #tpu.memory_space<hbm>>) dst(%arg8 : memref<64xi32, #tpu.memory_space<vmem>>)
      tpu.yield
    }) : () -> ()
    "tpu.region"() ({
      %run_scoped3A = tpu.sem_alloc : memref<!tpu.dma_semaphore, #tpu.memory_space<semaphore_mem>>
      %dma_start3A_15 = tpu.memref_slice %arg4[%mul3A_2] : memref<2048xi32, #tpu.memory_space<hbm>> -> memref<64xi32, #tpu.memory_space<hbm>>
      %dma_start3A_16 = tpu.memref_slice %arg4[%mul3A_2] : memref<2048xi32, #tpu.memory_space<hbm>> -> memref<64xi32, #tpu.memory_space<hbm>>
      tpu.enqueue_dma source(%dma_start3A_16 : memref<64xi32, #tpu.memory_space<hbm>>) target(%arg9 : memref<64xi32, #tpu.memory_space<vmem>>) target_semaphore(%run_scoped3A : memref<!tpu.dma_semaphore, #tpu.memory_space<semaphore_mem>>)
      %dma_wait3A_17 = tpu.memref_slice %arg4[%mul3A_2] : memref<2048xi32, #tpu.memory_space<hbm>> -> memref<64xi32, #tpu.memory_space<hbm>>
      %dma_wait3A_18 = tpu.memref_slice %arg4[%mul3A_2] : memref<2048xi32, #tpu.memory_space<hbm>> -> memref<64xi32, #tpu.memory_space<hbm>>
      tpu.wait_dma2 semaphore(%run_scoped3A : memref<!tpu.dma_semaphore, #tpu.memory_space<semaphore_mem>>) src(%dma_wait3A_18 : memref<64xi32, #tpu.memory_space<hbm>>) dst(%arg9 : memref<64xi32, #tpu.memory_space<vmem>>)
      tpu.yield
    }) : () -> ()
    %dma_start3A = arith.constant 0 : i32
    %dma_start3A_3 = arith.constant 0 : i32
    %dma_start3A_4 = tpu.memref_slice %arg2[%dma_start3A, %dma_start3A_3] : memref<6144x768xf32, #tpu.memory_space<hbm>> -> memref<6144x768xf32, #tpu.memory_space<hbm>>
    tpu.enqueue_indirect_dma source(%dma_start3A_4 : memref<6144x768xf32, #tpu.memory_space<hbm>>) target(%arg12 : memref<64x768xf32, #tpu.memory_space<vmem>>) offsets(%arg8 : memref<64xi32, #tpu.memory_space<vmem>>) semaphore(%arg14 : memref<!tpu.dma_semaphore, #tpu.memory_space<semaphore_mem>>)
    %dma_start3A_5 = arith.constant 0 : i32
    %dma_start3A_6 = arith.constant 0 : i32
    %dma_start3A_7 = tpu.memref_slice %arg2[%dma_start3A_5, %dma_start3A_6] : memref<6144x768xf32, #tpu.memory_space<hbm>> -> memref<6144x768xf32, #tpu.memory_space<hbm>>
    tpu.enqueue_indirect_dma source(%dma_start3A_7 : memref<6144x768xf32, #tpu.memory_space<hbm>>) target(%arg13 : memref<64x768xf32, #tpu.memory_space<vmem>>) offsets(%arg9 : memref<64xi32, #tpu.memory_space<vmem>>) semaphore(%arg15 : memref<!tpu.dma_semaphore, #tpu.memory_space<semaphore_mem>>)
    "tpu.region"() ({
      %run_scoped3A = tpu.sem_alloc : memref<!tpu.dma_semaphore, #tpu.memory_space<semaphore_mem>>
      %dma_start3A_15 = tpu.memref_slice %arg5[%mul3A_2] : memref<2048xf32, #tpu.memory_space<hbm>> -> memref<64xf32, #tpu.memory_space<hbm>>
      %dma_start3A_16 = tpu.memref_slice %arg5[%mul3A_2] : memref<2048xf32, #tpu.memory_space<hbm>> -> memref<64xf32, #tpu.memory_space<hbm>>
      tpu.enqueue_dma source(%dma_start3A_16 : memref<64xf32, #tpu.memory_space<hbm>>) target(%arg10 : memref<64xf32, #tpu.memory_space<vmem>>) target_semaphore(%run_scoped3A : memref<!tpu.dma_semaphore, #tpu.memory_space<semaphore_mem>>)
      %dma_wait3A_17 = tpu.memref_slice %arg5[%mul3A_2] : memref<2048xf32, #tpu.memory_space<hbm>> -> memref<64xf32, #tpu.memory_space<hbm>>
      %dma_wait3A_18 = tpu.memref_slice %arg5[%mul3A_2] : memref<2048xf32, #tpu.memory_space<hbm>> -> memref<64xf32, #tpu.memory_space<hbm>>
      tpu.wait_dma2 semaphore(%run_scoped3A : memref<!tpu.dma_semaphore, #tpu.memory_space<semaphore_mem>>) src(%dma_wait3A_18 : memref<64xf32, #tpu.memory_space<hbm>>) dst(%arg10 : memref<64xf32, #tpu.memory_space<vmem>>)
      tpu.yield
    }) : () -> ()
    "tpu.region"() ({
      %run_scoped3A = tpu.sem_alloc : memref<!tpu.dma_semaphore, #tpu.memory_space<semaphore_mem>>
      %dma_start3A_15 = tpu.memref_slice %arg6[%mul3A_2] : memref<2048xf32, #tpu.memory_space<hbm>> -> memref<64xf32, #tpu.memory_space<hbm>>
      %dma_start3A_16 = tpu.memref_slice %arg6[%mul3A_2] : memref<2048xf32, #tpu.memory_space<hbm>> -> memref<64xf32, #tpu.memory_space<hbm>>
      tpu.enqueue_dma source(%dma_start3A_16 : memref<64xf32, #tpu.memory_space<hbm>>) target(%arg11 : memref<64xf32, #tpu.memory_space<vmem>>) target_semaphore(%run_scoped3A : memref<!tpu.dma_semaphore, #tpu.memory_space<semaphore_mem>>)
      %dma_wait3A_17 = tpu.memref_slice %arg6[%mul3A_2] : memref<2048xf32, #tpu.memory_space<hbm>> -> memref<64xf32, #tpu.memory_space<hbm>>
      %dma_wait3A_18 = tpu.memref_slice %arg6[%mul3A_2] : memref<2048xf32, #tpu.memory_space<hbm>> -> memref<64xf32, #tpu.memory_space<hbm>>
      tpu.wait_dma2 semaphore(%run_scoped3A : memref<!tpu.dma_semaphore, #tpu.memory_space<semaphore_mem>>) src(%dma_wait3A_18 : memref<64xf32, #tpu.memory_space<hbm>>) dst(%arg11 : memref<64xf32, #tpu.memory_space<vmem>>)
      tpu.yield
    }) : () -> ()
    %dma_wait3A = arith.constant 0 : i32
    %dma_wait3A_8 = arith.constant 0 : i32
    %dma_wait3A_9 = tpu.memref_slice %arg2[%dma_wait3A, %dma_wait3A_8] : memref<6144x768xf32, #tpu.memory_space<hbm>> -> memref<6144x768xf32, #tpu.memory_space<hbm>>
    tpu.wait_indirect_dma semaphore(%arg14 : memref<!tpu.dma_semaphore, #tpu.memory_space<semaphore_mem>>) src(%dma_wait3A_9 : memref<6144x768xf32, #tpu.memory_space<hbm>>) dst(%arg12 : memref<64x768xf32, #tpu.memory_space<vmem>>)
    %dma_wait3A_10 = arith.constant 0 : i32
    %dma_wait3A_11 = arith.constant 0 : i32
    %dma_wait3A_12 = tpu.memref_slice %arg2[%dma_wait3A_10, %dma_wait3A_11] : memref<6144x768xf32, #tpu.memory_space<hbm>> -> memref<6144x768xf32, #tpu.memory_space<hbm>>
    tpu.wait_indirect_dma semaphore(%arg15 : memref<!tpu.dma_semaphore, #tpu.memory_space<semaphore_mem>>) src(%dma_wait3A_12 : memref<6144x768xf32, #tpu.memory_space<hbm>>) dst(%arg13 : memref<64x768xf32, #tpu.memory_space<vmem>>)
    %parallel_loop3A = arith.constant 0 : i32
    %parallel_loop3A_13 = arith.constant 64 : i32
    %parallel_loop3A_14 = arith.constant 1 : i32
    scf.for %parallel_loop3A_15 = %parallel_loop3A to %parallel_loop3A_13 step %parallel_loop3A_14  : i32 {
      %parallel_loop3A_16 = arith.constant 16 : i32
      %parallel_loop3A_17 = arith.divsi %parallel_loop3A_15, %parallel_loop3A_16 : i32
      %parallel_loop3A_18 = arith.constant 0 : i32
      %parallel_loop3A_19 = arith.cmpi sgt, %parallel_loop3A_15, %parallel_loop3A_18 : i32
      %parallel_loop3A_20 = arith.extui %parallel_loop3A_19 : i1 to i32
      %parallel_loop3A_21 = arith.constant 0 : i32
      %parallel_loop3A_22 = arith.cmpi slt, %parallel_loop3A_15, %parallel_loop3A_21 : i32
      %parallel_loop3A_23 = arith.extui %parallel_loop3A_22 : i1 to i32
      %parallel_loop3A_24 = arith.subi %parallel_loop3A_20, %parallel_loop3A_23 : i32
      %parallel_loop3A_25 = arith.constant 0 : i32
      %parallel_loop3A_26 = arith.cmpi sgt, %parallel_loop3A_16, %parallel_loop3A_25 : i32
      %parallel_loop3A_27 = arith.extui %parallel_loop3A_26 : i1 to i32
      %parallel_loop3A_28 = arith.constant 0 : i32
      %parallel_loop3A_29 = arith.cmpi slt, %parallel_loop3A_16, %parallel_loop3A_28 : i32
      %parallel_loop3A_30 = arith.extui %parallel_loop3A_29 : i1 to i32
      %parallel_loop3A_31 = arith.subi %parallel_loop3A_27, %parallel_loop3A_30 : i32
      %parallel_loop3A_32 = arith.cmpi ne, %parallel_loop3A_24, %parallel_loop3A_31 : i32
      %parallel_loop3A_33 = arith.remsi %parallel_loop3A_15, %parallel_loop3A_16 : i32
      %parallel_loop3A_34 = arith.constant 0 : i32
      %parallel_loop3A_35 = arith.cmpi ne, %parallel_loop3A_33, %parallel_loop3A_34 : i32
      %parallel_loop3A_36 = arith.andi %parallel_loop3A_32, %parallel_loop3A_35 : i1
      %parallel_loop3A_37 = arith.constant 1 : i32
      %parallel_loop3A_38 = arith.subi %parallel_loop3A_17, %parallel_loop3A_37 : i32
      %parallel_loop3A_39 = arith.select %parallel_loop3A_36, %parallel_loop3A_38, %parallel_loop3A_17 : i32
      %parallel_loop3A_40 = arith.constant 16 : i32
      %parallel_loop3A_41 = arith.muli %parallel_loop3A_39, %parallel_loop3A_40 : i32
      %parallel_loop3A_42 = arith.subi %parallel_loop3A_15, %parallel_loop3A_41 : i32
      %parallel_loop3A_43 = arith.index_cast %parallel_loop3A_41 : i32 to index
      %parallel_loop3A_44 = tpu.vector_load %arg10[%parallel_loop3A_43] {strides = array<i32>} : memref<64xf32, #tpu.memory_space<vmem>>, vector<16xf32>,
      %parallel_loop3A_45 = vector.shape_cast %parallel_loop3A_44 : vector<16xf32> to vector<16xf32>
      %parallel_loop3A_46 = vector.broadcast %parallel_loop3A_42 : i32 to vector<16xi32>
      %parallel_loop3A_47 = vector.shape_cast %parallel_loop3A_46 : vector<16xi32> to vector<16x1xi32>
      %parallel_loop3A_48 = vector.shape_cast %parallel_loop3A_47 : vector<16x1xi32> to vector<16xi32>
      %parallel_loop3A_49 = tpu.dynamic_gather %parallel_loop3A_45[%parallel_loop3A_48] in [0] : vector<16xf32>, vector<16xi32> -> vector<16xf32>
      %parallel_loop3A_50 = arith.index_cast %parallel_loop3A_41 : i32 to index
      %parallel_loop3A_51 = tpu.vector_load %arg11[%parallel_loop3A_50] {strides = array<i32>} : memref<64xf32, #tpu.memory_space<vmem>>, vector<16xf32>,
      %parallel_loop3A_52 = vector.shape_cast %parallel_loop3A_51 : vector<16xf32> to vector<16xf32>
      %parallel_loop3A_53 = vector.broadcast %parallel_loop3A_42 : i32 to vector<16xi32>
      %parallel_loop3A_54 = vector.shape_cast %parallel_loop3A_53 : vector<16xi32> to vector<16x1xi32>
      %parallel_loop3A_55 = vector.shape_cast %parallel_loop3A_54 : vector<16x1xi32> to vector<16xi32>
      %parallel_loop3A_56 = tpu.dynamic_gather %parallel_loop3A_52[%parallel_loop3A_55] in [0] : vector<16xf32>, vector<16xi32> -> vector<16xf32>
      %parallel_loop3A_57 = arith.index_cast %parallel_loop3A_15 : i32 to index
      %parallel_loop3A_58 = arith.constant 0 : index
      %parallel_loop3A_59 = tpu.vector_load %arg12[%parallel_loop3A_57, %parallel_loop3A_58] {strides = array<i32>} : memref<64x768xf32, #tpu.memory_space<vmem>>, vector<1x16xf32>,
      %parallel_loop3A_60 = vector.shape_cast %parallel_loop3A_59 : vector<1x16xf32> to vector<16xf32>
      %parallel_loop3A_61 = arith.mulf %parallel_loop3A_60, %parallel_loop3A_49 : vector<16xf32>
      %parallel_loop3A_62 = arith.index_cast %parallel_loop3A_15 : i32 to index
      %parallel_loop3A_63 = arith.constant 0 : index
      %parallel_loop3A_64 = tpu.vector_load %arg13[%parallel_loop3A_62, %parallel_loop3A_63] {strides = array<i32>} : memref<64x768xf32, #tpu.memory_space<vmem>>, vector<1x16xf32>,
      %parallel_loop3A_65 = vector.shape_cast %parallel_loop3A_64 : vector<1x16xf32> to vector<16xf32>
      %parallel_loop3A_66 = arith.mulf %parallel_loop3A_65, %parallel_loop3A_56 : vector<16xf32>
      %parallel_loop3A_67 = arith.addf %parallel_loop3A_61, %parallel_loop3A_66 : vector<16xf32>
      %parallel_loop3A_68 = arith.index_cast %parallel_loop3A_15 : i32 to index
      %parallel_loop3A_69 = arith.constant 0 : index
      %parallel_loop3A_70 = tpu.vector_load %arg12[%parallel_loop3A_68, %parallel_loop3A_69] {strides = array<i32>} : memref<64x768xf32, #tpu.memory_space<vmem>>, vector<1x16xf32>,
      %parallel_loop3A_71 = vector.shape_cast %parallel_loop3A_70 : vector<1x16xf32> to vector<16xf32>
      %parallel_loop3A_72 = vector.shape_cast %parallel_loop3A_67 : vector<16xf32> to vector<1x16xf32>
      tpu.vector_store %arg12[%parallel_loop3A_68, %parallel_loop3A_69], %parallel_loop3A_72 {strides = array<i32>} : memref<64x768xf32, #tpu.memory_space<vmem>>, vector<1x16xf32>,
      %parallel_loop3A_73 = arith.index_cast %parallel_loop3A_15 : i32 to index
      %parallel_loop3A_74 = arith.constant 16 : index
      %parallel_loop3A_75 = tpu.vector_load %arg12[%parallel_loop3A_73, %parallel_loop3A_74] {strides = array<i32>} : memref<64x768xf32, #tpu.memory_space<vmem>>, vector<1x16xf32>,
      %parallel_loop3A_76 = vector.shape_cast %parallel_loop3A_75 : vector<1x16xf32> to vector<16xf32>
      %parallel_loop3A_77 = arith.mulf %parallel_loop3A_76, %parallel_loop3A_49 : vector<16xf32>
      %parallel_loop3A_78 = arith.index_cast %parallel_loop3A_15 : i32 to index
      %parallel_loop3A_79 = arith.constant 16 : index
      %parallel_loop3A_80 = tpu.vector_load %arg13[%parallel_loop3A_78, %parallel_loop3A_79] {strides = array<i32>} : memref<64x768xf32, #tpu.memory_space<vmem>>, vector<1x16xf32>,
      %parallel_loop3A_81 = vector.shape_cast %parallel_loop3A_80 : vector<1x16xf32> to vector<16xf32>
      %parallel_loop3A_82 = arith.mulf %parallel_loop3A_81, %parallel_loop3A_56 : vector<16xf32>
      %parallel_loop3A_83 = arith.addf %parallel_loop3A_77, %parallel_loop3A_82 : vector<16xf32>
      %parallel_loop3A_84 = arith.index_cast %parallel_loop3A_15 : i32 to index
      %parallel_loop3A_85 = arith.constant 16 : index
      %parallel_loop3A_86 = tpu.vector_load %arg12[%parallel_loop3A_84, %parallel_loop3A_85] {strides = array<i32>} : memref<64x768xf32, #tpu.memory_space<vmem>>, vector<1x16xf32>,
      %parallel_loop3A_87 = vector.shape_cast %parallel_loop3A_86 : vector<1x16xf32> to vector<16xf32>
      %parallel_loop3A_88 = vector.shape_cast %parallel_loop3A_83 : vector<16xf32> to vector<1x16xf32>
      tpu.vector_store %arg12[%parallel_loop3A_84, %parallel_loop3A_85], %parallel_loop3A_88 {strides = array<i32>} : memref<64x768xf32, #tpu.memory_space<vmem>>, vector<1x16xf32>,
      %parallel_loop3A_89 = arith.index_cast %parallel_loop3A_15 : i32 to index
      %parallel_loop3A_90 = arith.constant 32 : index
      %parallel_loop3A_91 = tpu.vector_load %arg12[%parallel_loop3A_89, %parallel_loop3A_90] {strides = array<i32>} : memref<64x768xf32, #tpu.memory_space<vmem>>, vector<1x16xf32>,
      %parallel_loop3A_92 = vector.shape_cast %parallel_loop3A_91 : vector<1x16xf32> to vector<16xf32>
      %parallel_loop3A_93 = arith.mulf %parallel_loop3A_92, %parallel_loop3A_49 : vector<16xf32>
      %parallel_loop3A_94 = arith.index_cast %parallel_loop3A_15 : i32 to index
      %parallel_loop3A_95 = arith.constant 32 : index
      %parallel_loop3A_96 = tpu.vector_load %arg13[%parallel_loop3A_94, %parallel_loop3A_95] {strides = array<i32>} : memref<64x768xf32, #tpu.memory_space<vmem>>, vector<1x16xf32>,
      %parallel_loop3A_97 = vector.shape_cast %parallel_loop3A_96 : vector<1x16xf32> to vector<16xf32>
      %parallel_loop3A_98 = arith.mulf %parallel_loop3A_97, %parallel_loop3A_56 : vector<16xf32>
      %parallel_loop3A_99 = arith.addf %parallel_loop3A_93, %parallel_loop3A_98 : vector<16xf32>
      %parallel_loop3A_100 = arith.index_cast %parallel_loop3A_15 : i32 to index
      %parallel_loop3A_101 = arith.constant 32 : index
      %parallel_loop3A_102 = tpu.vector_load %arg12[%parallel_loop3A_100, %parallel_loop3A_101] {strides = array<i32>} : memref<64x768xf32, #tpu.memory_space<vmem>>, vector<1x16xf32>,
      %parallel_loop3A_103 = vector.shape_cast %parallel_loop3A_102 : vector<1x16xf32> to vector<16xf32>
      %parallel_loop3A_104 = vector.shape_cast %parallel_loop3A_99 : vector<16xf32> to vector<1x16xf32>
      tpu.vector_store %arg12[%parallel_loop3A_100, %parallel_loop3A_101], %parallel_loop3A_104 {strides = array<i32>} : memref<64x768xf32, #tpu.memory_space<vmem>>, vector<1x16xf32>,
      %parallel_loop3A_105 = arith.index_cast %parallel_loop3A_15 : i32 to index
      %parallel_loop3A_106 = arith.constant 48 : index
      %parallel_loop3A_107 = tpu.vector_load %arg12[%parallel_loop3A_105, %parallel_loop3A_106] {strides = array<i32>} : memref<64x768xf32, #tpu.memory_space<vmem>>, vector<1x16xf32>,
      %parallel_loop3A_108 = vector.shape_cast %parallel_loop3A_107 : vector<1x16xf32> to vector<16xf32>
      %parallel_loop3A_109 = arith.mulf %parallel_loop3A_108, %parallel_loop3A_49 : vector<16xf32>
      %parallel_loop3A_110 = arith.index_cast %parallel_loop3A_15 : i32 to index
      %parallel_loop3A_111 = arith.constant 48 : index
      %parallel_loop3A_112 = tpu.vector_load %arg13[%parallel_loop3A_110, %parallel_loop3A_111] {strides = array<i32>} : memref<64x768xf32, #tpu.memory_space<vmem>>, vector<1x16xf32>,
      %parallel_loop3A_113 = vector.shape_cast %parallel_loop3A_112 : vector<1x16xf32> to vector<16xf32>
      %parallel_loop3A_114 = arith.mulf %parallel_loop3A_113, %parallel_loop3A_56 : vector<16xf32>
      %parallel_loop3A_115 = arith.addf %parallel_loop3A_109, %parallel_loop3A_114 : vector<16xf32>
      %parallel_loop3A_116 = arith.index_cast %parallel_loop3A_15 : i32 to index
      %parallel_loop3A_117 = arith.constant 48 : index
      %parallel_loop3A_118 = tpu.vector_load %arg12[%parallel_loop3A_116, %parallel_loop3A_117] {strides = array<i32>} : memref<64x768xf32, #tpu.memory_space<vmem>>, vector<1x16xf32>,
      %parallel_loop3A_119 = vector.shape_cast %parallel_loop3A_118 : vector<1x16xf32> to vector<16xf32>
      %parallel_loop3A_120 = vector.shape_cast %parallel_loop3A_115 : vector<16xf32> to vector<1x16xf32>
      tpu.vector_store %arg12[%parallel_loop3A_116, %parallel_loop3A_117], %parallel_loop3A_120 {strides = array<i32>} : memref<64x768xf32, #tpu.memory_space<vmem>>, vector<1x16xf32>,
      %parallel_loop3A_121 = arith.index_cast %parallel_loop3A_15 : i32 to index
      %parallel_loop3A_122 = arith.constant 64 : index
      %parallel_loop3A_123 = tpu.vector_load %arg12[%parallel_loop3A_121, %parallel_loop3A_122] {strides = array<i32>} : memref<64x768xf32, #tpu.memory_space<vmem>>, vector<1x16xf32>,
      %parallel_loop3A_124 = vector.shape_cast %parallel_loop3A_123 : vector<1x16xf32> to vector<16xf32>
      %parallel_loop3A_125 = arith.mulf %parallel_loop3A_124, %parallel_loop3A_49 : vector<16xf32>
      %parallel_loop3A_126 = arith.index_cast %parallel_loop3A_15 : i32 to index
      %parallel_loop3A_127 = arith.constant 64 : index
      %parallel_loop3A_128 = tpu.vector_load %arg13[%parallel_loop3A_126, %parallel_loop3A_127] {strides = array<i32>} : memref<64x768xf32, #tpu.memory_space<vmem>>, vector<1x16xf32>,
      %parallel_loop3A_129 = vector.shape_cast %parallel_loop3A_128 : vector<1x16xf32> to vector<16xf32>
      %parallel_loop3A_130 = arith.mulf %parallel_loop3A_129, %parallel_loop3A_56 : vector<16xf32>
      %parallel_loop3A_131 = arith.addf %parallel_loop3A_125, %parallel_loop3A_130 : vector<16xf32>
      %parallel_loop3A_132 = arith.index_cast %parallel_loop3A_15 : i32 to index
      %parallel_loop3A_133 = arith.constant 64 : index
      %parallel_loop3A_134 = tpu.vector_load %arg12[%parallel_loop3A_132, %parallel_loop3A_133] {strides = array<i32>} : memref<64x768xf32, #tpu.memory_space<vmem>>, vector<1x16xf32>,
      %parallel_loop3A_135 = vector.shape_cast %parallel_loop3A_134 : vector<1x16xf32> to vector<16xf32>
      %parallel_loop3A_136 = vector.shape_cast %parallel_loop3A_131 : vector<16xf32> to vector<1x16xf32>
      tpu.vector_store %arg12[%parallel_loop3A_132, %parallel_loop3A_133], %parallel_loop3A_136 {strides = array<i32>} : memref<64x768xf32, #tpu.memory_space<vmem>>, vector<1x16xf32>,
      %parallel_loop3A_137 = arith.index_cast %parallel_loop3A_15 : i32 to index
      %parallel_loop3A_138 = arith.constant 80 : index
      %parallel_loop3A_139 = tpu.vector_load %arg12[%parallel_loop3A_137, %parallel_loop3A_138] {strides = array<i32>} : memref<64x768xf32, #tpu.memory_space<vmem>>, vector<1x16xf32>,
      %parallel_loop3A_140 = vector.shape_cast %parallel_loop3A_139 : vector<1x16xf32> to vector<16xf32>
      %parallel_loop3A_141 = arith.mulf %parallel_loop3A_140, %parallel_loop3A_49 : vector<16xf32>
      %parallel_loop3A_142 = arith.index_cast %parallel_loop3A_15 : i32 to index
      %parallel_loop3A_143 = arith.constant 80 : index
      %parallel_loop3A_144 = tpu.vector_load %arg13[%parallel_loop3A_142, %parallel_loop3A_143] {strides = array<i32>} : memref<64x768xf32, #tpu.memory_space<vmem>>, vector<1x16xf32>,
      %parallel_loop3A_145 = vector.shape_cast %parallel_loop3A_144 : vector<1x16xf32> to vector<16xf32>
      %parallel_loop3A_146 = arith.mulf %parallel_loop3A_145, %parallel_loop3A_56 : vector<16xf32>
      %parallel_loop3A_147 = arith.addf %parallel_loop3A_141, %parallel_loop3A_146 : vector<16xf32>
      %parallel_loop3A_148 = arith.index_cast %parallel_loop3A_15 : i32 to index
      %parallel_loop3A_149 = arith.constant 80 : index
      %parallel_loop3A_150 = tpu.vector_load %arg12[%parallel_loop3A_148, %parallel_loop3A_149] {strides = array<i32>} : memref<64x768xf32, #tpu.memory_space<vmem>>, vector<1x16xf32>,
      %parallel_loop3A_151 = vector.shape_cast %parallel_loop3A_150 : vector<1x16xf32> to vector<16xf32>
      %parallel_loop3A_152 = vector.shape_cast %parallel_loop3A_147 : vector<16xf32> to vector<1x16xf32>
      tpu.vector_store %arg12[%parallel_loop3A_148, %parallel_loop3A_149], %parallel_loop3A_152 {strides = array<i32>} : memref<64x768xf32, #tpu.memory_space<vmem>>, vector<1x16xf32>,
      %parallel_loop3A_153 = arith.index_cast %parallel_loop3A_15 : i32 to index
      %parallel_loop3A_154 = arith.constant 96 : index
      %parallel_loop3A_155 = tpu.vector_load %arg12[%parallel_loop3A_153, %parallel_loop3A_154] {strides = array<i32>} : memref<64x768xf32, #tpu.memory_space<vmem>>, vector<1x16xf32>,
      %parallel_loop3A_156 = vector.shape_cast %parallel_loop3A_155 : vector<1x16xf32> to vector<16xf32>
      %parallel_loop3A_157 = arith.mulf %parallel_loop3A_156, %parallel_loop3A_49 : vector<16xf32>
      %parallel_loop3A_158 = arith.index_cast %parallel_loop3A_15 : i32 to index
      %parallel_loop3A_159 = arith.constant 96 : index
      %parallel_loop3A_160 = tpu.vector_load %arg13[%parallel_loop3A_158, %parallel_loop3A_159] {strides = array<i32>} : memref<64x768xf32, #tpu.memory_space<vmem>>, vector<1x16xf32>,
      %parallel_loop3A_161 = vector.shape_cast %parallel_loop3A_160 : vector<1x16xf32> to vector<16xf32>
      %parallel_loop3A_162 = arith.mulf %parallel_loop3A_161, %parallel_loop3A_56 : vector<16xf32>
      %parallel_loop3A_163 = arith.addf %parallel_loop3A_157, %parallel_loop3A_162 : vector<16xf32>
      %parallel_loop3A_164 = arith.index_cast %parallel_loop3A_15 : i32 to index
      %parallel_loop3A_165 = arith.constant 96 : index
      %parallel_loop3A_166 = tpu.vector_load %arg12[%parallel_loop3A_164, %parallel_loop3A_165] {strides = array<i32>} : memref<64x768xf32, #tpu.memory_space<vmem>>, vector<1x16xf32>,
      %parallel_loop3A_167 = vector.shape_cast %parallel_loop3A_166 : vector<1x16xf32> to vector<16xf32>
      %parallel_loop3A_168 = vector.shape_cast %parallel_loop3A_163 : vector<16xf32> to vector<1x16xf32>
      tpu.vector_store %arg12[%parallel_loop3A_164, %parallel_loop3A_165], %parallel_loop3A_168 {strides = array<i32>} : memref<64x768xf32, #tpu.memory_space<vmem>>, vector<1x16xf32>,
      %parallel_loop3A_169 = arith.index_cast %parallel_loop3A_15 : i32 to index
      %parallel_loop3A_170 = arith.constant 112 : index
      %parallel_loop3A_171 = tpu.vector_load %arg12[%parallel_loop3A_169, %parallel_loop3A_170] {strides = array<i32>} : memref<64x768xf32, #tpu.memory_space<vmem>>, vector<1x16xf32>,
      %parallel_loop3A_172 = vector.shape_cast %parallel_loop3A_171 : vector<1x16xf32> to vector<16xf32>
      %parallel_loop3A_173 = arith.mulf %parallel_loop3A_172, %parallel_loop3A_49 : vector<16xf32>
      %parallel_loop3A_174 = arith.index_cast %parallel_loop3A_15 : i32 to index
      %parallel_loop3A_175 = arith.constant 112 : index
      %parallel_loop3A_176 = tpu.vector_load %arg13[%parallel_loop3A_174, %parallel_loop3A_175] {strides = array<i32>} : memref<64x768xf32, #tpu.memory_space<vmem>>, vector<1x16xf32>,
      %parallel_loop3A_177 = vector.shape_cast %parallel_loop3A_176 : vector<1x16xf32> to vector<16xf32>
      %parallel_loop3A_178 = arith.mulf %parallel_loop3A_177, %parallel_loop3A_56 : vector<16xf32>
      %parallel_loop3A_179 = arith.addf %parallel_loop3A_173, %parallel_loop3A_178 : vector<16xf32>
      %parallel_loop3A_180 = arith.index_cast %parallel_loop3A_15 : i32 to index
      %parallel_loop3A_181 = arith.constant 112 : index
      %parallel_loop3A_182 = tpu.vector_load %arg12[%parallel_loop3A_180, %parallel_loop3A_181] {strides = array<i32>} : memref<64x768xf32, #tpu.memory_space<vmem>>, vector<1x16xf32>,
      %parallel_loop3A_183 = vector.shape_cast %parallel_loop3A_182 : vector<1x16xf32> to vector<16xf32>
      %parallel_loop3A_184 = vector.shape_cast %parallel_loop3A_179 : vector<16xf32> to vector<1x16xf32>
      tpu.vector_store %arg12[%parallel_loop3A_180, %parallel_loop3A_181], %parallel_loop3A_184 {strides = array<i32>} : memref<64x768xf32, #tpu.memory_space<vmem>>, vector<1x16xf32>,
      %parallel_loop3A_185 = arith.index_cast %parallel_loop3A_15 : i32 to index
      %parallel_loop3A_186 = arith.constant 128 : index
      %parallel_loop3A_187 = tpu.vector_load %arg12[%parallel_loop3A_185, %parallel_loop3A_186] {strides = array<i32>} : memref<64x768xf32, #tpu.memory_space<vmem>>, vector<1x16xf32>,
      %parallel_loop3A_188 = vector.shape_cast %parallel_loop3A_187 : vector<1x16xf32> to vector<16xf32>
      %parallel_loop3A_189 = arith.mulf %parallel_loop3A_188, %parallel_loop3A_49 : vector<16xf32>
      %parallel_loop3A_190 = arith.index_cast %parallel_loop3A_15 : i32 to index
      %parallel_loop3A_191 = arith.constant 128 : index
      %parallel_loop3A_192 = tpu.vector_load %arg13[%parallel_loop3A_190, %parallel_loop3A_191] {strides = array<i32>} : memref<64x768xf32, #tpu.memory_space<vmem>>, vector<1x16xf32>,
      %parallel_loop3A_193 = vector.shape_cast %parallel_loop3A_192 : vector<1x16xf32> to vector<16xf32>
      %parallel_loop3A_194 = arith.mulf %parallel_loop3A_193, %parallel_loop3A_56 : vector<16xf32>
      %parallel_loop3A_195 = arith.addf %parallel_loop3A_189, %parallel_loop3A_194 : vector<16xf32>
      %parallel_loop3A_196 = arith.index_cast %parallel_loop3A_15 : i32 to index
      %parallel_loop3A_197 = arith.constant 128 : index
      %parallel_loop3A_198 = tpu.vector_load %arg12[%parallel_loop3A_196, %parallel_loop3A_197] {strides = array<i32>} : memref<64x768xf32, #tpu.memory_space<vmem>>, vector<1x16xf32>,
      %parallel_loop3A_199 = vector.shape_cast %parallel_loop3A_198 : vector<1x16xf32> to vector<16xf32>
      %parallel_loop3A_200 = vector.shape_cast %parallel_loop3A_195 : vector<16xf32> to vector<1x16xf32>
      tpu.vector_store %arg12[%parallel_loop3A_196, %parallel_loop3A_197], %parallel_loop3A_200 {strides = array<i32>} : memref<64x768xf32, #tpu.memory_space<vmem>>, vector<1x16xf32>,
      %parallel_loop3A_201 = arith.index_cast %parallel_loop3A_15 : i32 to index
      %parallel_loop3A_202 = arith.constant 144 : index
      %parallel_loop3A_203 = tpu.vector_load %arg12[%parallel_loop3A_201, %parallel_loop3A_202] {strides = array<i32>} : memref<64x768xf32, #tpu.memory_space<vmem>>, vector<1x16xf32>,
      %parallel_loop3A_204 = vector.shape_cast %parallel_loop3A_203 : vector<1x16xf32> to vector<16xf32>
      %parallel_loop3A_205 = arith.mulf %parallel_loop3A_204, %parallel_loop3A_49 : vector<16xf32>
      %parallel_loop3A_206 = arith.index_cast %parallel_loop3A_15 : i32 to index
      %parallel_loop3A_207 = arith.constant 144 : index
      %parallel_loop3A_208 = tpu.vector_load %arg13[%parallel_loop3A_206, %parallel_loop3A_207] {strides = array<i32>} : memref<64x768xf32, #tpu.memory_space<vmem>>, vector<1x16xf32>,
      %parallel_loop3A_209 = vector.shape_cast %parallel_loop3A_208 : vector<1x16xf32> to vector<16xf32>
      %parallel_loop3A_210 = arith.mulf %parallel_loop3A_209, %parallel_loop3A_56 : vector<16xf32>
      %parallel_loop3A_211 = arith.addf %parallel_loop3A_205, %parallel_loop3A_210 : vector<16xf32>
      %parallel_loop3A_212 = arith.index_cast %parallel_loop3A_15 : i32 to index
      %parallel_loop3A_213 = arith.constant 144 : index
      %parallel_loop3A_214 = tpu.vector_load %arg12[%parallel_loop3A_212, %parallel_loop3A_213] {strides = array<i32>} : memref<64x768xf32, #tpu.memory_space<vmem>>, vector<1x16xf32>,
      %parallel_loop3A_215 = vector.shape_cast %parallel_loop3A_214 : vector<1x16xf32> to vector<16xf32>
      %parallel_loop3A_216 = vector.shape_cast %parallel_loop3A_211 : vector<16xf32> to vector<1x16xf32>
      tpu.vector_store %arg12[%parallel_loop3A_212, %parallel_loop3A_213], %parallel_loop3A_216 {strides = array<i32>} : memref<64x768xf32, #tpu.memory_space<vmem>>, vector<1x16xf32>,
      %parallel_loop3A_217 = arith.index_cast %parallel_loop3A_15 : i32 to index
      %parallel_loop3A_218 = arith.constant 160 : index
      %parallel_loop3A_219 = tpu.vector_load %arg12[%parallel_loop3A_217, %parallel_loop3A_218] {strides = array<i32>} : memref<64x768xf32, #tpu.memory_space<vmem>>, vector<1x16xf32>,
      %parallel_loop3A_220 = vector.shape_cast %parallel_loop3A_219 : vector<1x16xf32> to vector<16xf32>
      %parallel_loop3A_221 = arith.mulf %parallel_loop3A_220, %parallel_loop3A_49 : vector<16xf32>
      %parallel_loop3A_222 = arith.index_cast %parallel_loop3A_15 : i32 to index
      %parallel_loop3A_223 = arith.constant 160 : index
      %parallel_loop3A_224 = tpu.vector_load %arg13[%parallel_loop3A_222, %parallel_loop3A_223] {strides = array<i32>} : memref<64x768xf32, #tpu.memory_space<vmem>>, vector<1x16xf32>,
      %parallel_loop3A_225 = vector.shape_cast %parallel_loop3A_224 : vector<1x16xf32> to vector<16xf32>
      %parallel_loop3A_226 = arith.mulf %parallel_loop3A_225, %parallel_loop3A_56 : vector<16xf32>
      %parallel_loop3A_227 = arith.addf %parallel_loop3A_221, %parallel_loop3A_226 : vector<16xf32>
      %parallel_loop3A_228 = arith.index_cast %parallel_loop3A_15 : i32 to index
      %parallel_loop3A_229 = arith.constant 160 : index
      %parallel_loop3A_230 = tpu.vector_load %arg12[%parallel_loop3A_228, %parallel_loop3A_229] {strides = array<i32>} : memref<64x768xf32, #tpu.memory_space<vmem>>, vector<1x16xf32>,
      %parallel_loop3A_231 = vector.shape_cast %parallel_loop3A_230 : vector<1x16xf32> to vector<16xf32>
      %parallel_loop3A_232 = vector.shape_cast %parallel_loop3A_227 : vector<16xf32> to vector<1x16xf32>
      tpu.vector_store %arg12[%parallel_loop3A_228, %parallel_loop3A_229], %parallel_loop3A_232 {strides = array<i32>} : memref<64x768xf32, #tpu.memory_space<vmem>>, vector<1x16xf32>,
      %parallel_loop3A_233 = arith.index_cast %parallel_loop3A_15 : i32 to index
      %parallel_loop3A_234 = arith.constant 176 : index
      %parallel_loop3A_235 = tpu.vector_load %arg12[%parallel_loop3A_233, %parallel_loop3A_234] {strides = array<i32>} : memref<64x768xf32, #tpu.memory_space<vmem>>, vector<1x16xf32>,
      %parallel_loop3A_236 = vector.shape_cast %parallel_loop3A_235 : vector<1x16xf32> to vector<16xf32>
      %parallel_loop3A_237 = arith.mulf %parallel_loop3A_236, %parallel_loop3A_49 : vector<16xf32>
      %parallel_loop3A_238 = arith.index_cast %parallel_loop3A_15 : i32 to index
      %parallel_loop3A_239 = arith.constant 176 : index
      %parallel_loop3A_240 = tpu.vector_load %arg13[%parallel_loop3A_238, %parallel_loop3A_239] {strides = array<i32>} : memref<64x768xf32, #tpu.memory_space<vmem>>, vector<1x16xf32>,
      %parallel_loop3A_241 = vector.shape_cast %parallel_loop3A_240 : vector<1x16xf32> to vector<16xf32>
      %parallel_loop3A_242 = arith.mulf %parallel_loop3A_241, %parallel_loop3A_56 : vector<16xf32>
      %parallel_loop3A_243 = arith.addf %parallel_loop3A_237, %parallel_loop3A_242 : vector<16xf32>
      %parallel_loop3A_244 = arith.index_cast %parallel_loop3A_15 : i32 to index
      %parallel_loop3A_245 = arith.constant 176 : index
      %parallel_loop3A_246 = tpu.vector_load %arg12[%parallel_loop3A_244, %parallel_loop3A_245] {strides = array<i32>} : memref<64x768xf32, #tpu.memory_space<vmem>>, vector<1x16xf32>,
      %parallel_loop3A_247 = vector.shape_cast %parallel_loop3A_246 : vector<1x16xf32> to vector<16xf32>
      %parallel_loop3A_248 = vector.shape_cast %parallel_loop3A_243 : vector<16xf32> to vector<1x16xf32>
      tpu.vector_store %arg12[%parallel_loop3A_244, %parallel_loop3A_245], %parallel_loop3A_248 {strides = array<i32>} : memref<64x768xf32, #tpu.memory_space<vmem>>, vector<1x16xf32>,
      %parallel_loop3A_249 = arith.index_cast %parallel_loop3A_15 : i32 to index
      %parallel_loop3A_250 = arith.constant 192 : index
      %parallel_loop3A_251 = tpu.vector_load %arg12[%parallel_loop3A_249, %parallel_loop3A_250] {strides = array<i32>} : memref<64x768xf32, #tpu.memory_space<vmem>>, vector<1x16xf32>,
      %parallel_loop3A_252 = vector.shape_cast %parallel_loop3A_251 : vector<1x16xf32> to vector<16xf32>
      %parallel_loop3A_253 = arith.mulf %parallel_loop3A_252, %parallel_loop3A_49 : vector<16xf32>
      %parallel_loop3A_254 = arith.index_cast %parallel_loop3A_15 : i32 to index
      %parallel_loop3A_255 = arith.constant 192 : index
      %parallel_loop3A_256 = tpu.vector_load %arg13[%parallel_loop3A_254, %parallel_loop3A_255] {strides = array<i32>} : memref<64x768xf32, #tpu.memory_space<vmem>>, vector<1x16xf32>,
      %parallel_loop3A_257 = vector.shape_cast %parallel_loop3A_256 : vector<1x16xf32> to vector<16xf32>
      %parallel_loop3A_258 = arith.mulf %parallel_loop3A_257, %parallel_loop3A_56 : vector<16xf32>
      %parallel_loop3A_259 = arith.addf %parallel_loop3A_253, %parallel_loop3A_258 : vector<16xf32>
      %parallel_loop3A_260 = arith.index_cast %parallel_loop3A_15 : i32 to index
      %parallel_loop3A_261 = arith.constant 192 : index
      %parallel_loop3A_262 = tpu.vector_load %arg12[%parallel_loop3A_260, %parallel_loop3A_261] {strides = array<i32>} : memref<64x768xf32, #tpu.memory_space<vmem>>, vector<1x16xf32>,
      %parallel_loop3A_263 = vector.shape_cast %parallel_loop3A_262 : vector<1x16xf32> to vector<16xf32>
      %parallel_loop3A_264 = vector.shape_cast %parallel_loop3A_259 : vector<16xf32> to vector<1x16xf32>
      tpu.vector_store %arg12[%parallel_loop3A_260, %parallel_loop3A_261], %parallel_loop3A_264 {strides = array<i32>} : memref<64x768xf32, #tpu.memory_space<vmem>>, vector<1x16xf32>,
      %parallel_loop3A_265 = arith.index_cast %parallel_loop3A_15 : i32 to index
      %parallel_loop3A_266 = arith.constant 208 : index
      %parallel_loop3A_267 = tpu.vector_load %arg12[%parallel_loop3A_265, %parallel_loop3A_266] {strides = array<i32>} : memref<64x768xf32, #tpu.memory_space<vmem>>, vector<1x16xf32>,
      %parallel_loop3A_268 = vector.shape_cast %parallel_loop3A_267 : vector<1x16xf32> to vector<16xf32>
      %parallel_loop3A_269 = arith.mulf %parallel_loop3A_268, %parallel_loop3A_49 : vector<16xf32>
      %parallel_loop3A_270 = arith.index_cast %parallel_loop3A_15 : i32 to index
      %parallel_loop3A_271 = arith.constant 208 : index
      %parallel_loop3A_272 = tpu.vector_load %arg13[%parallel_loop3A_270, %parallel_loop3A_271] {strides = array<i32>} : memref<64x768xf32, #tpu.memory_space<vmem>>, vector<1x16xf32>,
      %parallel_loop3A_273 = vector.shape_cast %parallel_loop3A_272 : vector<1x16xf32> to vector<16xf32>
      %parallel_loop3A_274 = arith.mulf %parallel_loop3A_273, %parallel_loop3A_56 : vector<16xf32>
      %parallel_loop3A_275 = arith.addf %parallel_loop3A_269, %parallel_loop3A_274 : vector<16xf32>
      %parallel_loop3A_276 = arith.index_cast %parallel_loop3A_15 : i32 to index
      %parallel_loop3A_277 = arith.constant 208 : index
      %parallel_loop3A_278 = tpu.vector_load %arg12[%parallel_loop3A_276, %parallel_loop3A_277] {strides = array<i32>} : memref<64x768xf32, #tpu.memory_space<vmem>>, vector<1x16xf32>,
      %parallel_loop3A_279 = vector.shape_cast %parallel_loop3A_278 : vector<1x16xf32> to vector<16xf32>
      %parallel_loop3A_280 = vector.shape_cast %parallel_loop3A_275 : vector<16xf32> to vector<1x16xf32>
      tpu.vector_store %arg12[%parallel_loop3A_276, %parallel_loop3A_277], %parallel_loop3A_280 {strides = array<i32>} : memref<64x768xf32, #tpu.memory_space<vmem>>, vector<1x16xf32>,
      %parallel_loop3A_281 = arith.index_cast %parallel_loop3A_15 : i32 to index
      %parallel_loop3A_282 = arith.constant 224 : index
      %parallel_loop3A_283 = tpu.vector_load %arg12[%parallel_loop3A_281, %parallel_loop3A_282] {strides = array<i32>} : memref<64x768xf32, #tpu.memory_space<vmem>>, vector<1x16xf32>,
      %parallel_loop3A_284 = vector.shape_cast %parallel_loop3A_283 : vector<1x16xf32> to vector<16xf32>
      %parallel_loop3A_285 = arith.mulf %parallel_loop3A_284, %parallel_loop3A_49 : vector<16xf32>
      %parallel_loop3A_286 = arith.index_cast %parallel_loop3A_15 : i32 to index
      %parallel_loop3A_287 = arith.constant 224 : index
      %parallel_loop3A_288 = tpu.vector_load %arg13[%parallel_loop3A_286, %parallel_loop3A_287] {strides = array<i32>} : memref<64x768xf32, #tpu.memory_space<vmem>>, vector<1x16xf32>,
      %parallel_loop3A_289 = vector.shape_cast %parallel_loop3A_288 : vector<1x16xf32> to vector<16xf32>
      %parallel_loop3A_290 = arith.mulf %parallel_loop3A_289, %parallel_loop3A_56 : vector<16xf32>
      %parallel_loop3A_291 = arith.addf %parallel_loop3A_285, %parallel_loop3A_290 : vector<16xf32>
      %parallel_loop3A_292 = arith.index_cast %parallel_loop3A_15 : i32 to index
      %parallel_loop3A_293 = arith.constant 224 : index
      %parallel_loop3A_294 = tpu.vector_load %arg12[%parallel_loop3A_292, %parallel_loop3A_293] {strides = array<i32>} : memref<64x768xf32, #tpu.memory_space<vmem>>, vector<1x16xf32>,
      %parallel_loop3A_295 = vector.shape_cast %parallel_loop3A_294 : vector<1x16xf32> to vector<16xf32>
      %parallel_loop3A_296 = vector.shape_cast %parallel_loop3A_291 : vector<16xf32> to vector<1x16xf32>
      tpu.vector_store %arg12[%parallel_loop3A_292, %parallel_loop3A_293], %parallel_loop3A_296 {strides = array<i32>} : memref<64x768xf32, #tpu.memory_space<vmem>>, vector<1x16xf32>,
      %parallel_loop3A_297 = arith.index_cast %parallel_loop3A_15 : i32 to index
      %parallel_loop3A_298 = arith.constant 240 : index
      %parallel_loop3A_299 = tpu.vector_load %arg12[%parallel_loop3A_297, %parallel_loop3A_298] {strides = array<i32>} : memref<64x768xf32, #tpu.memory_space<vmem>>, vector<1x16xf32>,
      %parallel_loop3A_300 = vector.shape_cast %parallel_loop3A_299 : vector<1x16xf32> to vector<16xf32>
      %parallel_loop3A_301 = arith.mulf %parallel_loop3A_300, %parallel_loop3A_49 : vector<16xf32>
      %parallel_loop3A_302 = arith.index_cast %parallel_loop3A_15 : i32 to index
      %parallel_loop3A_303 = arith.constant 240 : index
      %parallel_loop3A_304 = tpu.vector_load %arg13[%parallel_loop3A_302, %parallel_loop3A_303] {strides = array<i32>} : memref<64x768xf32, #tpu.memory_space<vmem>>, vector<1x16xf32>,
      %parallel_loop3A_305 = vector.shape_cast %parallel_loop3A_304 : vector<1x16xf32> to vector<16xf32>
      %parallel_loop3A_306 = arith.mulf %parallel_loop3A_305, %parallel_loop3A_56 : vector<16xf32>
      %parallel_loop3A_307 = arith.addf %parallel_loop3A_301, %parallel_loop3A_306 : vector<16xf32>
      %parallel_loop3A_308 = arith.index_cast %parallel_loop3A_15 : i32 to index
      %parallel_loop3A_309 = arith.constant 240 : index
      %parallel_loop3A_310 = tpu.vector_load %arg12[%parallel_loop3A_308, %parallel_loop3A_309] {strides = array<i32>} : memref<64x768xf32, #tpu.memory_space<vmem>>, vector<1x16xf32>,
      %parallel_loop3A_311 = vector.shape_cast %parallel_loop3A_310 : vector<1x16xf32> to vector<16xf32>
      %parallel_loop3A_312 = vector.shape_cast %parallel_loop3A_307 : vector<16xf32> to vector<1x16xf32>
      tpu.vector_store %arg12[%parallel_loop3A_308, %parallel_loop3A_309], %parallel_loop3A_312 {strides = array<i32>} : memref<64x768xf32, #tpu.memory_space<vmem>>, vector<1x16xf32>,
      %parallel_loop3A_313 = arith.index_cast %parallel_loop3A_15 : i32 to index
      %parallel_loop3A_314 = arith.constant 256 : index
      %parallel_loop3A_315 = tpu.vector_load %arg12[%parallel_loop3A_313, %parallel_loop3A_314] {strides = array<i32>} : memref<64x768xf32, #tpu.memory_space<vmem>>, vector<1x16xf32>,
      %parallel_loop3A_316 = vector.shape_cast %parallel_loop3A_315 : vector<1x16xf32> to vector<16xf32>
      %parallel_loop3A_317 = arith.mulf %parallel_loop3A_316, %parallel_loop3A_49 : vector<16xf32>
      %parallel_loop3A_318 = arith.index_cast %parallel_loop3A_15 : i32 to index
      %parallel_loop3A_319 = arith.constant 256 : index
      %parallel_loop3A_320 = tpu.vector_load %arg13[%parallel_loop3A_318, %parallel_loop3A_319] {strides = array<i32>} : memref<64x768xf32, #tpu.memory_space<vmem>>, vector<1x16xf32>,
      %parallel_loop3A_321 = vector.shape_cast %parallel_loop3A_320 : vector<1x16xf32> to vector<16xf32>
      %parallel_loop3A_322 = arith.mulf %parallel_loop3A_321, %parallel_loop3A_56 : vector<16xf32>
      %parallel_loop3A_323 = arith.addf %parallel_loop3A_317, %parallel_loop3A_322 : vector<16xf32>
      %parallel_loop3A_324 = arith.index_cast %parallel_loop3A_15 : i32 to index
      %parallel_loop3A_325 = arith.constant 256 : index
      %parallel_loop3A_326 = tpu.vector_load %arg12[%parallel_loop3A_324, %parallel_loop3A_325] {strides = array<i32>} : memref<64x768xf32, #tpu.memory_space<vmem>>, vector<1x16xf32>,
      %parallel_loop3A_327 = vector.shape_cast %parallel_loop3A_326 : vector<1x16xf32> to vector<16xf32>
      %parallel_loop3A_328 = vector.shape_cast %parallel_loop3A_323 : vector<16xf32> to vector<1x16xf32>
      tpu.vector_store %arg12[%parallel_loop3A_324, %parallel_loop3A_325], %parallel_loop3A_328 {strides = array<i32>} : memref<64x768xf32, #tpu.memory_space<vmem>>, vector<1x16xf32>,
      %parallel_loop3A_329 = arith.index_cast %parallel_loop3A_15 : i32 to index
      %parallel_loop3A_330 = arith.constant 272 : index
      %parallel_loop3A_331 = tpu.vector_load %arg12[%parallel_loop3A_329, %parallel_loop3A_330] {strides = array<i32>} : memref<64x768xf32, #tpu.memory_space<vmem>>, vector<1x16xf32>,
      %parallel_loop3A_332 = vector.shape_cast %parallel_loop3A_331 : vector<1x16xf32> to vector<16xf32>
      %parallel_loop3A_333 = arith.mulf %parallel_loop3A_332, %parallel_loop3A_49 : vector<16xf32>
      %parallel_loop3A_334 = arith.index_cast %parallel_loop3A_15 : i32 to index
      %parallel_loop3A_335 = arith.constant 272 : index
      %parallel_loop3A_336 = tpu.vector_load %arg13[%parallel_loop3A_334, %parallel_loop3A_335] {strides = array<i32>} : memref<64x768xf32, #tpu.memory_space<vmem>>, vector<1x16xf32>,
      %parallel_loop3A_337 = vector.shape_cast %parallel_loop3A_336 : vector<1x16xf32> to vector<16xf32>
      %parallel_loop3A_338 = arith.mulf %parallel_loop3A_337, %parallel_loop3A_56 : vector<16xf32>
      %parallel_loop3A_339 = arith.addf %parallel_loop3A_333, %parallel_loop3A_338 : vector<16xf32>
      %parallel_loop3A_340 = arith.index_cast %parallel_loop3A_15 : i32 to index
      %parallel_loop3A_341 = arith.constant 272 : index
      %parallel_loop3A_342 = tpu.vector_load %arg12[%parallel_loop3A_340, %parallel_loop3A_341] {strides = array<i32>} : memref<64x768xf32, #tpu.memory_space<vmem>>, vector<1x16xf32>,
      %parallel_loop3A_343 = vector.shape_cast %parallel_loop3A_342 : vector<1x16xf32> to vector<16xf32>
      %parallel_loop3A_344 = vector.shape_cast %parallel_loop3A_339 : vector<16xf32> to vector<1x16xf32>
      tpu.vector_store %arg12[%parallel_loop3A_340, %parallel_loop3A_341], %parallel_loop3A_344 {strides = array<i32>} : memref<64x768xf32, #tpu.memory_space<vmem>>, vector<1x16xf32>,
      %parallel_loop3A_345 = arith.index_cast %parallel_loop3A_15 : i32 to index
      %parallel_loop3A_346 = arith.constant 288 : index
      %parallel_loop3A_347 = tpu.vector_load %arg12[%parallel_loop3A_345, %parallel_loop3A_346] {strides = array<i32>} : memref<64x768xf32, #tpu.memory_space<vmem>>, vector<1x16xf32>,
      %parallel_loop3A_348 = vector.shape_cast %parallel_loop3A_347 : vector<1x16xf32> to vector<16xf32>
      %parallel_loop3A_349 = arith.mulf %parallel_loop3A_348, %parallel_loop3A_49 : vector<16xf32>
      %parallel_loop3A_350 = arith.index_cast %parallel_loop3A_15 : i32 to index
      %parallel_loop3A_351 = arith.constant 288 : index
      %parallel_loop3A_352 = tpu.vector_load %arg13[%parallel_loop3A_350, %parallel_loop3A_351] {strides = array<i32>} : memref<64x768xf32, #tpu.memory_space<vmem>>, vector<1x16xf32>,
      %parallel_loop3A_353 = vector.shape_cast %parallel_loop3A_352 : vector<1x16xf32> to vector<16xf32>
      %parallel_loop3A_354 = arith.mulf %parallel_loop3A_353, %parallel_loop3A_56 : vector<16xf32>
      %parallel_loop3A_355 = arith.addf %parallel_loop3A_349, %parallel_loop3A_354 : vector<16xf32>
      %parallel_loop3A_356 = arith.index_cast %parallel_loop3A_15 : i32 to index
      %parallel_loop3A_357 = arith.constant 288 : index
      %parallel_loop3A_358 = tpu.vector_load %arg12[%parallel_loop3A_356, %parallel_loop3A_357] {strides = array<i32>} : memref<64x768xf32, #tpu.memory_space<vmem>>, vector<1x16xf32>,
      %parallel_loop3A_359 = vector.shape_cast %parallel_loop3A_358 : vector<1x16xf32> to vector<16xf32>
      %parallel_loop3A_360 = vector.shape_cast %parallel_loop3A_355 : vector<16xf32> to vector<1x16xf32>
      tpu.vector_store %arg12[%parallel_loop3A_356, %parallel_loop3A_357], %parallel_loop3A_360 {strides = array<i32>} : memref<64x768xf32, #tpu.memory_space<vmem>>, vector<1x16xf32>,
      %parallel_loop3A_361 = arith.index_cast %parallel_loop3A_15 : i32 to index
      %parallel_loop3A_362 = arith.constant 304 : index
      %parallel_loop3A_363 = tpu.vector_load %arg12[%parallel_loop3A_361, %parallel_loop3A_362] {strides = array<i32>} : memref<64x768xf32, #tpu.memory_space<vmem>>, vector<1x16xf32>,
      %parallel_loop3A_364 = vector.shape_cast %parallel_loop3A_363 : vector<1x16xf32> to vector<16xf32>
      %parallel_loop3A_365 = arith.mulf %parallel_loop3A_364, %parallel_loop3A_49 : vector<16xf32>
      %parallel_loop3A_366 = arith.index_cast %parallel_loop3A_15 : i32 to index
      %parallel_loop3A_367 = arith.constant 304 : index
      %parallel_loop3A_368 = tpu.vector_load %arg13[%parallel_loop3A_366, %parallel_loop3A_367] {strides = array<i32>} : memref<64x768xf32, #tpu.memory_space<vmem>>, vector<1x16xf32>,
      %parallel_loop3A_369 = vector.shape_cast %parallel_loop3A_368 : vector<1x16xf32> to vector<16xf32>
      %parallel_loop3A_370 = arith.mulf %parallel_loop3A_369, %parallel_loop3A_56 : vector<16xf32>
      %parallel_loop3A_371 = arith.addf %parallel_loop3A_365, %parallel_loop3A_370 : vector<16xf32>
      %parallel_loop3A_372 = arith.index_cast %parallel_loop3A_15 : i32 to index
      %parallel_loop3A_373 = arith.constant 304 : index
      %parallel_loop3A_374 = tpu.vector_load %arg12[%parallel_loop3A_372, %parallel_loop3A_373] {strides = array<i32>} : memref<64x768xf32, #tpu.memory_space<vmem>>, vector<1x16xf32>,
      %parallel_loop3A_375 = vector.shape_cast %parallel_loop3A_374 : vector<1x16xf32> to vector<16xf32>
      %parallel_loop3A_376 = vector.shape_cast %parallel_loop3A_371 : vector<16xf32> to vector<1x16xf32>
      tpu.vector_store %arg12[%parallel_loop3A_372, %parallel_loop3A_373], %parallel_loop3A_376 {strides = array<i32>} : memref<64x768xf32, #tpu.memory_space<vmem>>, vector<1x16xf32>,
      %parallel_loop3A_377 = arith.index_cast %parallel_loop3A_15 : i32 to index
      %parallel_loop3A_378 = arith.constant 320 : index
      %parallel_loop3A_379 = tpu.vector_load %arg12[%parallel_loop3A_377, %parallel_loop3A_378] {strides = array<i32>} : memref<64x768xf32, #tpu.memory_space<vmem>>, vector<1x16xf32>,
      %parallel_loop3A_380 = vector.shape_cast %parallel_loop3A_379 : vector<1x16xf32> to vector<16xf32>
      %parallel_loop3A_381 = arith.mulf %parallel_loop3A_380, %parallel_loop3A_49 : vector<16xf32>
      %parallel_loop3A_382 = arith.index_cast %parallel_loop3A_15 : i32 to index
      %parallel_loop3A_383 = arith.constant 320 : index
      %parallel_loop3A_384 = tpu.vector_load %arg13[%parallel_loop3A_382, %parallel_loop3A_383] {strides = array<i32>} : memref<64x768xf32, #tpu.memory_space<vmem>>, vector<1x16xf32>,
      %parallel_loop3A_385 = vector.shape_cast %parallel_loop3A_384 : vector<1x16xf32> to vector<16xf32>
      %parallel_loop3A_386 = arith.mulf %parallel_loop3A_385, %parallel_loop3A_56 : vector<16xf32>
      %parallel_loop3A_387 = arith.addf %parallel_loop3A_381, %parallel_loop3A_386 : vector<16xf32>
      %parallel_loop3A_388 = arith.index_cast %parallel_loop3A_15 : i32 to index
      %parallel_loop3A_389 = arith.constant 320 : index
      %parallel_loop3A_390 = tpu.vector_load %arg12[%parallel_loop3A_388, %parallel_loop3A_389] {strides = array<i32>} : memref<64x768xf32, #tpu.memory_space<vmem>>, vector<1x16xf32>,
      %parallel_loop3A_391 = vector.shape_cast %parallel_loop3A_390 : vector<1x16xf32> to vector<16xf32>
      %parallel_loop3A_392 = vector.shape_cast %parallel_loop3A_387 : vector<16xf32> to vector<1x16xf32>
      tpu.vector_store %arg12[%parallel_loop3A_388, %parallel_loop3A_389], %parallel_loop3A_392 {strides = array<i32>} : memref<64x768xf32, #tpu.memory_space<vmem>>, vector<1x16xf32>,
      %parallel_loop3A_393 = arith.index_cast %parallel_loop3A_15 : i32 to index
      %parallel_loop3A_394 = arith.constant 336 : index
      %parallel_loop3A_395 = tpu.vector_load %arg12[%parallel_loop3A_393, %parallel_loop3A_394] {strides = array<i32>} : memref<64x768xf32, #tpu.memory_space<vmem>>, vector<1x16xf32>,
      %parallel_loop3A_396 = vector.shape_cast %parallel_loop3A_395 : vector<1x16xf32> to vector<16xf32>
      %parallel_loop3A_397 = arith.mulf %parallel_loop3A_396, %parallel_loop3A_49 : vector<16xf32>
      %parallel_loop3A_398 = arith.index_cast %parallel_loop3A_15 : i32 to index
      %parallel_loop3A_399 = arith.constant 336 : index
      %parallel_loop3A_400 = tpu.vector_load %arg13[%parallel_loop3A_398, %parallel_loop3A_399] {strides = array<i32>} : memref<64x768xf32, #tpu.memory_space<vmem>>, vector<1x16xf32>,
      %parallel_loop3A_401 = vector.shape_cast %parallel_loop3A_400 : vector<1x16xf32> to vector<16xf32>
      %parallel_loop3A_402 = arith.mulf %parallel_loop3A_401, %parallel_loop3A_56 : vector<16xf32>
      %parallel_loop3A_403 = arith.addf %parallel_loop3A_397, %parallel_loop3A_402 : vector<16xf32>
      %parallel_loop3A_404 = arith.index_cast %parallel_loop3A_15 : i32 to index
      %parallel_loop3A_405 = arith.constant 336 : index
      %parallel_loop3A_406 = tpu.vector_load %arg12[%parallel_loop3A_404, %parallel_loop3A_405] {strides = array<i32>} : memref<64x768xf32, #tpu.memory_space<vmem>>, vector<1x16xf32>,
      %parallel_loop3A_407 = vector.shape_cast %parallel_loop3A_406 : vector<1x16xf32> to vector<16xf32>
      %parallel_loop3A_408 = vector.shape_cast %parallel_loop3A_403 : vector<16xf32> to vector<1x16xf32>
      tpu.vector_store %arg12[%parallel_loop3A_404, %parallel_loop3A_405], %parallel_loop3A_408 {strides = array<i32>} : memref<64x768xf32, #tpu.memory_space<vmem>>, vector<1x16xf32>,
      %parallel_loop3A_409 = arith.index_cast %parallel_loop3A_15 : i32 to index
      %parallel_loop3A_410 = arith.constant 352 : index
      %parallel_loop3A_411 = tpu.vector_load %arg12[%parallel_loop3A_409, %parallel_loop3A_410] {strides = array<i32>} : memref<64x768xf32, #tpu.memory_space<vmem>>, vector<1x16xf32>,
      %parallel_loop3A_412 = vector.shape_cast %parallel_loop3A_411 : vector<1x16xf32> to vector<16xf32>
      %parallel_loop3A_413 = arith.mulf %parallel_loop3A_412, %parallel_loop3A_49 : vector<16xf32>
      %parallel_loop3A_414 = arith.index_cast %parallel_loop3A_15 : i32 to index
      %parallel_loop3A_415 = arith.constant 352 : index
      %parallel_loop3A_416 = tpu.vector_load %arg13[%parallel_loop3A_414, %parallel_loop3A_415] {strides = array<i32>} : memref<64x768xf32, #tpu.memory_space<vmem>>, vector<1x16xf32>,
      %parallel_loop3A_417 = vector.shape_cast %parallel_loop3A_416 : vector<1x16xf32> to vector<16xf32>
      %parallel_loop3A_418 = arith.mulf %parallel_loop3A_417, %parallel_loop3A_56 : vector<16xf32>
      %parallel_loop3A_419 = arith.addf %parallel_loop3A_413, %parallel_loop3A_418 : vector<16xf32>
      %parallel_loop3A_420 = arith.index_cast %parallel_loop3A_15 : i32 to index
      %parallel_loop3A_421 = arith.constant 352 : index
      %parallel_loop3A_422 = tpu.vector_load %arg12[%parallel_loop3A_420, %parallel_loop3A_421] {strides = array<i32>} : memref<64x768xf32, #tpu.memory_space<vmem>>, vector<1x16xf32>,
      %parallel_loop3A_423 = vector.shape_cast %parallel_loop3A_422 : vector<1x16xf32> to vector<16xf32>
      %parallel_loop3A_424 = vector.shape_cast %parallel_loop3A_419 : vector<16xf32> to vector<1x16xf32>
      tpu.vector_store %arg12[%parallel_loop3A_420, %parallel_loop3A_421], %parallel_loop3A_424 {strides = array<i32>} : memref<64x768xf32, #tpu.memory_space<vmem>>, vector<1x16xf32>,
      %parallel_loop3A_425 = arith.index_cast %parallel_loop3A_15 : i32 to index
      %parallel_loop3A_426 = arith.constant 368 : index
      %parallel_loop3A_427 = tpu.vector_load %arg12[%parallel_loop3A_425, %parallel_loop3A_426] {strides = array<i32>} : memref<64x768xf32, #tpu.memory_space<vmem>>, vector<1x16xf32>,
      %parallel_loop3A_428 = vector.shape_cast %parallel_loop3A_427 : vector<1x16xf32> to vector<16xf32>
      %parallel_loop3A_429 = arith.mulf %parallel_loop3A_428, %parallel_loop3A_49 : vector<16xf32>
      %parallel_loop3A_430 = arith.index_cast %parallel_loop3A_15 : i32 to index
      %parallel_loop3A_431 = arith.constant 368 : index
      %parallel_loop3A_432 = tpu.vector_load %arg13[%parallel_loop3A_430, %parallel_loop3A_431] {strides = array<i32>} : memref<64x768xf32, #tpu.memory_space<vmem>>, vector<1x16xf32>,
      %parallel_loop3A_433 = vector.shape_cast %parallel_loop3A_432 : vector<1x16xf32> to vector<16xf32>
      %parallel_loop3A_434 = arith.mulf %parallel_loop3A_433, %parallel_loop3A_56 : vector<16xf32>
      %parallel_loop3A_435 = arith.addf %parallel_loop3A_429, %parallel_loop3A_434 : vector<16xf32>
      %parallel_loop3A_436 = arith.index_cast %parallel_loop3A_15 : i32 to index
      %parallel_loop3A_437 = arith.constant 368 : index
      %parallel_loop3A_438 = tpu.vector_load %arg12[%parallel_loop3A_436, %parallel_loop3A_437] {strides = array<i32>} : memref<64x768xf32, #tpu.memory_space<vmem>>, vector<1x16xf32>,
      %parallel_loop3A_439 = vector.shape_cast %parallel_loop3A_438 : vector<1x16xf32> to vector<16xf32>
      %parallel_loop3A_440 = vector.shape_cast %parallel_loop3A_435 : vector<16xf32> to vector<1x16xf32>
      tpu.vector_store %arg12[%parallel_loop3A_436, %parallel_loop3A_437], %parallel_loop3A_440 {strides = array<i32>} : memref<64x768xf32, #tpu.memory_space<vmem>>, vector<1x16xf32>,
      %parallel_loop3A_441 = arith.index_cast %parallel_loop3A_15 : i32 to index
      %parallel_loop3A_442 = arith.constant 384 : index
      %parallel_loop3A_443 = tpu.vector_load %arg12[%parallel_loop3A_441, %parallel_loop3A_442] {strides = array<i32>} : memref<64x768xf32, #tpu.memory_space<vmem>>, vector<1x16xf32>,
      %parallel_loop3A_444 = vector.shape_cast %parallel_loop3A_443 : vector<1x16xf32> to vector<16xf32>
      %parallel_loop3A_445 = arith.mulf %parallel_loop3A_444, %parallel_loop3A_49 : vector<16xf32>
      %parallel_loop3A_446 = arith.index_cast %parallel_loop3A_15 : i32 to index
      %parallel_loop3A_447 = arith.constant 384 : index
      %parallel_loop3A_448 = tpu.vector_load %arg13[%parallel_loop3A_446, %parallel_loop3A_447] {strides = array<i32>} : memref<64x768xf32, #tpu.memory_space<vmem>>, vector<1x16xf32>,
      %parallel_loop3A_449 = vector.shape_cast %parallel_loop3A_448 : vector<1x16xf32> to vector<16xf32>
      %parallel_loop3A_450 = arith.mulf %parallel_loop3A_449, %parallel_loop3A_56 : vector<16xf32>
      %parallel_loop3A_451 = arith.addf %parallel_loop3A_445, %parallel_loop3A_450 : vector<16xf32>
      %parallel_loop3A_452 = arith.index_cast %parallel_loop3A_15 : i32 to index
      %parallel_loop3A_453 = arith.constant 384 : index
      %parallel_loop3A_454 = tpu.vector_load %arg12[%parallel_loop3A_452, %parallel_loop3A_453] {strides = array<i32>} : memref<64x768xf32, #tpu.memory_space<vmem>>, vector<1x16xf32>,
      %parallel_loop3A_455 = vector.shape_cast %parallel_loop3A_454 : vector<1x16xf32> to vector<16xf32>
      %parallel_loop3A_456 = vector.shape_cast %parallel_loop3A_451 : vector<16xf32> to vector<1x16xf32>
      tpu.vector_store %arg12[%parallel_loop3A_452, %parallel_loop3A_453], %parallel_loop3A_456 {strides = array<i32>} : memref<64x768xf32, #tpu.memory_space<vmem>>, vector<1x16xf32>,
      %parallel_loop3A_457 = arith.index_cast %parallel_loop3A_15 : i32 to index
      %parallel_loop3A_458 = arith.constant 400 : index
      %parallel_loop3A_459 = tpu.vector_load %arg12[%parallel_loop3A_457, %parallel_loop3A_458] {strides = array<i32>} : memref<64x768xf32, #tpu.memory_space<vmem>>, vector<1x16xf32>,
      %parallel_loop3A_460 = vector.shape_cast %parallel_loop3A_459 : vector<1x16xf32> to vector<16xf32>
      %parallel_loop3A_461 = arith.mulf %parallel_loop3A_460, %parallel_loop3A_49 : vector<16xf32>
      %parallel_loop3A_462 = arith.index_cast %parallel_loop3A_15 : i32 to index
      %parallel_loop3A_463 = arith.constant 400 : index
      %parallel_loop3A_464 = tpu.vector_load %arg13[%parallel_loop3A_462, %parallel_loop3A_463] {strides = array<i32>} : memref<64x768xf32, #tpu.memory_space<vmem>>, vector<1x16xf32>,
      %parallel_loop3A_465 = vector.shape_cast %parallel_loop3A_464 : vector<1x16xf32> to vector<16xf32>
      %parallel_loop3A_466 = arith.mulf %parallel_loop3A_465, %parallel_loop3A_56 : vector<16xf32>
      %parallel_loop3A_467 = arith.addf %parallel_loop3A_461, %parallel_loop3A_466 : vector<16xf32>
      %parallel_loop3A_468 = arith.index_cast %parallel_loop3A_15 : i32 to index
      %parallel_loop3A_469 = arith.constant 400 : index
      %parallel_loop3A_470 = tpu.vector_load %arg12[%parallel_loop3A_468, %parallel_loop3A_469] {strides = array<i32>} : memref<64x768xf32, #tpu.memory_space<vmem>>, vector<1x16xf32>,
      %parallel_loop3A_471 = vector.shape_cast %parallel_loop3A_470 : vector<1x16xf32> to vector<16xf32>
      %parallel_loop3A_472 = vector.shape_cast %parallel_loop3A_467 : vector<16xf32> to vector<1x16xf32>
      tpu.vector_store %arg12[%parallel_loop3A_468, %parallel_loop3A_469], %parallel_loop3A_472 {strides = array<i32>} : memref<64x768xf32, #tpu.memory_space<vmem>>, vector<1x16xf32>,
      %parallel_loop3A_473 = arith.index_cast %parallel_loop3A_15 : i32 to index
      %parallel_loop3A_474 = arith.constant 416 : index
      %parallel_loop3A_475 = tpu.vector_load %arg12[%parallel_loop3A_473, %parallel_loop3A_474] {strides = array<i32>} : memref<64x768xf32, #tpu.memory_space<vmem>>, vector<1x16xf32>,
      %parallel_loop3A_476 = vector.shape_cast %parallel_loop3A_475 : vector<1x16xf32> to vector<16xf32>
      %parallel_loop3A_477 = arith.mulf %parallel_loop3A_476, %parallel_loop3A_49 : vector<16xf32>
      %parallel_loop3A_478 = arith.index_cast %parallel_loop3A_15 : i32 to index
      %parallel_loop3A_479 = arith.constant 416 : index
      %parallel_loop3A_480 = tpu.vector_load %arg13[%parallel_loop3A_478, %parallel_loop3A_479] {strides = array<i32>} : memref<64x768xf32, #tpu.memory_space<vmem>>, vector<1x16xf32>,
      %parallel_loop3A_481 = vector.shape_cast %parallel_loop3A_480 : vector<1x16xf32> to vector<16xf32>
      %parallel_loop3A_482 = arith.mulf %parallel_loop3A_481, %parallel_loop3A_56 : vector<16xf32>
      %parallel_loop3A_483 = arith.addf %parallel_loop3A_477, %parallel_loop3A_482 : vector<16xf32>
      %parallel_loop3A_484 = arith.index_cast %parallel_loop3A_15 : i32 to index
      %parallel_loop3A_485 = arith.constant 416 : index
      %parallel_loop3A_486 = tpu.vector_load %arg12[%parallel_loop3A_484, %parallel_loop3A_485] {strides = array<i32>} : memref<64x768xf32, #tpu.memory_space<vmem>>, vector<1x16xf32>,
      %parallel_loop3A_487 = vector.shape_cast %parallel_loop3A_486 : vector<1x16xf32> to vector<16xf32>
      %parallel_loop3A_488 = vector.shape_cast %parallel_loop3A_483 : vector<16xf32> to vector<1x16xf32>
      tpu.vector_store %arg12[%parallel_loop3A_484, %parallel_loop3A_485], %parallel_loop3A_488 {strides = array<i32>} : memref<64x768xf32, #tpu.memory_space<vmem>>, vector<1x16xf32>,
      %parallel_loop3A_489 = arith.index_cast %parallel_loop3A_15 : i32 to index
      %parallel_loop3A_490 = arith.constant 432 : index
      %parallel_loop3A_491 = tpu.vector_load %arg12[%parallel_loop3A_489, %parallel_loop3A_490] {strides = array<i32>} : memref<64x768xf32, #tpu.memory_space<vmem>>, vector<1x16xf32>,
      %parallel_loop3A_492 = vector.shape_cast %parallel_loop3A_491 : vector<1x16xf32> to vector<16xf32>
      %parallel_loop3A_493 = arith.mulf %parallel_loop3A_492, %parallel_loop3A_49 : vector<16xf32>
      %parallel_loop3A_494 = arith.index_cast %parallel_loop3A_15 : i32 to index
      %parallel_loop3A_495 = arith.constant 432 : index
      %parallel_loop3A_496 = tpu.vector_load %arg13[%parallel_loop3A_494, %parallel_loop3A_495] {strides = array<i32>} : memref<64x768xf32, #tpu.memory_space<vmem>>, vector<1x16xf32>,
      %parallel_loop3A_497 = vector.shape_cast %parallel_loop3A_496 : vector<1x16xf32> to vector<16xf32>
      %parallel_loop3A_498 = arith.mulf %parallel_loop3A_497, %parallel_loop3A_56 : vector<16xf32>
      %parallel_loop3A_499 = arith.addf %parallel_loop3A_493, %parallel_loop3A_498 : vector<16xf32>
      %parallel_loop3A_500 = arith.index_cast %parallel_loop3A_15 : i32 to index
      %parallel_loop3A_501 = arith.constant 432 : index
      %parallel_loop3A_502 = tpu.vector_load %arg12[%parallel_loop3A_500, %parallel_loop3A_501] {strides = array<i32>} : memref<64x768xf32, #tpu.memory_space<vmem>>, vector<1x16xf32>,
      %parallel_loop3A_503 = vector.shape_cast %parallel_loop3A_502 : vector<1x16xf32> to vector<16xf32>
      %parallel_loop3A_504 = vector.shape_cast %parallel_loop3A_499 : vector<16xf32> to vector<1x16xf32>
      tpu.vector_store %arg12[%parallel_loop3A_500, %parallel_loop3A_501], %parallel_loop3A_504 {strides = array<i32>} : memref<64x768xf32, #tpu.memory_space<vmem>>, vector<1x16xf32>,
      %parallel_loop3A_505 = arith.index_cast %parallel_loop3A_15 : i32 to index
      %parallel_loop3A_506 = arith.constant 448 : index
      %parallel_loop3A_507 = tpu.vector_load %arg12[%parallel_loop3A_505, %parallel_loop3A_506] {strides = array<i32>} : memref<64x768xf32, #tpu.memory_space<vmem>>, vector<1x16xf32>,
      %parallel_loop3A_508 = vector.shape_cast %parallel_loop3A_507 : vector<1x16xf32> to vector<16xf32>
      %parallel_loop3A_509 = arith.mulf %parallel_loop3A_508, %parallel_loop3A_49 : vector<16xf32>
      %parallel_loop3A_510 = arith.index_cast %parallel_loop3A_15 : i32 to index
      %parallel_loop3A_511 = arith.constant 448 : index
      %parallel_loop3A_512 = tpu.vector_load %arg13[%parallel_loop3A_510, %parallel_loop3A_511] {strides = array<i32>} : memref<64x768xf32, #tpu.memory_space<vmem>>, vector<1x16xf32>,
      %parallel_loop3A_513 = vector.shape_cast %parallel_loop3A_512 : vector<1x16xf32> to vector<16xf32>
      %parallel_loop3A_514 = arith.mulf %parallel_loop3A_513, %parallel_loop3A_56 : vector<16xf32>
      %parallel_loop3A_515 = arith.addf %parallel_loop3A_509, %parallel_loop3A_514 : vector<16xf32>
      %parallel_loop3A_516 = arith.index_cast %parallel_loop3A_15 : i32 to index
      %parallel_loop3A_517 = arith.constant 448 : index
      %parallel_loop3A_518 = tpu.vector_load %arg12[%parallel_loop3A_516, %parallel_loop3A_517] {strides = array<i32>} : memref<64x768xf32, #tpu.memory_space<vmem>>, vector<1x16xf32>,
      %parallel_loop3A_519 = vector.shape_cast %parallel_loop3A_518 : vector<1x16xf32> to vector<16xf32>
      %parallel_loop3A_520 = vector.shape_cast %parallel_loop3A_515 : vector<16xf32> to vector<1x16xf32>
      tpu.vector_store %arg12[%parallel_loop3A_516, %parallel_loop3A_517], %parallel_loop3A_520 {strides = array<i32>} : memref<64x768xf32, #tpu.memory_space<vmem>>, vector<1x16xf32>,
      %parallel_loop3A_521 = arith.index_cast %parallel_loop3A_15 : i32 to index
      %parallel_loop3A_522 = arith.constant 464 : index
      %parallel_loop3A_523 = tpu.vector_load %arg12[%parallel_loop3A_521, %parallel_loop3A_522] {strides = array<i32>} : memref<64x768xf32, #tpu.memory_space<vmem>>, vector<1x16xf32>,
      %parallel_loop3A_524 = vector.shape_cast %parallel_loop3A_523 : vector<1x16xf32> to vector<16xf32>
      %parallel_loop3A_525 = arith.mulf %parallel_loop3A_524, %parallel_loop3A_49 : vector<16xf32>
      %parallel_loop3A_526 = arith.index_cast %parallel_loop3A_15 : i32 to index
      %parallel_loop3A_527 = arith.constant 464 : index
      %parallel_loop3A_528 = tpu.vector_load %arg13[%parallel_loop3A_526, %parallel_loop3A_527] {strides = array<i32>} : memref<64x768xf32, #tpu.memory_space<vmem>>, vector<1x16xf32>,
      %parallel_loop3A_529 = vector.shape_cast %parallel_loop3A_528 : vector<1x16xf32> to vector<16xf32>
      %parallel_loop3A_530 = arith.mulf %parallel_loop3A_529, %parallel_loop3A_56 : vector<16xf32>
      %parallel_loop3A_531 = arith.addf %parallel_loop3A_525, %parallel_loop3A_530 : vector<16xf32>
      %parallel_loop3A_532 = arith.index_cast %parallel_loop3A_15 : i32 to index
      %parallel_loop3A_533 = arith.constant 464 : index
      %parallel_loop3A_534 = tpu.vector_load %arg12[%parallel_loop3A_532, %parallel_loop3A_533] {strides = array<i32>} : memref<64x768xf32, #tpu.memory_space<vmem>>, vector<1x16xf32>,
      %parallel_loop3A_535 = vector.shape_cast %parallel_loop3A_534 : vector<1x16xf32> to vector<16xf32>
      %parallel_loop3A_536 = vector.shape_cast %parallel_loop3A_531 : vector<16xf32> to vector<1x16xf32>
      tpu.vector_store %arg12[%parallel_loop3A_532, %parallel_loop3A_533], %parallel_loop3A_536 {strides = array<i32>} : memref<64x768xf32, #tpu.memory_space<vmem>>, vector<1x16xf32>,
      %parallel_loop3A_537 = arith.index_cast %parallel_loop3A_15 : i32 to index
      %parallel_loop3A_538 = arith.constant 480 : index
      %parallel_loop3A_539 = tpu.vector_load %arg12[%parallel_loop3A_537, %parallel_loop3A_538] {strides = array<i32>} : memref<64x768xf32, #tpu.memory_space<vmem>>, vector<1x16xf32>,
      %parallel_loop3A_540 = vector.shape_cast %parallel_loop3A_539 : vector<1x16xf32> to vector<16xf32>
      %parallel_loop3A_541 = arith.mulf %parallel_loop3A_540, %parallel_loop3A_49 : vector<16xf32>
      %parallel_loop3A_542 = arith.index_cast %parallel_loop3A_15 : i32 to index
      %parallel_loop3A_543 = arith.constant 480 : index
      %parallel_loop3A_544 = tpu.vector_load %arg13[%parallel_loop3A_542, %parallel_loop3A_543] {strides = array<i32>} : memref<64x768xf32, #tpu.memory_space<vmem>>, vector<1x16xf32>,
      %parallel_loop3A_545 = vector.shape_cast %parallel_loop3A_544 : vector<1x16xf32> to vector<16xf32>
      %parallel_loop3A_546 = arith.mulf %parallel_loop3A_545, %parallel_loop3A_56 : vector<16xf32>
      %parallel_loop3A_547 = arith.addf %parallel_loop3A_541, %parallel_loop3A_546 : vector<16xf32>
      %parallel_loop3A_548 = arith.index_cast %parallel_loop3A_15 : i32 to index
      %parallel_loop3A_549 = arith.constant 480 : index
      %parallel_loop3A_550 = tpu.vector_load %arg12[%parallel_loop3A_548, %parallel_loop3A_549] {strides = array<i32>} : memref<64x768xf32, #tpu.memory_space<vmem>>, vector<1x16xf32>,
      %parallel_loop3A_551 = vector.shape_cast %parallel_loop3A_550 : vector<1x16xf32> to vector<16xf32>
      %parallel_loop3A_552 = vector.shape_cast %parallel_loop3A_547 : vector<16xf32> to vector<1x16xf32>
      tpu.vector_store %arg12[%parallel_loop3A_548, %parallel_loop3A_549], %parallel_loop3A_552 {strides = array<i32>} : memref<64x768xf32, #tpu.memory_space<vmem>>, vector<1x16xf32>,
      %parallel_loop3A_553 = arith.index_cast %parallel_loop3A_15 : i32 to index
      %parallel_loop3A_554 = arith.constant 496 : index
      %parallel_loop3A_555 = tpu.vector_load %arg12[%parallel_loop3A_553, %parallel_loop3A_554] {strides = array<i32>} : memref<64x768xf32, #tpu.memory_space<vmem>>, vector<1x16xf32>,
      %parallel_loop3A_556 = vector.shape_cast %parallel_loop3A_555 : vector<1x16xf32> to vector<16xf32>
      %parallel_loop3A_557 = arith.mulf %parallel_loop3A_556, %parallel_loop3A_49 : vector<16xf32>
      %parallel_loop3A_558 = arith.index_cast %parallel_loop3A_15 : i32 to index
      %parallel_loop3A_559 = arith.constant 496 : index
      %parallel_loop3A_560 = tpu.vector_load %arg13[%parallel_loop3A_558, %parallel_loop3A_559] {strides = array<i32>} : memref<64x768xf32, #tpu.memory_space<vmem>>, vector<1x16xf32>,
      %parallel_loop3A_561 = vector.shape_cast %parallel_loop3A_560 : vector<1x16xf32> to vector<16xf32>
      %parallel_loop3A_562 = arith.mulf %parallel_loop3A_561, %parallel_loop3A_56 : vector<16xf32>
      %parallel_loop3A_563 = arith.addf %parallel_loop3A_557, %parallel_loop3A_562 : vector<16xf32>
      %parallel_loop3A_564 = arith.index_cast %parallel_loop3A_15 : i32 to index
      %parallel_loop3A_565 = arith.constant 496 : index
      %parallel_loop3A_566 = tpu.vector_load %arg12[%parallel_loop3A_564, %parallel_loop3A_565] {strides = array<i32>} : memref<64x768xf32, #tpu.memory_space<vmem>>, vector<1x16xf32>,
      %parallel_loop3A_567 = vector.shape_cast %parallel_loop3A_566 : vector<1x16xf32> to vector<16xf32>
      %parallel_loop3A_568 = vector.shape_cast %parallel_loop3A_563 : vector<16xf32> to vector<1x16xf32>
      tpu.vector_store %arg12[%parallel_loop3A_564, %parallel_loop3A_565], %parallel_loop3A_568 {strides = array<i32>} : memref<64x768xf32, #tpu.memory_space<vmem>>, vector<1x16xf32>,
      %parallel_loop3A_569 = arith.index_cast %parallel_loop3A_15 : i32 to index
      %parallel_loop3A_570 = arith.constant 512 : index
      %parallel_loop3A_571 = tpu.vector_load %arg12[%parallel_loop3A_569, %parallel_loop3A_570] {strides = array<i32>} : memref<64x768xf32, #tpu.memory_space<vmem>>, vector<1x16xf32>,
      %parallel_loop3A_572 = vector.shape_cast %parallel_loop3A_571 : vector<1x16xf32> to vector<16xf32>
      %parallel_loop3A_573 = arith.mulf %parallel_loop3A_572, %parallel_loop3A_49 : vector<16xf32>
      %parallel_loop3A_574 = arith.index_cast %parallel_loop3A_15 : i32 to index
      %parallel_loop3A_575 = arith.constant 512 : index
      %parallel_loop3A_576 = tpu.vector_load %arg13[%parallel_loop3A_574, %parallel_loop3A_575] {strides = array<i32>} : memref<64x768xf32, #tpu.memory_space<vmem>>, vector<1x16xf32>,
      %parallel_loop3A_577 = vector.shape_cast %parallel_loop3A_576 : vector<1x16xf32> to vector<16xf32>
      %parallel_loop3A_578 = arith.mulf %parallel_loop3A_577, %parallel_loop3A_56 : vector<16xf32>
      %parallel_loop3A_579 = arith.addf %parallel_loop3A_573, %parallel_loop3A_578 : vector<16xf32>
      %parallel_loop3A_580 = arith.index_cast %parallel_loop3A_15 : i32 to index
      %parallel_loop3A_581 = arith.constant 512 : index
      %parallel_loop3A_582 = tpu.vector_load %arg12[%parallel_loop3A_580, %parallel_loop3A_581] {strides = array<i32>} : memref<64x768xf32, #tpu.memory_space<vmem>>, vector<1x16xf32>,
      %parallel_loop3A_583 = vector.shape_cast %parallel_loop3A_582 : vector<1x16xf32> to vector<16xf32>
      %parallel_loop3A_584 = vector.shape_cast %parallel_loop3A_579 : vector<16xf32> to vector<1x16xf32>
      tpu.vector_store %arg12[%parallel_loop3A_580, %parallel_loop3A_581], %parallel_loop3A_584 {strides = array<i32>} : memref<64x768xf32, #tpu.memory_space<vmem>>, vector<1x16xf32>,
      %parallel_loop3A_585 = arith.index_cast %parallel_loop3A_15 : i32 to index
      %parallel_loop3A_586 = arith.constant 528 : index
      %parallel_loop3A_587 = tpu.vector_load %arg12[%parallel_loop3A_585, %parallel_loop3A_586] {strides = array<i32>} : memref<64x768xf32, #tpu.memory_space<vmem>>, vector<1x16xf32>,
      %parallel_loop3A_588 = vector.shape_cast %parallel_loop3A_587 : vector<1x16xf32> to vector<16xf32>
      %parallel_loop3A_589 = arith.mulf %parallel_loop3A_588, %parallel_loop3A_49 : vector<16xf32>
      %parallel_loop3A_590 = arith.index_cast %parallel_loop3A_15 : i32 to index
      %parallel_loop3A_591 = arith.constant 528 : index
      %parallel_loop3A_592 = tpu.vector_load %arg13[%parallel_loop3A_590, %parallel_loop3A_591] {strides = array<i32>} : memref<64x768xf32, #tpu.memory_space<vmem>>, vector<1x16xf32>,
      %parallel_loop3A_593 = vector.shape_cast %parallel_loop3A_592 : vector<1x16xf32> to vector<16xf32>
      %parallel_loop3A_594 = arith.mulf %parallel_loop3A_593, %parallel_loop3A_56 : vector<16xf32>
      %parallel_loop3A_595 = arith.addf %parallel_loop3A_589, %parallel_loop3A_594 : vector<16xf32>
      %parallel_loop3A_596 = arith.index_cast %parallel_loop3A_15 : i32 to index
      %parallel_loop3A_597 = arith.constant 528 : index
      %parallel_loop3A_598 = tpu.vector_load %arg12[%parallel_loop3A_596, %parallel_loop3A_597] {strides = array<i32>} : memref<64x768xf32, #tpu.memory_space<vmem>>, vector<1x16xf32>,
      %parallel_loop3A_599 = vector.shape_cast %parallel_loop3A_598 : vector<1x16xf32> to vector<16xf32>
      %parallel_loop3A_600 = vector.shape_cast %parallel_loop3A_595 : vector<16xf32> to vector<1x16xf32>
      tpu.vector_store %arg12[%parallel_loop3A_596, %parallel_loop3A_597], %parallel_loop3A_600 {strides = array<i32>} : memref<64x768xf32, #tpu.memory_space<vmem>>, vector<1x16xf32>,
      %parallel_loop3A_601 = arith.index_cast %parallel_loop3A_15 : i32 to index
      %parallel_loop3A_602 = arith.constant 544 : index
      %parallel_loop3A_603 = tpu.vector_load %arg12[%parallel_loop3A_601, %parallel_loop3A_602] {strides = array<i32>} : memref<64x768xf32, #tpu.memory_space<vmem>>, vector<1x16xf32>,
      %parallel_loop3A_604 = vector.shape_cast %parallel_loop3A_603 : vector<1x16xf32> to vector<16xf32>
      %parallel_loop3A_605 = arith.mulf %parallel_loop3A_604, %parallel_loop3A_49 : vector<16xf32>
      %parallel_loop3A_606 = arith.index_cast %parallel_loop3A_15 : i32 to index
      %parallel_loop3A_607 = arith.constant 544 : index
      %parallel_loop3A_608 = tpu.vector_load %arg13[%parallel_loop3A_606, %parallel_loop3A_607] {strides = array<i32>} : memref<64x768xf32, #tpu.memory_space<vmem>>, vector<1x16xf32>,
      %parallel_loop3A_609 = vector.shape_cast %parallel_loop3A_608 : vector<1x16xf32> to vector<16xf32>
      %parallel_loop3A_610 = arith.mulf %parallel_loop3A_609, %parallel_loop3A_56 : vector<16xf32>
      %parallel_loop3A_611 = arith.addf %parallel_loop3A_605, %parallel_loop3A_610 : vector<16xf32>
      %parallel_loop3A_612 = arith.index_cast %parallel_loop3A_15 : i32 to index
      %parallel_loop3A_613 = arith.constant 544 : index
      %parallel_loop3A_614 = tpu.vector_load %arg12[%parallel_loop3A_612, %parallel_loop3A_613] {strides = array<i32>} : memref<64x768xf32, #tpu.memory_space<vmem>>, vector<1x16xf32>,
      %parallel_loop3A_615 = vector.shape_cast %parallel_loop3A_614 : vector<1x16xf32> to vector<16xf32>
      %parallel_loop3A_616 = vector.shape_cast %parallel_loop3A_611 : vector<16xf32> to vector<1x16xf32>
      tpu.vector_store %arg12[%parallel_loop3A_612, %parallel_loop3A_613], %parallel_loop3A_616 {strides = array<i32>} : memref<64x768xf32, #tpu.memory_space<vmem>>, vector<1x16xf32>,
      %parallel_loop3A_617 = arith.index_cast %parallel_loop3A_15 : i32 to index
      %parallel_loop3A_618 = arith.constant 560 : index
      %parallel_loop3A_619 = tpu.vector_load %arg12[%parallel_loop3A_617, %parallel_loop3A_618] {strides = array<i32>} : memref<64x768xf32, #tpu.memory_space<vmem>>, vector<1x16xf32>,
      %parallel_loop3A_620 = vector.shape_cast %parallel_loop3A_619 : vector<1x16xf32> to vector<16xf32>
      %parallel_loop3A_621 = arith.mulf %parallel_loop3A_620, %parallel_loop3A_49 : vector<16xf32>
      %parallel_loop3A_622 = arith.index_cast %parallel_loop3A_15 : i32 to index
      %parallel_loop3A_623 = arith.constant 560 : index
      %parallel_loop3A_624 = tpu.vector_load %arg13[%parallel_loop3A_622, %parallel_loop3A_623] {strides = array<i32>} : memref<64x768xf32, #tpu.memory_space<vmem>>, vector<1x16xf32>,
      %parallel_loop3A_625 = vector.shape_cast %parallel_loop3A_624 : vector<1x16xf32> to vector<16xf32>
      %parallel_loop3A_626 = arith.mulf %parallel_loop3A_625, %parallel_loop3A_56 : vector<16xf32>
      %parallel_loop3A_627 = arith.addf %parallel_loop3A_621, %parallel_loop3A_626 : vector<16xf32>
      %parallel_loop3A_628 = arith.index_cast %parallel_loop3A_15 : i32 to index
      %parallel_loop3A_629 = arith.constant 560 : index
      %parallel_loop3A_630 = tpu.vector_load %arg12[%parallel_loop3A_628, %parallel_loop3A_629] {strides = array<i32>} : memref<64x768xf32, #tpu.memory_space<vmem>>, vector<1x16xf32>,
      %parallel_loop3A_631 = vector.shape_cast %parallel_loop3A_630 : vector<1x16xf32> to vector<16xf32>
      %parallel_loop3A_632 = vector.shape_cast %parallel_loop3A_627 : vector<16xf32> to vector<1x16xf32>
      tpu.vector_store %arg12[%parallel_loop3A_628, %parallel_loop3A_629], %parallel_loop3A_632 {strides = array<i32>} : memref<64x768xf32, #tpu.memory_space<vmem>>, vector<1x16xf32>,
      %parallel_loop3A_633 = arith.index_cast %parallel_loop3A_15 : i32 to index
      %parallel_loop3A_634 = arith.constant 576 : index
      %parallel_loop3A_635 = tpu.vector_load %arg12[%parallel_loop3A_633, %parallel_loop3A_634] {strides = array<i32>} : memref<64x768xf32, #tpu.memory_space<vmem>>, vector<1x16xf32>,
      %parallel_loop3A_636 = vector.shape_cast %parallel_loop3A_635 : vector<1x16xf32> to vector<16xf32>
      %parallel_loop3A_637 = arith.mulf %parallel_loop3A_636, %parallel_loop3A_49 : vector<16xf32>
      %parallel_loop3A_638 = arith.index_cast %parallel_loop3A_15 : i32 to index
      %parallel_loop3A_639 = arith.constant 576 : index
      %parallel_loop3A_640 = tpu.vector_load %arg13[%parallel_loop3A_638, %parallel_loop3A_639] {strides = array<i32>} : memref<64x768xf32, #tpu.memory_space<vmem>>, vector<1x16xf32>,
      %parallel_loop3A_641 = vector.shape_cast %parallel_loop3A_640 : vector<1x16xf32> to vector<16xf32>
      %parallel_loop3A_642 = arith.mulf %parallel_loop3A_641, %parallel_loop3A_56 : vector<16xf32>
      %parallel_loop3A_643 = arith.addf %parallel_loop3A_637, %parallel_loop3A_642 : vector<16xf32>
      %parallel_loop3A_644 = arith.index_cast %parallel_loop3A_15 : i32 to index
      %parallel_loop3A_645 = arith.constant 576 : index
      %parallel_loop3A_646 = tpu.vector_load %arg12[%parallel_loop3A_644, %parallel_loop3A_645] {strides = array<i32>} : memref<64x768xf32, #tpu.memory_space<vmem>>, vector<1x16xf32>,
      %parallel_loop3A_647 = vector.shape_cast %parallel_loop3A_646 : vector<1x16xf32> to vector<16xf32>
      %parallel_loop3A_648 = vector.shape_cast %parallel_loop3A_643 : vector<16xf32> to vector<1x16xf32>
      tpu.vector_store %arg12[%parallel_loop3A_644, %parallel_loop3A_645], %parallel_loop3A_648 {strides = array<i32>} : memref<64x768xf32, #tpu.memory_space<vmem>>, vector<1x16xf32>,
      %parallel_loop3A_649 = arith.index_cast %parallel_loop3A_15 : i32 to index
      %parallel_loop3A_650 = arith.constant 592 : index
      %parallel_loop3A_651 = tpu.vector_load %arg12[%parallel_loop3A_649, %parallel_loop3A_650] {strides = array<i32>} : memref<64x768xf32, #tpu.memory_space<vmem>>, vector<1x16xf32>,
      %parallel_loop3A_652 = vector.shape_cast %parallel_loop3A_651 : vector<1x16xf32> to vector<16xf32>
      %parallel_loop3A_653 = arith.mulf %parallel_loop3A_652, %parallel_loop3A_49 : vector<16xf32>
      %parallel_loop3A_654 = arith.index_cast %parallel_loop3A_15 : i32 to index
      %parallel_loop3A_655 = arith.constant 592 : index
      %parallel_loop3A_656 = tpu.vector_load %arg13[%parallel_loop3A_654, %parallel_loop3A_655] {strides = array<i32>} : memref<64x768xf32, #tpu.memory_space<vmem>>, vector<1x16xf32>,
      %parallel_loop3A_657 = vector.shape_cast %parallel_loop3A_656 : vector<1x16xf32> to vector<16xf32>
      %parallel_loop3A_658 = arith.mulf %parallel_loop3A_657, %parallel_loop3A_56 : vector<16xf32>
      %parallel_loop3A_659 = arith.addf %parallel_loop3A_653, %parallel_loop3A_658 : vector<16xf32>
      %parallel_loop3A_660 = arith.index_cast %parallel_loop3A_15 : i32 to index
      %parallel_loop3A_661 = arith.constant 592 : index
      %parallel_loop3A_662 = tpu.vector_load %arg12[%parallel_loop3A_660, %parallel_loop3A_661] {strides = array<i32>} : memref<64x768xf32, #tpu.memory_space<vmem>>, vector<1x16xf32>,
      %parallel_loop3A_663 = vector.shape_cast %parallel_loop3A_662 : vector<1x16xf32> to vector<16xf32>
      %parallel_loop3A_664 = vector.shape_cast %parallel_loop3A_659 : vector<16xf32> to vector<1x16xf32>
      tpu.vector_store %arg12[%parallel_loop3A_660, %parallel_loop3A_661], %parallel_loop3A_664 {strides = array<i32>} : memref<64x768xf32, #tpu.memory_space<vmem>>, vector<1x16xf32>,
      %parallel_loop3A_665 = arith.index_cast %parallel_loop3A_15 : i32 to index
      %parallel_loop3A_666 = arith.constant 608 : index
      %parallel_loop3A_667 = tpu.vector_load %arg12[%parallel_loop3A_665, %parallel_loop3A_666] {strides = array<i32>} : memref<64x768xf32, #tpu.memory_space<vmem>>, vector<1x16xf32>,
      %parallel_loop3A_668 = vector.shape_cast %parallel_loop3A_667 : vector<1x16xf32> to vector<16xf32>
      %parallel_loop3A_669 = arith.mulf %parallel_loop3A_668, %parallel_loop3A_49 : vector<16xf32>
      %parallel_loop3A_670 = arith.index_cast %parallel_loop3A_15 : i32 to index
      %parallel_loop3A_671 = arith.constant 608 : index
      %parallel_loop3A_672 = tpu.vector_load %arg13[%parallel_loop3A_670, %parallel_loop3A_671] {strides = array<i32>} : memref<64x768xf32, #tpu.memory_space<vmem>>, vector<1x16xf32>,
      %parallel_loop3A_673 = vector.shape_cast %parallel_loop3A_672 : vector<1x16xf32> to vector<16xf32>
      %parallel_loop3A_674 = arith.mulf %parallel_loop3A_673, %parallel_loop3A_56 : vector<16xf32>
      %parallel_loop3A_675 = arith.addf %parallel_loop3A_669, %parallel_loop3A_674 : vector<16xf32>
      %parallel_loop3A_676 = arith.index_cast %parallel_loop3A_15 : i32 to index
      %parallel_loop3A_677 = arith.constant 608 : index
      %parallel_loop3A_678 = tpu.vector_load %arg12[%parallel_loop3A_676, %parallel_loop3A_677] {strides = array<i32>} : memref<64x768xf32, #tpu.memory_space<vmem>>, vector<1x16xf32>,
      %parallel_loop3A_679 = vector.shape_cast %parallel_loop3A_678 : vector<1x16xf32> to vector<16xf32>
      %parallel_loop3A_680 = vector.shape_cast %parallel_loop3A_675 : vector<16xf32> to vector<1x16xf32>
      tpu.vector_store %arg12[%parallel_loop3A_676, %parallel_loop3A_677], %parallel_loop3A_680 {strides = array<i32>} : memref<64x768xf32, #tpu.memory_space<vmem>>, vector<1x16xf32>,
      %parallel_loop3A_681 = arith.index_cast %parallel_loop3A_15 : i32 to index
      %parallel_loop3A_682 = arith.constant 624 : index
      %parallel_loop3A_683 = tpu.vector_load %arg12[%parallel_loop3A_681, %parallel_loop3A_682] {strides = array<i32>} : memref<64x768xf32, #tpu.memory_space<vmem>>, vector<1x16xf32>,
      %parallel_loop3A_684 = vector.shape_cast %parallel_loop3A_683 : vector<1x16xf32> to vector<16xf32>
      %parallel_loop3A_685 = arith.mulf %parallel_loop3A_684, %parallel_loop3A_49 : vector<16xf32>
      %parallel_loop3A_686 = arith.index_cast %parallel_loop3A_15 : i32 to index
      %parallel_loop3A_687 = arith.constant 624 : index
      %parallel_loop3A_688 = tpu.vector_load %arg13[%parallel_loop3A_686, %parallel_loop3A_687] {strides = array<i32>} : memref<64x768xf32, #tpu.memory_space<vmem>>, vector<1x16xf32>,
      %parallel_loop3A_689 = vector.shape_cast %parallel_loop3A_688 : vector<1x16xf32> to vector<16xf32>
      %parallel_loop3A_690 = arith.mulf %parallel_loop3A_689, %parallel_loop3A_56 : vector<16xf32>
      %parallel_loop3A_691 = arith.addf %parallel_loop3A_685, %parallel_loop3A_690 : vector<16xf32>
      %parallel_loop3A_692 = arith.index_cast %parallel_loop3A_15 : i32 to index
      %parallel_loop3A_693 = arith.constant 624 : index
      %parallel_loop3A_694 = tpu.vector_load %arg12[%parallel_loop3A_692, %parallel_loop3A_693] {strides = array<i32>} : memref<64x768xf32, #tpu.memory_space<vmem>>, vector<1x16xf32>,
      %parallel_loop3A_695 = vector.shape_cast %parallel_loop3A_694 : vector<1x16xf32> to vector<16xf32>
      %parallel_loop3A_696 = vector.shape_cast %parallel_loop3A_691 : vector<16xf32> to vector<1x16xf32>
      tpu.vector_store %arg12[%parallel_loop3A_692, %parallel_loop3A_693], %parallel_loop3A_696 {strides = array<i32>} : memref<64x768xf32, #tpu.memory_space<vmem>>, vector<1x16xf32>,
      %parallel_loop3A_697 = arith.index_cast %parallel_loop3A_15 : i32 to index
      %parallel_loop3A_698 = arith.constant 640 : index
      %parallel_loop3A_699 = tpu.vector_load %arg12[%parallel_loop3A_697, %parallel_loop3A_698] {strides = array<i32>} : memref<64x768xf32, #tpu.memory_space<vmem>>, vector<1x16xf32>,
      %parallel_loop3A_700 = vector.shape_cast %parallel_loop3A_699 : vector<1x16xf32> to vector<16xf32>
      %parallel_loop3A_701 = arith.mulf %parallel_loop3A_700, %parallel_loop3A_49 : vector<16xf32>
      %parallel_loop3A_702 = arith.index_cast %parallel_loop3A_15 : i32 to index
      %parallel_loop3A_703 = arith.constant 640 : index
      %parallel_loop3A_704 = tpu.vector_load %arg13[%parallel_loop3A_702, %parallel_loop3A_703] {strides = array<i32>} : memref<64x768xf32, #tpu.memory_space<vmem>>, vector<1x16xf32>,
      %parallel_loop3A_705 = vector.shape_cast %parallel_loop3A_704 : vector<1x16xf32> to vector<16xf32>
      %parallel_loop3A_706 = arith.mulf %parallel_loop3A_705, %parallel_loop3A_56 : vector<16xf32>
      %parallel_loop3A_707 = arith.addf %parallel_loop3A_701, %parallel_loop3A_706 : vector<16xf32>
      %parallel_loop3A_708 = arith.index_cast %parallel_loop3A_15 : i32 to index
      %parallel_loop3A_709 = arith.constant 640 : index
      %parallel_loop3A_710 = tpu.vector_load %arg12[%parallel_loop3A_708, %parallel_loop3A_709] {strides = array<i32>} : memref<64x768xf32, #tpu.memory_space<vmem>>, vector<1x16xf32>,
      %parallel_loop3A_711 = vector.shape_cast %parallel_loop3A_710 : vector<1x16xf32> to vector<16xf32>
      %parallel_loop3A_712 = vector.shape_cast %parallel_loop3A_707 : vector<16xf32> to vector<1x16xf32>
      tpu.vector_store %arg12[%parallel_loop3A_708, %parallel_loop3A_709], %parallel_loop3A_712 {strides = array<i32>} : memref<64x768xf32, #tpu.memory_space<vmem>>, vector<1x16xf32>,
      %parallel_loop3A_713 = arith.index_cast %parallel_loop3A_15 : i32 to index
      %parallel_loop3A_714 = arith.constant 656 : index
      %parallel_loop3A_715 = tpu.vector_load %arg12[%parallel_loop3A_713, %parallel_loop3A_714] {strides = array<i32>} : memref<64x768xf32, #tpu.memory_space<vmem>>, vector<1x16xf32>,
      %parallel_loop3A_716 = vector.shape_cast %parallel_loop3A_715 : vector<1x16xf32> to vector<16xf32>
      %parallel_loop3A_717 = arith.mulf %parallel_loop3A_716, %parallel_loop3A_49 : vector<16xf32>
      %parallel_loop3A_718 = arith.index_cast %parallel_loop3A_15 : i32 to index
      %parallel_loop3A_719 = arith.constant 656 : index
      %parallel_loop3A_720 = tpu.vector_load %arg13[%parallel_loop3A_718, %parallel_loop3A_719] {strides = array<i32>} : memref<64x768xf32, #tpu.memory_space<vmem>>, vector<1x16xf32>,
      %parallel_loop3A_721 = vector.shape_cast %parallel_loop3A_720 : vector<1x16xf32> to vector<16xf32>
      %parallel_loop3A_722 = arith.mulf %parallel_loop3A_721, %parallel_loop3A_56 : vector<16xf32>
      %parallel_loop3A_723 = arith.addf %parallel_loop3A_717, %parallel_loop3A_722 : vector<16xf32>
      %parallel_loop3A_724 = arith.index_cast %parallel_loop3A_15 : i32 to index
      %parallel_loop3A_725 = arith.constant 656 : index
      %parallel_loop3A_726 = tpu.vector_load %arg12[%parallel_loop3A_724, %parallel_loop3A_725] {strides = array<i32>} : memref<64x768xf32, #tpu.memory_space<vmem>>, vector<1x16xf32>,
      %parallel_loop3A_727 = vector.shape_cast %parallel_loop3A_726 : vector<1x16xf32> to vector<16xf32>
      %parallel_loop3A_728 = vector.shape_cast %parallel_loop3A_723 : vector<16xf32> to vector<1x16xf32>
      tpu.vector_store %arg12[%parallel_loop3A_724, %parallel_loop3A_725], %parallel_loop3A_728 {strides = array<i32>} : memref<64x768xf32, #tpu.memory_space<vmem>>, vector<1x16xf32>,
      %parallel_loop3A_729 = arith.index_cast %parallel_loop3A_15 : i32 to index
      %parallel_loop3A_730 = arith.constant 672 : index
      %parallel_loop3A_731 = tpu.vector_load %arg12[%parallel_loop3A_729, %parallel_loop3A_730] {strides = array<i32>} : memref<64x768xf32, #tpu.memory_space<vmem>>, vector<1x16xf32>,
      %parallel_loop3A_732 = vector.shape_cast %parallel_loop3A_731 : vector<1x16xf32> to vector<16xf32>
      %parallel_loop3A_733 = arith.mulf %parallel_loop3A_732, %parallel_loop3A_49 : vector<16xf32>
      %parallel_loop3A_734 = arith.index_cast %parallel_loop3A_15 : i32 to index
      %parallel_loop3A_735 = arith.constant 672 : index
      %parallel_loop3A_736 = tpu.vector_load %arg13[%parallel_loop3A_734, %parallel_loop3A_735] {strides = array<i32>} : memref<64x768xf32, #tpu.memory_space<vmem>>, vector<1x16xf32>,
      %parallel_loop3A_737 = vector.shape_cast %parallel_loop3A_736 : vector<1x16xf32> to vector<16xf32>
      %parallel_loop3A_738 = arith.mulf %parallel_loop3A_737, %parallel_loop3A_56 : vector<16xf32>
      %parallel_loop3A_739 = arith.addf %parallel_loop3A_733, %parallel_loop3A_738 : vector<16xf32>
      %parallel_loop3A_740 = arith.index_cast %parallel_loop3A_15 : i32 to index
      %parallel_loop3A_741 = arith.constant 672 : index
      %parallel_loop3A_742 = tpu.vector_load %arg12[%parallel_loop3A_740, %parallel_loop3A_741] {strides = array<i32>} : memref<64x768xf32, #tpu.memory_space<vmem>>, vector<1x16xf32>,
      %parallel_loop3A_743 = vector.shape_cast %parallel_loop3A_742 : vector<1x16xf32> to vector<16xf32>
      %parallel_loop3A_744 = vector.shape_cast %parallel_loop3A_739 : vector<16xf32> to vector<1x16xf32>
      tpu.vector_store %arg12[%parallel_loop3A_740, %parallel_loop3A_741], %parallel_loop3A_744 {strides = array<i32>} : memref<64x768xf32, #tpu.memory_space<vmem>>, vector<1x16xf32>,
      %parallel_loop3A_745 = arith.index_cast %parallel_loop3A_15 : i32 to index
      %parallel_loop3A_746 = arith.constant 688 : index
      %parallel_loop3A_747 = tpu.vector_load %arg12[%parallel_loop3A_745, %parallel_loop3A_746] {strides = array<i32>} : memref<64x768xf32, #tpu.memory_space<vmem>>, vector<1x16xf32>,
      %parallel_loop3A_748 = vector.shape_cast %parallel_loop3A_747 : vector<1x16xf32> to vector<16xf32>
      %parallel_loop3A_749 = arith.mulf %parallel_loop3A_748, %parallel_loop3A_49 : vector<16xf32>
      %parallel_loop3A_750 = arith.index_cast %parallel_loop3A_15 : i32 to index
      %parallel_loop3A_751 = arith.constant 688 : index
      %parallel_loop3A_752 = tpu.vector_load %arg13[%parallel_loop3A_750, %parallel_loop3A_751] {strides = array<i32>} : memref<64x768xf32, #tpu.memory_space<vmem>>, vector<1x16xf32>,
      %parallel_loop3A_753 = vector.shape_cast %parallel_loop3A_752 : vector<1x16xf32> to vector<16xf32>
      %parallel_loop3A_754 = arith.mulf %parallel_loop3A_753, %parallel_loop3A_56 : vector<16xf32>
      %parallel_loop3A_755 = arith.addf %parallel_loop3A_749, %parallel_loop3A_754 : vector<16xf32>
      %parallel_loop3A_756 = arith.index_cast %parallel_loop3A_15 : i32 to index
      %parallel_loop3A_757 = arith.constant 688 : index
      %parallel_loop3A_758 = tpu.vector_load %arg12[%parallel_loop3A_756, %parallel_loop3A_757] {strides = array<i32>} : memref<64x768xf32, #tpu.memory_space<vmem>>, vector<1x16xf32>,
      %parallel_loop3A_759 = vector.shape_cast %parallel_loop3A_758 : vector<1x16xf32> to vector<16xf32>
      %parallel_loop3A_760 = vector.shape_cast %parallel_loop3A_755 : vector<16xf32> to vector<1x16xf32>
      tpu.vector_store %arg12[%parallel_loop3A_756, %parallel_loop3A_757], %parallel_loop3A_760 {strides = array<i32>} : memref<64x768xf32, #tpu.memory_space<vmem>>, vector<1x16xf32>,
      %parallel_loop3A_761 = arith.index_cast %parallel_loop3A_15 : i32 to index
      %parallel_loop3A_762 = arith.constant 704 : index
      %parallel_loop3A_763 = tpu.vector_load %arg12[%parallel_loop3A_761, %parallel_loop3A_762] {strides = array<i32>} : memref<64x768xf32, #tpu.memory_space<vmem>>, vector<1x16xf32>,
      %parallel_loop3A_764 = vector.shape_cast %parallel_loop3A_763 : vector<1x16xf32> to vector<16xf32>
      %parallel_loop3A_765 = arith.mulf %parallel_loop3A_764, %parallel_loop3A_49 : vector<16xf32>
      %parallel_loop3A_766 = arith.index_cast %parallel_loop3A_15 : i32 to index
      %parallel_loop3A_767 = arith.constant 704 : index
      %parallel_loop3A_768 = tpu.vector_load %arg13[%parallel_loop3A_766, %parallel_loop3A_767] {strides = array<i32>} : memref<64x768xf32, #tpu.memory_space<vmem>>, vector<1x16xf32>,
      %parallel_loop3A_769 = vector.shape_cast %parallel_loop3A_768 : vector<1x16xf32> to vector<16xf32>
      %parallel_loop3A_770 = arith.mulf %parallel_loop3A_769, %parallel_loop3A_56 : vector<16xf32>
      %parallel_loop3A_771 = arith.addf %parallel_loop3A_765, %parallel_loop3A_770 : vector<16xf32>
      %parallel_loop3A_772 = arith.index_cast %parallel_loop3A_15 : i32 to index
      %parallel_loop3A_773 = arith.constant 704 : index
      %parallel_loop3A_774 = tpu.vector_load %arg12[%parallel_loop3A_772, %parallel_loop3A_773] {strides = array<i32>} : memref<64x768xf32, #tpu.memory_space<vmem>>, vector<1x16xf32>,
      %parallel_loop3A_775 = vector.shape_cast %parallel_loop3A_774 : vector<1x16xf32> to vector<16xf32>
      %parallel_loop3A_776 = vector.shape_cast %parallel_loop3A_771 : vector<16xf32> to vector<1x16xf32>
      tpu.vector_store %arg12[%parallel_loop3A_772, %parallel_loop3A_773], %parallel_loop3A_776 {strides = array<i32>} : memref<64x768xf32, #tpu.memory_space<vmem>>, vector<1x16xf32>,
      %parallel_loop3A_777 = arith.index_cast %parallel_loop3A_15 : i32 to index
      %parallel_loop3A_778 = arith.constant 720 : index
      %parallel_loop3A_779 = tpu.vector_load %arg12[%parallel_loop3A_777, %parallel_loop3A_778] {strides = array<i32>} : memref<64x768xf32, #tpu.memory_space<vmem>>, vector<1x16xf32>,
      %parallel_loop3A_780 = vector.shape_cast %parallel_loop3A_779 : vector<1x16xf32> to vector<16xf32>
      %parallel_loop3A_781 = arith.mulf %parallel_loop3A_780, %parallel_loop3A_49 : vector<16xf32>
      %parallel_loop3A_782 = arith.index_cast %parallel_loop3A_15 : i32 to index
      %parallel_loop3A_783 = arith.constant 720 : index
      %parallel_loop3A_784 = tpu.vector_load %arg13[%parallel_loop3A_782, %parallel_loop3A_783] {strides = array<i32>} : memref<64x768xf32, #tpu.memory_space<vmem>>, vector<1x16xf32>,
      %parallel_loop3A_785 = vector.shape_cast %parallel_loop3A_784 : vector<1x16xf32> to vector<16xf32>
      %parallel_loop3A_786 = arith.mulf %parallel_loop3A_785, %parallel_loop3A_56 : vector<16xf32>
      %parallel_loop3A_787 = arith.addf %parallel_loop3A_781, %parallel_loop3A_786 : vector<16xf32>
      %parallel_loop3A_788 = arith.index_cast %parallel_loop3A_15 : i32 to index
      %parallel_loop3A_789 = arith.constant 720 : index
      %parallel_loop3A_790 = tpu.vector_load %arg12[%parallel_loop3A_788, %parallel_loop3A_789] {strides = array<i32>} : memref<64x768xf32, #tpu.memory_space<vmem>>, vector<1x16xf32>,
      %parallel_loop3A_791 = vector.shape_cast %parallel_loop3A_790 : vector<1x16xf32> to vector<16xf32>
      %parallel_loop3A_792 = vector.shape_cast %parallel_loop3A_787 : vector<16xf32> to vector<1x16xf32>
      tpu.vector_store %arg12[%parallel_loop3A_788, %parallel_loop3A_789], %parallel_loop3A_792 {strides = array<i32>} : memref<64x768xf32, #tpu.memory_space<vmem>>, vector<1x16xf32>,
      %parallel_loop3A_793 = arith.index_cast %parallel_loop3A_15 : i32 to index
      %parallel_loop3A_794 = arith.constant 736 : index
      %parallel_loop3A_795 = tpu.vector_load %arg12[%parallel_loop3A_793, %parallel_loop3A_794] {strides = array<i32>} : memref<64x768xf32, #tpu.memory_space<vmem>>, vector<1x16xf32>,
      %parallel_loop3A_796 = vector.shape_cast %parallel_loop3A_795 : vector<1x16xf32> to vector<16xf32>
      %parallel_loop3A_797 = arith.mulf %parallel_loop3A_796, %parallel_loop3A_49 : vector<16xf32>
      %parallel_loop3A_798 = arith.index_cast %parallel_loop3A_15 : i32 to index
      %parallel_loop3A_799 = arith.constant 736 : index
      %parallel_loop3A_800 = tpu.vector_load %arg13[%parallel_loop3A_798, %parallel_loop3A_799] {strides = array<i32>} : memref<64x768xf32, #tpu.memory_space<vmem>>, vector<1x16xf32>,
      %parallel_loop3A_801 = vector.shape_cast %parallel_loop3A_800 : vector<1x16xf32> to vector<16xf32>
      %parallel_loop3A_802 = arith.mulf %parallel_loop3A_801, %parallel_loop3A_56 : vector<16xf32>
      %parallel_loop3A_803 = arith.addf %parallel_loop3A_797, %parallel_loop3A_802 : vector<16xf32>
      %parallel_loop3A_804 = arith.index_cast %parallel_loop3A_15 : i32 to index
      %parallel_loop3A_805 = arith.constant 736 : index
      %parallel_loop3A_806 = tpu.vector_load %arg12[%parallel_loop3A_804, %parallel_loop3A_805] {strides = array<i32>} : memref<64x768xf32, #tpu.memory_space<vmem>>, vector<1x16xf32>,
      %parallel_loop3A_807 = vector.shape_cast %parallel_loop3A_806 : vector<1x16xf32> to vector<16xf32>
      %parallel_loop3A_808 = vector.shape_cast %parallel_loop3A_803 : vector<16xf32> to vector<1x16xf32>
      tpu.vector_store %arg12[%parallel_loop3A_804, %parallel_loop3A_805], %parallel_loop3A_808 {strides = array<i32>} : memref<64x768xf32, #tpu.memory_space<vmem>>, vector<1x16xf32>,
      %parallel_loop3A_809 = arith.index_cast %parallel_loop3A_15 : i32 to index
      %parallel_loop3A_810 = arith.constant 752 : index
      %parallel_loop3A_811 = tpu.vector_load %arg12[%parallel_loop3A_809, %parallel_loop3A_810] {strides = array<i32>} : memref<64x768xf32, #tpu.memory_space<vmem>>, vector<1x16xf32>,
      %parallel_loop3A_812 = vector.shape_cast %parallel_loop3A_811 : vector<1x16xf32> to vector<16xf32>
      %parallel_loop3A_813 = arith.mulf %parallel_loop3A_812, %parallel_loop3A_49 : vector<16xf32>
      %parallel_loop3A_814 = arith.index_cast %parallel_loop3A_15 : i32 to index
      %parallel_loop3A_815 = arith.constant 752 : index
      %parallel_loop3A_816 = tpu.vector_load %arg13[%parallel_loop3A_814, %parallel_loop3A_815] {strides = array<i32>} : memref<64x768xf32, #tpu.memory_space<vmem>>, vector<1x16xf32>,
      %parallel_loop3A_817 = vector.shape_cast %parallel_loop3A_816 : vector<1x16xf32> to vector<16xf32>
      %parallel_loop3A_818 = arith.mulf %parallel_loop3A_817, %parallel_loop3A_56 : vector<16xf32>
      %parallel_loop3A_819 = arith.addf %parallel_loop3A_813, %parallel_loop3A_818 : vector<16xf32>
      %parallel_loop3A_820 = arith.index_cast %parallel_loop3A_15 : i32 to index
      %parallel_loop3A_821 = arith.constant 752 : index
      %parallel_loop3A_822 = tpu.vector_load %arg12[%parallel_loop3A_820, %parallel_loop3A_821] {strides = array<i32>} : memref<64x768xf32, #tpu.memory_space<vmem>>, vector<1x16xf32>,
      %parallel_loop3A_823 = vector.shape_cast %parallel_loop3A_822 : vector<1x16xf32> to vector<16xf32>
      %parallel_loop3A_824 = vector.shape_cast %parallel_loop3A_819 : vector<16xf32> to vector<1x16xf32>
      tpu.vector_store %arg12[%parallel_loop3A_820, %parallel_loop3A_821], %parallel_loop3A_824 {strides = array<i32>} : memref<64x768xf32, #tpu.memory_space<vmem>>, vector<1x16xf32>,
    } {sc.loop_unroll_factor = 2 : i64, sc.parallel_access}
    "tpu.region"() ({
      %run_scoped3A = tpu.sem_alloc : memref<!tpu.dma_semaphore, #tpu.memory_space<semaphore_mem>>
      %dma_start3A_15 = arith.constant 0 : i32
      %dma_start3A_16 = tpu.memref_slice %arg7[%mul3A_2, %dma_start3A_15] : memref<2048x768xf32, #tpu.memory_space<hbm>> -> memref<64x768xf32, #tpu.memory_space<hbm>>
      %dma_start3A_17 = arith.constant 0 : i32
      %dma_start3A_18 = tpu.memref_slice %arg7[%mul3A_2, %dma_start3A_17] : memref<2048x768xf32, #tpu.memory_space<hbm>> -> memref<64x768xf32, #tpu.memory_space<hbm>>
      tpu.enqueue_dma source(%arg12 : memref<64x768xf32, #tpu.memory_space<vmem>>) target(%dma_start3A_18 : memref<64x768xf32, #tpu.memory_space<hbm>>) target_semaphore(%run_scoped3A : memref<!tpu.dma_semaphore, #tpu.memory_space<semaphore_mem>>)
      %dma_wait3A_19 = arith.constant 0 : i32
      %dma_wait3A_20 = tpu.memref_slice %arg7[%mul3A_2, %dma_wait3A_19] : memref<2048x768xf32, #tpu.memory_space<hbm>> -> memref<64x768xf32, #tpu.memory_space<hbm>>
      %dma_wait3A_21 = arith.constant 0 : i32
      %dma_wait3A_22 = tpu.memref_slice %arg7[%mul3A_2, %dma_wait3A_21] : memref<2048x768xf32, #tpu.memory_space<hbm>> -> memref<64x768xf32, #tpu.memory_space<hbm>>
      tpu.wait_dma2 semaphore(%run_scoped3A : memref<!tpu.dma_semaphore, #tpu.memory_space<semaphore_mem>>) src(%arg12 : memref<64x768xf32, #tpu.memory_space<vmem>>) dst(%dma_wait3A_22 : memref<64x768xf32, #tpu.memory_space<hbm>>)
      tpu.yield
    }) : () -> ()
    return
  }
}

#map = affine_map<(d0, d1) -> (0, 0)>
#map1 = affine_map<(d0, d1) -> (0)>
module attributes {stable_mosaic.version = 14 : i64} {
  func.func @scatter(%arg0: i32, %arg1: i32, %arg2: memref<2048x768xf32, #tpu.memory_space<hbm>>, %arg3: memref<2048xi32, #tpu.memory_space<hbm>>, %arg4: memref<2048xi32, #tpu.memory_space<hbm>>, %arg5: memref<6144x768xf32, #tpu.memory_space<hbm>>, %arg6: memref<64x768xf32, #tpu.memory_space<vmem>>, %arg7: memref<64xi32, #tpu.memory_space<vmem>>, %arg8: memref<64xi32, #tpu.memory_space<vmem>>, %arg9: memref<!tpu.dma_semaphore, #tpu.memory_space<semaphore_mem>>, %arg10: memref<!tpu.dma_semaphore, #tpu.memory_space<semaphore_mem>>) attributes {dimension_semantics = [#tpu.dimension_semantics<core_parallel>, #tpu.dimension_semantics<subcore_parallel>], iteration_bounds = array<i64: 2, 16>, scalar_prefetch = 0 : i64, scratch_operands = 5 : i64, tpu.core_type = #tpu.core_type<sc_vector_subcore>, window_params = [{transform_indices = #map}, {transform_indices = #map1}, {transform_indices = #map1}, {transform_indices = #map}]} {
    %mul3A = arith.constant 2 : i32
    %mul3A_0 = arith.muli %arg1, %mul3A : i32
    %add3A = arith.addi %mul3A_0, %arg0 : i32
    %mul3A_1 = arith.constant 64 : i32
    %mul3A_2 = arith.muli %add3A, %mul3A_1 : i32
    "tpu.region"() ({
      %run_scoped3A = tpu.sem_alloc : memref<!tpu.dma_semaphore, #tpu.memory_space<semaphore_mem>>
      %dma_start3A_13 = arith.constant 0 : i32
      %dma_start3A_14 = tpu.memref_slice %arg2[%mul3A_2, %dma_start3A_13] : memref<2048x768xf32, #tpu.memory_space<hbm>> -> memref<64x768xf32, #tpu.memory_space<hbm>>
      %dma_start3A_15 = arith.constant 0 : i32
      %dma_start3A_16 = tpu.memref_slice %arg2[%mul3A_2, %dma_start3A_15] : memref<2048x768xf32, #tpu.memory_space<hbm>> -> memref<64x768xf32, #tpu.memory_space<hbm>>
      tpu.enqueue_dma source(%dma_start3A_16 : memref<64x768xf32, #tpu.memory_space<hbm>>) target(%arg6 : memref<64x768xf32, #tpu.memory_space<vmem>>) target_semaphore(%run_scoped3A : memref<!tpu.dma_semaphore, #tpu.memory_space<semaphore_mem>>)
      %dma_wait3A_17 = arith.constant 0 : i32
      %dma_wait3A_18 = tpu.memref_slice %arg2[%mul3A_2, %dma_wait3A_17] : memref<2048x768xf32, #tpu.memory_space<hbm>> -> memref<64x768xf32, #tpu.memory_space<hbm>>
      %dma_wait3A_19 = arith.constant 0 : i32
      %dma_wait3A_20 = tpu.memref_slice %arg2[%mul3A_2, %dma_wait3A_19] : memref<2048x768xf32, #tpu.memory_space<hbm>> -> memref<64x768xf32, #tpu.memory_space<hbm>>
      tpu.wait_dma2 semaphore(%run_scoped3A : memref<!tpu.dma_semaphore, #tpu.memory_space<semaphore_mem>>) src(%dma_wait3A_20 : memref<64x768xf32, #tpu.memory_space<hbm>>) dst(%arg6 : memref<64x768xf32, #tpu.memory_space<vmem>>)
      tpu.yield
    }) : () -> ()
    "tpu.region"() ({
      %run_scoped3A = tpu.sem_alloc : memref<!tpu.dma_semaphore, #tpu.memory_space<semaphore_mem>>
      %dma_start3A_13 = tpu.memref_slice %arg3[%mul3A_2] : memref<2048xi32, #tpu.memory_space<hbm>> -> memref<64xi32, #tpu.memory_space<hbm>>
      %dma_start3A_14 = tpu.memref_slice %arg3[%mul3A_2] : memref<2048xi32, #tpu.memory_space<hbm>> -> memref<64xi32, #tpu.memory_space<hbm>>
      tpu.enqueue_dma source(%dma_start3A_14 : memref<64xi32, #tpu.memory_space<hbm>>) target(%arg7 : memref<64xi32, #tpu.memory_space<vmem>>) target_semaphore(%run_scoped3A : memref<!tpu.dma_semaphore, #tpu.memory_space<semaphore_mem>>)
      %dma_wait3A_15 = tpu.memref_slice %arg3[%mul3A_2] : memref<2048xi32, #tpu.memory_space<hbm>> -> memref<64xi32, #tpu.memory_space<hbm>>
      %dma_wait3A_16 = tpu.memref_slice %arg3[%mul3A_2] : memref<2048xi32, #tpu.memory_space<hbm>> -> memref<64xi32, #tpu.memory_space<hbm>>
      tpu.wait_dma2 semaphore(%run_scoped3A : memref<!tpu.dma_semaphore, #tpu.memory_space<semaphore_mem>>) src(%dma_wait3A_16 : memref<64xi32, #tpu.memory_space<hbm>>) dst(%arg7 : memref<64xi32, #tpu.memory_space<vmem>>)
      tpu.yield
    }) : () -> ()
    "tpu.region"() ({
      %run_scoped3A = tpu.sem_alloc : memref<!tpu.dma_semaphore, #tpu.memory_space<semaphore_mem>>
      %dma_start3A_13 = tpu.memref_slice %arg4[%mul3A_2] : memref<2048xi32, #tpu.memory_space<hbm>> -> memref<64xi32, #tpu.memory_space<hbm>>
      %dma_start3A_14 = tpu.memref_slice %arg4[%mul3A_2] : memref<2048xi32, #tpu.memory_space<hbm>> -> memref<64xi32, #tpu.memory_space<hbm>>
      tpu.enqueue_dma source(%dma_start3A_14 : memref<64xi32, #tpu.memory_space<hbm>>) target(%arg8 : memref<64xi32, #tpu.memory_space<vmem>>) target_semaphore(%run_scoped3A : memref<!tpu.dma_semaphore, #tpu.memory_space<semaphore_mem>>)
      %dma_wait3A_15 = tpu.memref_slice %arg4[%mul3A_2] : memref<2048xi32, #tpu.memory_space<hbm>> -> memref<64xi32, #tpu.memory_space<hbm>>
      %dma_wait3A_16 = tpu.memref_slice %arg4[%mul3A_2] : memref<2048xi32, #tpu.memory_space<hbm>> -> memref<64xi32, #tpu.memory_space<hbm>>
      tpu.wait_dma2 semaphore(%run_scoped3A : memref<!tpu.dma_semaphore, #tpu.memory_space<semaphore_mem>>) src(%dma_wait3A_16 : memref<64xi32, #tpu.memory_space<hbm>>) dst(%arg8 : memref<64xi32, #tpu.memory_space<vmem>>)
      tpu.yield
    }) : () -> ()
    %dma_start3A = arith.constant 0 : i32
    %dma_start3A_3 = arith.constant 0 : i32
    %dma_start3A_4 = tpu.memref_slice %arg5[%dma_start3A, %dma_start3A_3] : memref<6144x768xf32, #tpu.memory_space<hbm>> -> memref<6144x768xf32, #tpu.memory_space<hbm>>
    tpu.enqueue_indirect_dma source(%arg6 : memref<64x768xf32, #tpu.memory_space<vmem>>) target(%dma_start3A_4 : memref<6144x768xf32, #tpu.memory_space<hbm>>) offsets(%arg7 : memref<64xi32, #tpu.memory_space<vmem>>) semaphore(%arg9 : memref<!tpu.dma_semaphore, #tpu.memory_space<semaphore_mem>>)
    %dma_start3A_5 = arith.constant 0 : i32
    %dma_start3A_6 = arith.constant 0 : i32
    %dma_start3A_7 = tpu.memref_slice %arg5[%dma_start3A_5, %dma_start3A_6] : memref<6144x768xf32, #tpu.memory_space<hbm>> -> memref<6144x768xf32, #tpu.memory_space<hbm>>
    tpu.enqueue_indirect_dma source(%arg6 : memref<64x768xf32, #tpu.memory_space<vmem>>) target(%dma_start3A_7 : memref<6144x768xf32, #tpu.memory_space<hbm>>) offsets(%arg8 : memref<64xi32, #tpu.memory_space<vmem>>) semaphore(%arg10 : memref<!tpu.dma_semaphore, #tpu.memory_space<semaphore_mem>>)
    %dma_wait3A = arith.constant 0 : i32
    %dma_wait3A_8 = arith.constant 0 : i32
    %dma_wait3A_9 = tpu.memref_slice %arg5[%dma_wait3A, %dma_wait3A_8] : memref<6144x768xf32, #tpu.memory_space<hbm>> -> memref<6144x768xf32, #tpu.memory_space<hbm>>
    tpu.wait_indirect_dma semaphore(%arg9 : memref<!tpu.dma_semaphore, #tpu.memory_space<semaphore_mem>>) src(%arg6 : memref<64x768xf32, #tpu.memory_space<vmem>>) dst(%dma_wait3A_9 : memref<6144x768xf32, #tpu.memory_space<hbm>>)
    %dma_wait3A_10 = arith.constant 0 : i32
    %dma_wait3A_11 = arith.constant 0 : i32
    %dma_wait3A_12 = tpu.memref_slice %arg5[%dma_wait3A_10, %dma_wait3A_11] : memref<6144x768xf32, #tpu.memory_space<hbm>> -> memref<6144x768xf32, #tpu.memory_space<hbm>>
    tpu.wait_indirect_dma semaphore(%arg10 : memref<!tpu.dma_semaphore, #tpu.memory_space<semaphore_mem>>) src(%arg6 : memref<64x768xf32, #tpu.memory_space<vmem>>) dst(%dma_wait3A_12 : memref<6144x768xf32, #tpu.memory_space<hbm>>)
    return
  }
}

module attributes {stable_mosaic.version = 14 : i64} {
  func.func @_gate_body(%arg0: memref<2048x768xf32, #tpu.memory_space<vmem>>, %arg1: memref<8x768xf32, #tpu.memory_space<vmem>>, %arg2: memref<8x1xf32, #tpu.memory_space<vmem>>, %arg3: memref<2048xi32, #tpu.memory_space<vmem>>, %arg4: memref<2048xi32, #tpu.memory_space<vmem>>, %arg5: memref<2048xf32, #tpu.memory_space<vmem>>, %arg6: memref<2048xf32, #tpu.memory_space<vmem>>, %arg7: memref<32xi32, #tpu.memory_space<vmem>>, %arg8: memref<32xi32, #tpu.memory_space<vmem>>, %arg9: memref<32xi32, #tpu.memory_space<vmem>>) attributes {dimension_semantics = [], scalar_prefetch = 0 : i64, scratch_operands = 0 : i64, tpu.core_type = #tpu.core_type<tc>} {
    %get3A = arith.constant 0 : index
    %get3A_0 = arith.constant 0 : index
    %get3A_1 = vector.load %arg0[%get3A, %get3A_0] : memref<2048x768xf32, #tpu.memory_space<vmem>>, vector<2048x768xf32>
    %get3A_2 = arith.constant 0 : index
    %get3A_3 = arith.constant 0 : index
    %get3A_4 = vector.load %arg1[%get3A_2, %get3A_3] : memref<8x768xf32, #tpu.memory_space<vmem>>, vector<8x768xf32>
    %dot_general3A = arith.constant dense<0.000000e+00> : vector<8x2048xf32>
    %dot_general3A_5 = tpu.matmul %get3A_4, %get3A_1, %dot_general3A {dimension_numbers = #tpu.dot_dimension_numbers<[1], [1], [0], [0], [0, 0, 1, 0], [], []>, transpose_lhs_hint = false} : vector<8x768xf32>, vector<2048x768xf32>, vector<8x2048xf32> -> vector<8x2048xf32>
    %get3A_6 = arith.constant 0 : index
    %get3A_7 = arith.constant 0 : index
    %get3A_8 = vector.load %arg2[%get3A_6, %get3A_7] : memref<8x1xf32, #tpu.memory_space<vmem>>, vector<8x1xf32>
    %add3A = vector.broadcast %get3A_8 : vector<8x1xf32> to vector<8x2048xf32>
    %add3A_9 = arith.addf %dot_general3A_5, %add3A : vector<8x2048xf32>
    %reduce_max3A = arith.constant dense<0xFF800000> : vector<2048xf32>
    %reduce_max3A_10 = vector.multi_reduction <maximumf>, %add3A_9, %reduce_max3A [0] : vector<8x2048xf32> to vector<2048xf32>
    %broadcast_in_dim3A = vector.shape_cast %reduce_max3A_10 : vector<2048xf32> to vector<1x2048xf32>
    %sub3A = vector.broadcast %broadcast_in_dim3A : vector<1x2048xf32> to vector<8x2048xf32>
    %sub3A_11 = arith.subf %add3A_9, %sub3A : vector<8x2048xf32>
    %exp3A = math.exp %sub3A_11 : vector<8x2048xf32>
    %reduce_sum3A = arith.constant dense<0.000000e+00> : vector<2048xf32>
    %reduce_sum3A_12 = vector.multi_reduction <add>, %exp3A, %reduce_sum3A [0] : vector<8x2048xf32> to vector<2048xf32>
    %broadcast_in_dim3A_13 = vector.shape_cast %reduce_sum3A_12 : vector<2048xf32> to vector<1x2048xf32>
    %div3A = vector.broadcast %broadcast_in_dim3A_13 : vector<1x2048xf32> to vector<8x2048xf32>
    %div3A_14 = arith.divf %exp3A, %div3A : vector<8x2048xf32>
    %iota3A = tpu.iota {dimensions = array<i32: 0>} : vector<8x2048xi32>
    %reduce_max3A_15 = arith.constant dense<0xFF800000> : vector<2048xf32>
    %reduce_max3A_16 = vector.multi_reduction <maximumf>, %div3A_14, %reduce_max3A_15 [0] : vector<8x2048xf32> to vector<2048xf32>
    %broadcast_in_dim3A_17 = vector.shape_cast %reduce_max3A_16 : vector<2048xf32> to vector<1x2048xf32>
    %eq3A = vector.broadcast %broadcast_in_dim3A_17 : vector<1x2048xf32> to vector<8x2048xf32>
    %eq3A_18 = arith.cmpf oeq, %div3A_14, %eq3A : vector<8x2048xf32>
    %jit3A = arith.constant 8 : i32
    %broadcast_in_dim3A_19 = vector.broadcast %jit3A : i32 to vector<8x2048xi32>
    %select_n3A = arith.select %eq3A_18, %iota3A, %broadcast_in_dim3A_19 : vector<8x2048xi1>, vector<8x2048xi32>
    %reduce_min3A = arith.constant dense<2147483647> : vector<2048xi32>
    %reduce_min3A_20 = vector.multi_reduction <minsi>, %select_n3A, %reduce_min3A [0] : vector<8x2048xi32> to vector<2048xi32>
    %broadcast_in_dim3A_21 = vector.shape_cast %reduce_min3A_20 : vector<2048xi32> to vector<1x2048xi32>
    %eq3A_22 = vector.broadcast %broadcast_in_dim3A_21 : vector<1x2048xi32> to vector<8x2048xi32>
    %eq3A_23 = arith.cmpi eq, %iota3A, %eq3A_22 : vector<8x2048xi32>
    %jit3A_24 = arith.constant -1.000000e+00 : f32
    %broadcast_in_dim3A_25 = vector.broadcast %jit3A_24 : f32 to vector<8x2048xf32>
    %select_n3A_26 = arith.select %eq3A_23, %broadcast_in_dim3A_25, %div3A_14 : vector<8x2048xi1>, vector<8x2048xf32>
    %reduce_max3A_27 = arith.constant dense<0xFF800000> : vector<2048xf32>
    %reduce_max3A_28 = vector.multi_reduction <maximumf>, %select_n3A_26, %reduce_max3A_27 [0] : vector<8x2048xf32> to vector<2048xf32>
    %broadcast_in_dim3A_29 = vector.shape_cast %reduce_max3A_28 : vector<2048xf32> to vector<1x2048xf32>
    %eq3A_30 = vector.broadcast %broadcast_in_dim3A_29 : vector<1x2048xf32> to vector<8x2048xf32>
    %eq3A_31 = arith.cmpf oeq, %select_n3A_26, %eq3A_30 : vector<8x2048xf32>
    %jit3A_32 = arith.constant 8 : i32
    %broadcast_in_dim3A_33 = vector.broadcast %jit3A_32 : i32 to vector<8x2048xi32>
    %select_n3A_34 = arith.select %eq3A_31, %iota3A, %broadcast_in_dim3A_33 : vector<8x2048xi1>, vector<8x2048xi32>
    %reduce_min3A_35 = arith.constant dense<2147483647> : vector<2048xi32>
    %reduce_min3A_36 = vector.multi_reduction <minsi>, %select_n3A_34, %reduce_min3A_35 [0] : vector<8x2048xi32> to vector<2048xi32>
    %broadcast_in_dim3A_37 = vector.shape_cast %reduce_min3A_36 : vector<2048xi32> to vector<1x2048xi32>
    %eq3A_38 = arith.constant 0 : i32
    %eq3A_39 = vector.broadcast %eq3A_38 : i32 to vector<8x2048xi32>
    %eq3A_40 = arith.cmpi eq, %iota3A, %eq3A_39 : vector<8x2048xi32>
    %jit3A_41 = arith.constant 0.000000e+00 : f32
    %broadcast_in_dim3A_42 = vector.broadcast %jit3A_41 : f32 to vector<8x2048xf32>
    %select_n3A_43 = arith.select %eq3A_40, %div3A_14, %broadcast_in_dim3A_42 : vector<8x2048xi1>, vector<8x2048xf32>
    %reduce_sum3A_44 = arith.constant dense<0.000000e+00> : vector<2048xf32>
    %reduce_sum3A_45 = vector.multi_reduction <add>, %select_n3A_43, %reduce_sum3A_44 [0] : vector<8x2048xf32> to vector<2048xf32>
    %swap3A = arith.constant 0 : index
    %swap3A_46 = vector.load %arg5[%swap3A] : memref<2048xf32, #tpu.memory_space<vmem>>, vector<2048xf32>
    tpu.vector_store %arg5[%swap3A], %reduce_sum3A_45 {strides = array<i32>} : memref<2048xf32, #tpu.memory_space<vmem>>, vector<2048xf32>,
    %eq3A_47 = arith.constant 1 : i32
    %eq3A_48 = vector.broadcast %eq3A_47 : i32 to vector<8x2048xi32>
    %eq3A_49 = arith.cmpi eq, %iota3A, %eq3A_48 : vector<8x2048xi32>
    %jit3A_50 = arith.constant 0.000000e+00 : f32
    %broadcast_in_dim3A_51 = vector.broadcast %jit3A_50 : f32 to vector<8x2048xf32>
    %select_n3A_52 = arith.select %eq3A_49, %div3A_14, %broadcast_in_dim3A_51 : vector<8x2048xi1>, vector<8x2048xf32>
    %reduce_sum3A_53 = arith.constant dense<0.000000e+00> : vector<2048xf32>
    %reduce_sum3A_54 = vector.multi_reduction <add>, %select_n3A_52, %reduce_sum3A_53 [0] : vector<8x2048xf32> to vector<2048xf32>
    %swap3A_55 = arith.constant 0 : index
    %swap3A_56 = vector.load %arg6[%swap3A_55] : memref<2048xf32, #tpu.memory_space<vmem>>, vector<2048xf32>
    tpu.vector_store %arg6[%swap3A_55], %reduce_sum3A_54 {strides = array<i32>} : memref<2048xf32, #tpu.memory_space<vmem>>, vector<2048xf32>,
    %eq3A_57 = vector.broadcast %broadcast_in_dim3A_21 : vector<1x2048xi32> to vector<8x2048xi32>
    %eq3A_58 = arith.cmpi eq, %iota3A, %eq3A_57 : vector<8x2048xi32>
    %convert_element_type3A = arith.extui %eq3A_58 : vector<8x2048xi1> to vector<8x2048xi32>
    %convert_element_type3A_59 = arith.sitofp %convert_element_type3A : vector<8x2048xi32> to vector<8x2048xf32>
    %eq3A_60 = vector.broadcast %broadcast_in_dim3A_37 : vector<1x2048xi32> to vector<8x2048xi32>
    %eq3A_61 = arith.cmpi eq, %iota3A, %eq3A_60 : vector<8x2048xi32>
    %convert_element_type3A_62 = arith.extui %eq3A_61 : vector<8x2048xi1> to vector<8x2048xi32>
    %convert_element_type3A_63 = arith.sitofp %convert_element_type3A_62 : vector<8x2048xi32> to vector<8x2048xf32>
    %add3A_64 = arith.addf %convert_element_type3A_59, %convert_element_type3A_63 : vector<8x2048xf32>
    %iota3A_65 = tpu.iota {dimensions = array<i32: 0>} : vector<256x256xi32>
    %iota3A_66 = tpu.iota {dimensions = array<i32: 1>} : vector<256x256xi32>
    %le3A = arith.cmpi sle, %iota3A_65, %iota3A_66 : vector<256x256xi32>
    %convert_element_type3A_67 = arith.extui %le3A : vector<256x256xi1> to vector<256x256xi32>
    %convert_element_type3A_68 = arith.sitofp %convert_element_type3A_67 : vector<256x256xi32> to vector<256x256xf32>
    %broadcast_in_dim3A_69 = arith.constant 0.000000e+00 : f32
    %broadcast_in_dim3A_70 = vector.broadcast %broadcast_in_dim3A_69 : f32 to vector<8x1xf32>
    %slice3A = vector.extract_strided_slice %add3A_64 {offsets = [0, 0], sizes = [8, 256], strides = [1, 1]} : vector<8x2048xf32> to vector<8x256xf32>
    %dot_general3A_71 = arith.constant dense<0.000000e+00> : vector<8x256xf32>
    %dot_general3A_72 = tpu.matmul %slice3A, %convert_element_type3A_68, %dot_general3A_71 {dimension_numbers = #tpu.dot_dimension_numbers<[1], [0], [0], [1], [0, 0, 1, 1], [], []>, transpose_lhs_hint = false} : vector<8x256xf32>, vector<256x256xf32>, vector<8x256xf32> -> vector<8x256xf32>
    %add3A_73 = vector.broadcast %broadcast_in_dim3A_70 : vector<8x1xf32> to vector<8x256xf32>
    %add3A_74 = arith.addf %dot_general3A_72, %add3A_73 : vector<8x256xf32>
    %slice3A_75 = vector.extract_strided_slice %add3A_74 {offsets = [0, 255], sizes = [8, 1], strides = [1, 1]} : vector<8x256xf32> to vector<8x1xf32>
    %slice3A_76 = vector.extract_strided_slice %add3A_64 {offsets = [0, 256], sizes = [8, 256], strides = [1, 1]} : vector<8x2048xf32> to vector<8x256xf32>
    %dot_general3A_77 = arith.constant dense<0.000000e+00> : vector<8x256xf32>
    %dot_general3A_78 = tpu.matmul %slice3A_76, %convert_element_type3A_68, %dot_general3A_77 {dimension_numbers = #tpu.dot_dimension_numbers<[1], [0], [0], [1], [0, 0, 1, 1], [], []>, transpose_lhs_hint = false} : vector<8x256xf32>, vector<256x256xf32>, vector<8x256xf32> -> vector<8x256xf32>
    %add3A_79 = vector.broadcast %slice3A_75 : vector<8x1xf32> to vector<8x256xf32>
    %add3A_80 = arith.addf %dot_general3A_78, %add3A_79 : vector<8x256xf32>
    %slice3A_81 = vector.extract_strided_slice %add3A_80 {offsets = [0, 255], sizes = [8, 1], strides = [1, 1]} : vector<8x256xf32> to vector<8x1xf32>
    %slice3A_82 = vector.extract_strided_slice %add3A_64 {offsets = [0, 512], sizes = [8, 256], strides = [1, 1]} : vector<8x2048xf32> to vector<8x256xf32>
    %dot_general3A_83 = arith.constant dense<0.000000e+00> : vector<8x256xf32>
    %dot_general3A_84 = tpu.matmul %slice3A_82, %convert_element_type3A_68, %dot_general3A_83 {dimension_numbers = #tpu.dot_dimension_numbers<[1], [0], [0], [1], [0, 0, 1, 1], [], []>, transpose_lhs_hint = false} : vector<8x256xf32>, vector<256x256xf32>, vector<8x256xf32> -> vector<8x256xf32>
    %add3A_85 = vector.broadcast %slice3A_81 : vector<8x1xf32> to vector<8x256xf32>
    %add3A_86 = arith.addf %dot_general3A_84, %add3A_85 : vector<8x256xf32>
    %slice3A_87 = vector.extract_strided_slice %add3A_86 {offsets = [0, 255], sizes = [8, 1], strides = [1, 1]} : vector<8x256xf32> to vector<8x1xf32>
    %slice3A_88 = vector.extract_strided_slice %add3A_64 {offsets = [0, 768], sizes = [8, 256], strides = [1, 1]} : vector<8x2048xf32> to vector<8x256xf32>
    %dot_general3A_89 = arith.constant dense<0.000000e+00> : vector<8x256xf32>
    %dot_general3A_90 = tpu.matmul %slice3A_88, %convert_element_type3A_68, %dot_general3A_89 {dimension_numbers = #tpu.dot_dimension_numbers<[1], [0], [0], [1], [0, 0, 1, 1], [], []>, transpose_lhs_hint = false} : vector<8x256xf32>, vector<256x256xf32>, vector<8x256xf32> -> vector<8x256xf32>
    %add3A_91 = vector.broadcast %slice3A_87 : vector<8x1xf32> to vector<8x256xf32>
    %add3A_92 = arith.addf %dot_general3A_90, %add3A_91 : vector<8x256xf32>
    %slice3A_93 = vector.extract_strided_slice %add3A_92 {offsets = [0, 255], sizes = [8, 1], strides = [1, 1]} : vector<8x256xf32> to vector<8x1xf32>
    %slice3A_94 = vector.extract_strided_slice %add3A_64 {offsets = [0, 1024], sizes = [8, 256], strides = [1, 1]} : vector<8x2048xf32> to vector<8x256xf32>
    %dot_general3A_95 = arith.constant dense<0.000000e+00> : vector<8x256xf32>
    %dot_general3A_96 = tpu.matmul %slice3A_94, %convert_element_type3A_68, %dot_general3A_95 {dimension_numbers = #tpu.dot_dimension_numbers<[1], [0], [0], [1], [0, 0, 1, 1], [], []>, transpose_lhs_hint = false} : vector<8x256xf32>, vector<256x256xf32>, vector<8x256xf32> -> vector<8x256xf32>
    %add3A_97 = vector.broadcast %slice3A_93 : vector<8x1xf32> to vector<8x256xf32>
    %add3A_98 = arith.addf %dot_general3A_96, %add3A_97 : vector<8x256xf32>
    %slice3A_99 = vector.extract_strided_slice %add3A_98 {offsets = [0, 255], sizes = [8, 1], strides = [1, 1]} : vector<8x256xf32> to vector<8x1xf32>
    %slice3A_100 = vector.extract_strided_slice %add3A_64 {offsets = [0, 1280], sizes = [8, 256], strides = [1, 1]} : vector<8x2048xf32> to vector<8x256xf32>
    %dot_general3A_101 = arith.constant dense<0.000000e+00> : vector<8x256xf32>
    %dot_general3A_102 = tpu.matmul %slice3A_100, %convert_element_type3A_68, %dot_general3A_101 {dimension_numbers = #tpu.dot_dimension_numbers<[1], [0], [0], [1], [0, 0, 1, 1], [], []>, transpose_lhs_hint = false} : vector<8x256xf32>, vector<256x256xf32>, vector<8x256xf32> -> vector<8x256xf32>
    %add3A_103 = vector.broadcast %slice3A_99 : vector<8x1xf32> to vector<8x256xf32>
    %add3A_104 = arith.addf %dot_general3A_102, %add3A_103 : vector<8x256xf32>
    %slice3A_105 = vector.extract_strided_slice %add3A_104 {offsets = [0, 255], sizes = [8, 1], strides = [1, 1]} : vector<8x256xf32> to vector<8x1xf32>
    %slice3A_106 = vector.extract_strided_slice %add3A_64 {offsets = [0, 1536], sizes = [8, 256], strides = [1, 1]} : vector<8x2048xf32> to vector<8x256xf32>
    %dot_general3A_107 = arith.constant dense<0.000000e+00> : vector<8x256xf32>
    %dot_general3A_108 = tpu.matmul %slice3A_106, %convert_element_type3A_68, %dot_general3A_107 {dimension_numbers = #tpu.dot_dimension_numbers<[1], [0], [0], [1], [0, 0, 1, 1], [], []>, transpose_lhs_hint = false} : vector<8x256xf32>, vector<256x256xf32>, vector<8x256xf32> -> vector<8x256xf32>
    %add3A_109 = vector.broadcast %slice3A_105 : vector<8x1xf32> to vector<8x256xf32>
    %add3A_110 = arith.addf %dot_general3A_108, %add3A_109 : vector<8x256xf32>
    %slice3A_111 = vector.extract_strided_slice %add3A_110 {offsets = [0, 255], sizes = [8, 1], strides = [1, 1]} : vector<8x256xf32> to vector<8x1xf32>
    %slice3A_112 = vector.extract_strided_slice %add3A_64 {offsets = [0, 1792], sizes = [8, 256], strides = [1, 1]} : vector<8x2048xf32> to vector<8x256xf32>
    %dot_general3A_113 = arith.constant dense<0.000000e+00> : vector<8x256xf32>
    %dot_general3A_114 = tpu.matmul %slice3A_112, %convert_element_type3A_68, %dot_general3A_113 {dimension_numbers = #tpu.dot_dimension_numbers<[1], [0], [0], [1], [0, 0, 1, 1], [], []>, transpose_lhs_hint = false} : vector<8x256xf32>, vector<256x256xf32>, vector<8x256xf32> -> vector<8x256xf32>
    %add3A_115 = vector.broadcast %slice3A_111 : vector<8x1xf32> to vector<8x256xf32>
    %add3A_116 = arith.addf %dot_general3A_114, %add3A_115 : vector<8x256xf32>
    %concatenate3A = tpu.concatenate %add3A_74, %add3A_80, %add3A_86, %add3A_92, %add3A_98, %add3A_104, %add3A_110, %add3A_116 in 1 : vector<8x256xf32>, vector<8x256xf32>, vector<8x256xf32>, vector<8x256xf32>, vector<8x256xf32>, vector<8x256xf32>, vector<8x256xf32>, vector<8x256xf32> -> vector<8x2048xf32>
    %slice3A_117 = vector.extract_strided_slice %concatenate3A {offsets = [0, 2047], sizes = [8, 1], strides = [1, 1]} : vector<8x2048xf32> to vector<8x1xf32>
    %add3A_118 = arith.constant 2.550000e+02 : f32
    %add3A_119 = vector.broadcast %add3A_118 : f32 to vector<8x1xf32>
    %add3A_120 = arith.addf %slice3A_117, %add3A_119 : vector<8x1xf32>
    %mul3A = arith.constant 3.906250e-03 : f32
    %mul3A_121 = vector.broadcast %mul3A : f32 to vector<8x1xf32>
    %mul3A_122 = arith.mulf %add3A_120, %mul3A_121 : vector<8x1xf32>
    %floor3A = math.floor %mul3A_122 : vector<8x1xf32>
    %mul3A_123 = arith.constant 2.560000e+02 : f32
    %mul3A_124 = vector.broadcast %mul3A_123 : f32 to vector<8x1xf32>
    %mul3A_125 = arith.mulf %floor3A, %mul3A_124 : vector<8x1xf32>
    %iota3A_126 = tpu.iota {dimensions = array<i32: 0>} : vector<8x8xi32>
    %iota3A_127 = tpu.iota {dimensions = array<i32: 1>} : vector<8x8xi32>
    %le3A_128 = arith.cmpi sle, %iota3A_127, %iota3A_126 : vector<8x8xi32>
    %convert_element_type3A_129 = arith.extui %le3A_128 : vector<8x8xi1> to vector<8x8xi32>
    %convert_element_type3A_130 = arith.sitofp %convert_element_type3A_129 : vector<8x8xi32> to vector<8x8xf32>
    %dot_general3A_131 = arith.constant dense<0.000000e+00> : vector<8x1xf32>
    %dot_general3A_132 = tpu.matmul %convert_element_type3A_130, %mul3A_125, %dot_general3A_131 {dimension_numbers = #tpu.dot_dimension_numbers<[1], [0], [0], [1], [0, 0, 1, 1], [], []>, transpose_lhs_hint = false} : vector<8x8xf32>, vector<8x1xf32>, vector<8x1xf32> -> vector<8x1xf32>
    %sub3A_133 = arith.subf %dot_general3A_132, %mul3A_125 : vector<8x1xf32>
    %add3A_134 = vector.broadcast %sub3A_133 : vector<8x1xf32> to vector<8x2048xf32>
    %add3A_135 = arith.addf %concatenate3A, %add3A_134 : vector<8x2048xf32>
    %sub3A_136 = arith.constant 1.000000e+00 : f32
    %sub3A_137 = vector.broadcast %sub3A_136 : f32 to vector<8x2048xf32>
    %sub3A_138 = arith.subf %add3A_135, %sub3A_137 : vector<8x2048xf32>
    %eq3A_139 = vector.broadcast %broadcast_in_dim3A_21 : vector<1x2048xi32> to vector<8x2048xi32>
    %eq3A_140 = arith.cmpi eq, %iota3A, %eq3A_139 : vector<8x2048xi32>
    %jit3A_141 = arith.constant 0.000000e+00 : f32
    %broadcast_in_dim3A_142 = vector.broadcast %jit3A_141 : f32 to vector<8x2048xf32>
    %select_n3A_143 = arith.select %eq3A_140, %sub3A_138, %broadcast_in_dim3A_142 : vector<8x2048xi1>, vector<8x2048xf32>
    %reduce_sum3A_144 = arith.constant dense<0.000000e+00> : vector<2048xf32>
    %reduce_sum3A_145 = vector.multi_reduction <add>, %select_n3A_143, %reduce_sum3A_144 [0] : vector<8x2048xf32> to vector<2048xf32>
    %eq3A_146 = vector.broadcast %broadcast_in_dim3A_37 : vector<1x2048xi32> to vector<8x2048xi32>
    %eq3A_147 = arith.cmpi eq, %iota3A, %eq3A_146 : vector<8x2048xi32>
    %jit3A_148 = arith.constant 0.000000e+00 : f32
    %broadcast_in_dim3A_149 = vector.broadcast %jit3A_148 : f32 to vector<8x2048xf32>
    %select_n3A_150 = arith.select %eq3A_147, %sub3A_138, %broadcast_in_dim3A_149 : vector<8x2048xi1>, vector<8x2048xf32>
    %reduce_sum3A_151 = arith.constant dense<0.000000e+00> : vector<2048xf32>
    %reduce_sum3A_152 = vector.multi_reduction <add>, %select_n3A_150, %reduce_sum3A_151 [0] : vector<8x2048xf32> to vector<2048xf32>
    %convert_element_type3A_153 = arith.fptosi %reduce_sum3A_145 : vector<2048xf32> to vector<2048xi32>
    %swap3A_154 = arith.constant 0 : index
    %swap3A_155 = vector.load %arg3[%swap3A_154] : memref<2048xi32, #tpu.memory_space<vmem>>, vector<2048xi32>
    tpu.vector_store %arg3[%swap3A_154], %convert_element_type3A_153 {strides = array<i32>} : memref<2048xi32, #tpu.memory_space<vmem>>, vector<2048xi32>,
    %convert_element_type3A_156 = arith.fptosi %reduce_sum3A_152 : vector<2048xf32> to vector<2048xi32>
    %swap3A_157 = arith.constant 0 : index
    %swap3A_158 = vector.load %arg4[%swap3A_157] : memref<2048xi32, #tpu.memory_space<vmem>>, vector<2048xi32>
    tpu.vector_store %arg4[%swap3A_157], %convert_element_type3A_156 {strides = array<i32>} : memref<2048xi32, #tpu.memory_space<vmem>>, vector<2048xi32>,
    %iota3A_159 = tpu.iota {dimensions = array<i32: 1>} : vector<8x32xi32>
    %convert_element_type3A_160 = arith.sitofp %iota3A_159 : vector<8x32xi32> to vector<8x32xf32>
    %mul3A_161 = arith.constant 2.560000e+02 : f32
    %mul3A_162 = vector.broadcast %mul3A_161 : f32 to vector<8x32xf32>
    %mul3A_163 = arith.mulf %convert_element_type3A_160, %mul3A_162 : vector<8x32xf32>
    %le3A_164 = vector.broadcast %dot_general3A_132 : vector<8x1xf32> to vector<8x32xf32>
    %le3A_165 = arith.cmpf ole, %le3A_164, %mul3A_163 : vector<8x32xf32>
    %convert_element_type3A_166 = arith.extui %le3A_165 : vector<8x32xi1> to vector<8x32xi32>
    %reduce_sum3A_167 = arith.constant dense<0> : vector<32xi32>
    %reduce_sum3A_168 = vector.multi_reduction <add>, %convert_element_type3A_166, %reduce_sum3A_167 [0] : vector<8x32xi32> to vector<32xi32>
    %min3A = arith.constant 7 : i32
    %min3A_169 = vector.broadcast %min3A : i32 to vector<32xi32>
    %min3A_170 = arith.minsi %reduce_sum3A_168, %min3A_169 : vector<32xi32>
    %iota3A_171 = tpu.iota {dimensions = array<i32: 1>} : vector<8x32xi32>
    %iota3A_172 = tpu.iota {dimensions = array<i32: 0>} : vector<8x32xi32>
    %eq3A_173 = arith.constant 31 : i32
    %eq3A_174 = vector.broadcast %eq3A_173 : i32 to vector<8x32xi32>
    %eq3A_175 = arith.cmpi eq, %iota3A_171, %eq3A_174 : vector<8x32xi32>
    %eq3A_176 = arith.constant 7 : i32
    %eq3A_177 = vector.broadcast %eq3A_176 : i32 to vector<8x32xi32>
    %eq3A_178 = arith.cmpi eq, %iota3A_172, %eq3A_177 : vector<8x32xi32>
    %and3A = arith.andi %eq3A_175, %eq3A_178 : vector<8x32xi1>
    %mul3A_179 = arith.constant 3.906250e-03 : f32
    %mul3A_180 = vector.broadcast %mul3A_179 : f32 to vector<8x1xf32>
    %mul3A_181 = arith.mulf %dot_general3A_132, %mul3A_180 : vector<8x1xf32>
    %jit3A_182 = arith.constant 0.000000e+00 : f32
    %broadcast_in_dim3A_183 = vector.shape_cast %mul3A_181 : vector<8x1xf32> to vector<8x1xf32>
    %broadcast_in_dim3A_184 = vector.broadcast %broadcast_in_dim3A_183 : vector<8x1xf32> to vector<8x32xf32>
    %broadcast_in_dim3A_185 = vector.broadcast %jit3A_182 : f32 to vector<8x32xf32>
    %select_n3A_186 = arith.select %and3A, %broadcast_in_dim3A_184, %broadcast_in_dim3A_185 : vector<8x32xi1>, vector<8x32xf32>
    %reduce_sum3A_187 = arith.constant dense<0.000000e+00> : vector<32xf32>
    %reduce_sum3A_188 = vector.multi_reduction <add>, %select_n3A_186, %reduce_sum3A_187 [0] : vector<8x32xf32> to vector<32xf32>
    %convert_element_type3A_189 = arith.fptosi %reduce_sum3A_188 : vector<32xf32> to vector<32xi32>
    %iota3A_190 = tpu.iota {dimensions = array<i32: 1>} : vector<1x32xi32>
    %iota3A_191 = vector.shape_cast %iota3A_190 : vector<1x32xi32> to vector<32xi32>
    %eq3A_192 = arith.constant 31 : i32
    %eq3A_193 = vector.broadcast %eq3A_192 : i32 to vector<32xi32>
    %eq3A_194 = arith.cmpi eq, %iota3A_191, %eq3A_193 : vector<32xi32>
    %select_n3A_195 = arith.select %eq3A_194, %convert_element_type3A_189, %min3A_170 : vector<32xi1>, vector<32xi32>
    %swap3A_196 = arith.constant 0 : index
    %swap3A_197 = vector.load %arg7[%swap3A_196] : memref<32xi32, #tpu.memory_space<vmem>>, vector<32xi32>
    tpu.vector_store %arg7[%swap3A_196], %select_n3A_195 {strides = array<i32>} : memref<32xi32, #tpu.memory_space<vmem>>, vector<32xi32>,
    %gt3A = arith.constant 0.000000e+00 : f32
    %gt3A_198 = vector.broadcast %gt3A : f32 to vector<8x1xf32>
    %gt3A_199 = arith.cmpf ogt, %mul3A_125, %gt3A_198 : vector<8x1xf32>
    %convert_element_type3A_200 = arith.sitofp %iota3A_126 : vector<8x8xi32> to vector<8x8xf32>
    %convert_element_type3A_201 = arith.sitofp %iota3A_127 : vector<8x8xi32> to vector<8x8xf32>
    %lt3A = arith.cmpf olt, %convert_element_type3A_201, %convert_element_type3A_200 : vector<8x8xf32>
    %convert_element_type3A_202 = arith.extui %lt3A : vector<8x8xi1> to vector<8x8xi32>
    %convert_element_type3A_203 = arith.sitofp %convert_element_type3A_202 : vector<8x8xi32> to vector<8x8xf32>
    %jit3A_204 = arith.constant 1.000000e+00 : f32
    %jit3A_205 = arith.constant 0.000000e+00 : f32
    %broadcast_in_dim3A_206 = vector.broadcast %jit3A_204 : f32 to vector<8x1xf32>
    %broadcast_in_dim3A_207 = vector.broadcast %jit3A_205 : f32 to vector<8x1xf32>
    %select_n3A_208 = arith.select %gt3A_199, %broadcast_in_dim3A_206, %broadcast_in_dim3A_207 : vector<8x1xi1>, vector<8x1xf32>
    %dot_general3A_209 = arith.constant dense<0.000000e+00> : vector<8x1xf32>
    %dot_general3A_210 = tpu.matmul %convert_element_type3A_203, %select_n3A_208, %dot_general3A_209 {dimension_numbers = #tpu.dot_dimension_numbers<[1], [0], [0], [1], [0, 0, 1, 1], [], []>, transpose_lhs_hint = false} : vector<8x8xf32>, vector<8x1xf32>, vector<8x1xf32> -> vector<8x1xf32>
    %broadcast_in_dim3A_211 = vector.shape_cast %gt3A_199 : vector<8x1xi1> to vector<8x1xi1>
    %broadcast_in_dim3A_212 = vector.broadcast %broadcast_in_dim3A_211 : vector<8x1xi1> to vector<8x32xi1>
    %convert_element_type3A_213 = arith.fptosi %dot_general3A_210 : vector<8x1xf32> to vector<8x1xi32>
    %broadcast_in_dim3A_214 = vector.shape_cast %convert_element_type3A_213 : vector<8x1xi32> to vector<8x1xi32>
    %broadcast_in_dim3A_215 = vector.broadcast %broadcast_in_dim3A_214 : vector<8x1xi32> to vector<8x32xi32>
    %eq3A_216 = arith.cmpi eq, %broadcast_in_dim3A_215, %iota3A_171 : vector<8x32xi32>
    %and3A_217 = arith.andi %broadcast_in_dim3A_212, %eq3A_216 : vector<8x32xi1>
    %jit3A_218 = arith.constant 0 : i32
    %broadcast_in_dim3A_219 = vector.broadcast %jit3A_218 : i32 to vector<8x32xi32>
    %select_n3A_220 = arith.select %and3A_217, %iota3A_172, %broadcast_in_dim3A_219 : vector<8x32xi1>, vector<8x32xi32>
    %reduce_sum3A_221 = arith.constant dense<0> : vector<32xi32>
    %reduce_sum3A_222 = vector.multi_reduction <add>, %select_n3A_220, %reduce_sum3A_221 [0] : vector<8x32xi32> to vector<32xi32>
    %jit3A_223 = arith.constant 1 : i32
    %jit3A_224 = arith.constant 0 : i32
    %broadcast_in_dim3A_225 = vector.broadcast %jit3A_223 : i32 to vector<8x1xi32>
    %broadcast_in_dim3A_226 = vector.broadcast %jit3A_224 : i32 to vector<8x1xi32>
    %select_n3A_227 = arith.select %gt3A_199, %broadcast_in_dim3A_225, %broadcast_in_dim3A_226 : vector<8x1xi1>, vector<8x1xi32>
    %reduce_sum3A_228 = vector.shape_cast %select_n3A_227 : vector<8x1xi32> to vector<1x8x1xi32>
    %reduce_sum3A_229 = arith.constant dense<0> : vector<1xi32>
    %reduce_sum3A_230 = vector.multi_reduction <add>, %reduce_sum3A_228, %reduce_sum3A_229 [1, 2] : vector<1x8x1xi32> to vector<1xi32>
    %reduce_sum3A_231 = vector.shape_cast %reduce_sum3A_230 : vector<1xi32> to vector<1x1x1xi32>
    %reduce_sum3A_232 = vector.extract %reduce_sum3A_231[0, 0, 0] : i32 from vector<1x1x1xi32>
    %iota3A_233 = tpu.iota {dimensions = array<i32: 1>} : vector<1x32xi32>
    %iota3A_234 = vector.shape_cast %iota3A_233 : vector<1x32xi32> to vector<32xi32>
    %lt3A_235 = vector.broadcast %reduce_sum3A_232 : i32 to vector<32xi32>
    %lt3A_236 = arith.cmpi slt, %iota3A_234, %lt3A_235 : vector<32xi32>
    %jit3A_237 = arith.constant 7 : i32
    %broadcast_in_dim3A_238 = vector.broadcast %jit3A_237 : i32 to vector<32xi32>
    %select_n3A_239 = arith.select %lt3A_236, %reduce_sum3A_222, %broadcast_in_dim3A_238 : vector<32xi1>, vector<32xi32>
    %eq3A_240 = arith.constant 8 : i32
    %eq3A_241 = vector.broadcast %eq3A_240 : i32 to vector<32xi32>
    %eq3A_242 = arith.cmpi eq, %iota3A_234, %eq3A_241 : vector<32xi32>
    %broadcast_in_dim3A_243 = vector.broadcast %reduce_sum3A_232 : i32 to vector<32xi32>
    %select_n3A_244 = arith.select %eq3A_242, %broadcast_in_dim3A_243, %select_n3A_239 : vector<32xi1>, vector<32xi32>
    %swap3A_245 = arith.constant 0 : index
    %swap3A_246 = vector.load %arg9[%swap3A_245] : memref<32xi32, #tpu.memory_space<vmem>>, vector<32xi32>
    tpu.vector_store %arg9[%swap3A_245], %select_n3A_244 {strides = array<i32>} : memref<32xi32, #tpu.memory_space<vmem>>, vector<32xi32>,
    %broadcast_in_dim3A_247 = vector.shape_cast %dot_general3A_132 : vector<8x1xf32> to vector<8x1xf32>
    %broadcast_in_dim3A_248 = vector.broadcast %broadcast_in_dim3A_247 : vector<8x1xf32> to vector<8x32xf32>
    %le3A_249 = arith.cmpf ole, %broadcast_in_dim3A_248, %mul3A_163 : vector<8x32xf32>
    %and3A_250 = arith.andi %broadcast_in_dim3A_212, %le3A_249 : vector<8x32xi1>
    %jit3A_251 = arith.constant 1 : i32
    %jit3A_252 = arith.constant 0 : i32
    %broadcast_in_dim3A_253 = vector.broadcast %jit3A_251 : i32 to vector<8x32xi32>
    %broadcast_in_dim3A_254 = vector.broadcast %jit3A_252 : i32 to vector<8x32xi32>
    %select_n3A_255 = arith.select %and3A_250, %broadcast_in_dim3A_253, %broadcast_in_dim3A_254 : vector<8x32xi1>, vector<8x32xi32>
    %reduce_sum3A_256 = arith.constant dense<0> : vector<32xi32>
    %reduce_sum3A_257 = vector.multi_reduction <add>, %select_n3A_255, %reduce_sum3A_256 [0] : vector<8x32xi32> to vector<32xi32>
    %broadcast_in_dim3A_258 = vector.shape_cast %sub3A_133 : vector<8x1xf32> to vector<8x1xf32>
    %broadcast_in_dim3A_259 = vector.broadcast %broadcast_in_dim3A_258 : vector<8x1xf32> to vector<8x32xf32>
    %eq3A_260 = arith.cmpf oeq, %broadcast_in_dim3A_259, %mul3A_163 : vector<8x32xf32>
    %and3A_261 = arith.andi %broadcast_in_dim3A_212, %eq3A_260 : vector<8x32xi1>
    %jit3A_262 = arith.constant 1 : i32
    %jit3A_263 = arith.constant 0 : i32
    %broadcast_in_dim3A_264 = vector.broadcast %jit3A_262 : i32 to vector<8x32xi32>
    %broadcast_in_dim3A_265 = vector.broadcast %jit3A_263 : i32 to vector<8x32xi32>
    %select_n3A_266 = arith.select %and3A_261, %broadcast_in_dim3A_264, %broadcast_in_dim3A_265 : vector<8x32xi1>, vector<8x32xi32>
    %reduce_sum3A_267 = arith.constant dense<0> : vector<32xi32>
    %reduce_sum3A_268 = vector.multi_reduction <add>, %select_n3A_266, %reduce_sum3A_267 [0] : vector<8x32xi32> to vector<32xi32>
    %mul3A_269 = arith.constant 2 : i32
    %mul3A_270 = vector.broadcast %mul3A_269 : i32 to vector<32xi32>
    %mul3A_271 = arith.muli %reduce_sum3A_257, %mul3A_270 : vector<32xi32>
    %add3A_272 = arith.addi %mul3A_271, %reduce_sum3A_268 : vector<32xi32>
    %swap3A_273 = arith.constant 0 : index
    %swap3A_274 = vector.load %arg8[%swap3A_273] : memref<32xi32, #tpu.memory_space<vmem>>, vector<32xi32>
    tpu.vector_store %arg8[%swap3A_273], %add3A_272 {strides = array<i32>} : memref<32xi32, #tpu.memory_space<vmem>>, vector<32xi32>,
    return
  }
}

module attributes {stable_mosaic.version = 14 : i64} {
  func.func @_mlp_body(%arg0: i32, %arg1: memref<32xi32, #tpu.memory_space<smem>>, %arg2: memref<32xi32, #tpu.memory_space<smem>>, %arg3: memref<32xi32, #tpu.memory_space<smem>>, %arg4: memref<256x768xf32, #tpu.memory_space<vmem>>, %arg5: memref<1x1x768xf32, #tpu.memory_space<vmem>>, %arg6: memref<1x1x768xf32, #tpu.memory_space<vmem>>, %arg7: memref<1x1x768xf32, #tpu.memory_space<vmem>>, %arg8: memref<8x768x768xf32, #tpu.memory_space<any>>, %arg9: memref<8x768x768xf32, #tpu.memory_space<any>>, %arg10: memref<8x768x768xf32, #tpu.memory_space<any>>, %arg11: memref<256x768xf32, #tpu.memory_space<vmem>>, %arg12: memref<3x768x768xf32, #tpu.memory_space<vmem>>, %arg13: memref<3x768x768xf32, #tpu.memory_space<vmem>>, %arg14: memref<3x768x768xf32, #tpu.memory_space<vmem>>, %arg15: memref<3x!tpu.dma_semaphore, #tpu.memory_space<semaphore_mem>>, %arg16: memref<3x!tpu.dma_semaphore, #tpu.memory_space<semaphore_mem>>, %arg17: memref<3x!tpu.dma_semaphore, #tpu.memory_space<semaphore_mem>>) attributes {dimension_semantics = [#tpu.dimension_semantics<arbitrary>], iteration_bounds = array<i64: 24>, scalar_prefetch = 3 : i64, scratch_operands = 6 : i64, tpu.core_type = #tpu.core_type<tc>, window_params = [{transform_indices = @transform_0, window_bounds = array<i64: 256, 768>}, {transform_indices = @transform_1, window_bounds = array<i64: 1, 1, 768>}, {transform_indices = @transform_2, window_bounds = array<i64: 1, 1, 768>}, {transform_indices = @transform_3, window_bounds = array<i64: 1, 1, 768>}, {}, {}, {}, {transform_indices = @transform_7, window_bounds = array<i64: 256, 768>}]} {
    %get3A = arith.constant 31 : index
    %get3A_0 = memref.load %arg1[%get3A] : memref<32xi32, #tpu.memory_space<smem>>
    %get3A_1 = arith.constant 8 : index
    %get3A_2 = memref.load %arg3[%get3A_1] : memref<32xi32, #tpu.memory_space<smem>>
    %get3A_3 = arith.index_cast %arg0 : i32 to index
    %get3A_4 = memref.load %arg2[%get3A_3] : memref<32xi32, #tpu.memory_space<smem>>
    %jit3A = arith.constant 2 : i32
    %div3A = arith.divsi %get3A_4, %jit3A : i32
    %sign3A = arith.constant 0 : i32
    %sign3A_5 = arith.cmpi sgt, %get3A_4, %sign3A : i32
    %sign3A_6 = arith.extui %sign3A_5 : i1 to i32
    %sign3A_7 = arith.constant 0 : i32
    %sign3A_8 = arith.cmpi slt, %get3A_4, %sign3A_7 : i32
    %sign3A_9 = arith.extui %sign3A_8 : i1 to i32
    %sign3A_10 = arith.subi %sign3A_6, %sign3A_9 : i32
    %sign3A_11 = arith.constant 0 : i32
    %sign3A_12 = arith.cmpi sgt, %jit3A, %sign3A_11 : i32
    %sign3A_13 = arith.extui %sign3A_12 : i1 to i32
    %sign3A_14 = arith.constant 0 : i32
    %sign3A_15 = arith.cmpi slt, %jit3A, %sign3A_14 : i32
    %sign3A_16 = arith.extui %sign3A_15 : i1 to i32
    %sign3A_17 = arith.subi %sign3A_13, %sign3A_16 : i32
    %ne3A = arith.cmpi ne, %sign3A_10, %sign3A_17 : i32
    %rem3A = arith.remsi %get3A_4, %jit3A : i32
    %ne3A_18 = arith.constant 0 : i32
    %ne3A_19 = arith.cmpi ne, %rem3A, %ne3A_18 : i32
    %and3A = arith.andi %ne3A, %ne3A_19 : i1
    %sub3A = arith.constant 1 : i32
    %sub3A_20 = arith.subi %div3A, %sub3A : i32
    %select_n3A = arith.select %and3A, %sub3A_20, %div3A : i32
    %mul3A = arith.constant 2 : i32
    %mul3A_21 = arith.muli %mul3A, %select_n3A : i32
    %sub3A_22 = arith.subi %get3A_4, %mul3A_21 : i32
    %eq3A = arith.constant 0 : i32
    %eq3A_23 = arith.cmpi eq, %arg0, %eq3A : i32
    %convert_element_type3A = arith.extui %eq3A_23 : i1 to i32
    %cond3A = arith.constant 0 : i32
    %cond3A_24 = arith.cmpi ne, %convert_element_type3A, %cond3A : i32
    scf.if %cond3A_24 {
      %lt3A_35 = arith.constant 0 : i32
      %lt3A_36 = arith.cmpi slt, %lt3A_35, %get3A_2 : i32
      %convert_element_type3A_37 = arith.extui %lt3A_36 : i1 to i32
      %cond3A_38 = arith.constant 0 : i32
      %cond3A_39 = arith.constant 0 : i32
      %cond3A_40 = arith.cmpi ne, %convert_element_type3A_37, %cond3A_39 : i32
      scf.if %cond3A_40 {
        %min3A = arith.constant 7 : i32
        %min3A_47 = arith.minsi %cond3A_38, %min3A : i32
        %get3A_48 = arith.index_cast %min3A_47 : i32 to index
        %get3A_49 = memref.load %arg3[%get3A_48] : memref<32xi32, #tpu.memory_space<smem>>
        %rem3A_50 = arith.constant 3 : i32
        %rem3A_51 = arith.remsi %cond3A_38, %rem3A_50 : i32
        %dma_start3A = tpu.memref_slice %arg15[%rem3A_51] : memref<3x!tpu.dma_semaphore, #tpu.memory_space<semaphore_mem>> -> memref<1x!tpu.dma_semaphore, #tpu.memory_space<semaphore_mem>>
        %dma_start3A_52 = tpu.memref_squeeze %dma_start3A : memref<1x!tpu.dma_semaphore, #tpu.memory_space<semaphore_mem>> -> memref<!tpu.dma_semaphore, #tpu.memory_space<semaphore_mem>>
        %dma_start3A_53 = arith.constant 0 : i32
        %dma_start3A_54 = arith.constant 0 : i32
        %dma_start3A_55 = tpu.memref_slice %arg12[%rem3A_51, %dma_start3A_53, %dma_start3A_54] : memref<3x768x768xf32, #tpu.memory_space<vmem>> -> memref<1x768x768xf32, #tpu.memory_space<vmem>>
        %dma_start3A_56 = tpu.memref_squeeze %dma_start3A_55 : memref<1x768x768xf32, #tpu.memory_space<vmem>> -> memref<768x768xf32, #tpu.memory_space<vmem>>
        %dma_start3A_57 = arith.constant 0 : i32
        %dma_start3A_58 = arith.constant 0 : i32
        %dma_start3A_59 = tpu.memref_slice %arg8[%get3A_49, %dma_start3A_57, %dma_start3A_58] : memref<8x768x768xf32, #tpu.memory_space<any>> -> memref<1x768x768xf32, #tpu.memory_space<any>>
        %dma_start3A_60 = tpu.memref_squeeze %dma_start3A_59 : memref<1x768x768xf32, #tpu.memory_space<any>> -> memref<768x768xf32, #tpu.memory_space<any>>
        tpu.enqueue_dma source(%dma_start3A_60 : memref<768x768xf32, #tpu.memory_space<any>>) target(%dma_start3A_56 : memref<768x768xf32, #tpu.memory_space<vmem>>) target_semaphore(%dma_start3A_52 : memref<!tpu.dma_semaphore, #tpu.memory_space<semaphore_mem>>)
        %dma_start3A_61 = tpu.memref_slice %arg16[%rem3A_51] : memref<3x!tpu.dma_semaphore, #tpu.memory_space<semaphore_mem>> -> memref<1x!tpu.dma_semaphore, #tpu.memory_space<semaphore_mem>>
        %dma_start3A_62 = tpu.memref_squeeze %dma_start3A_61 : memref<1x!tpu.dma_semaphore, #tpu.memory_space<semaphore_mem>> -> memref<!tpu.dma_semaphore, #tpu.memory_space<semaphore_mem>>
        %dma_start3A_63 = arith.constant 0 : i32
        %dma_start3A_64 = arith.constant 0 : i32
        %dma_start3A_65 = tpu.memref_slice %arg13[%rem3A_51, %dma_start3A_63, %dma_start3A_64] : memref<3x768x768xf32, #tpu.memory_space<vmem>> -> memref<1x768x768xf32, #tpu.memory_space<vmem>>
        %dma_start3A_66 = tpu.memref_squeeze %dma_start3A_65 : memref<1x768x768xf32, #tpu.memory_space<vmem>> -> memref<768x768xf32, #tpu.memory_space<vmem>>
        %dma_start3A_67 = arith.constant 0 : i32
        %dma_start3A_68 = arith.constant 0 : i32
        %dma_start3A_69 = tpu.memref_slice %arg9[%get3A_49, %dma_start3A_67, %dma_start3A_68] : memref<8x768x768xf32, #tpu.memory_space<any>> -> memref<1x768x768xf32, #tpu.memory_space<any>>
        %dma_start3A_70 = tpu.memref_squeeze %dma_start3A_69 : memref<1x768x768xf32, #tpu.memory_space<any>> -> memref<768x768xf32, #tpu.memory_space<any>>
        tpu.enqueue_dma source(%dma_start3A_70 : memref<768x768xf32, #tpu.memory_space<any>>) target(%dma_start3A_66 : memref<768x768xf32, #tpu.memory_space<vmem>>) target_semaphore(%dma_start3A_62 : memref<!tpu.dma_semaphore, #tpu.memory_space<semaphore_mem>>)
        %dma_start3A_71 = tpu.memref_slice %arg17[%rem3A_51] : memref<3x!tpu.dma_semaphore, #tpu.memory_space<semaphore_mem>> -> memref<1x!tpu.dma_semaphore, #tpu.memory_space<semaphore_mem>>
        %dma_start3A_72 = tpu.memref_squeeze %dma_start3A_71 : memref<1x!tpu.dma_semaphore, #tpu.memory_space<semaphore_mem>> -> memref<!tpu.dma_semaphore, #tpu.memory_space<semaphore_mem>>
        %dma_start3A_73 = arith.constant 0 : i32
        %dma_start3A_74 = arith.constant 0 : i32
        %dma_start3A_75 = tpu.memref_slice %arg14[%rem3A_51, %dma_start3A_73, %dma_start3A_74] : memref<3x768x768xf32, #tpu.memory_space<vmem>> -> memref<1x768x768xf32, #tpu.memory_space<vmem>>
        %dma_start3A_76 = tpu.memref_squeeze %dma_start3A_75 : memref<1x768x768xf32, #tpu.memory_space<vmem>> -> memref<768x768xf32, #tpu.memory_space<vmem>>
        %dma_start3A_77 = arith.constant 0 : i32
        %dma_start3A_78 = arith.constant 0 : i32
        %dma_start3A_79 = tpu.memref_slice %arg10[%get3A_49, %dma_start3A_77, %dma_start3A_78] : memref<8x768x768xf32, #tpu.memory_space<any>> -> memref<1x768x768xf32, #tpu.memory_space<any>>
        %dma_start3A_80 = tpu.memref_squeeze %dma_start3A_79 : memref<1x768x768xf32, #tpu.memory_space<any>> -> memref<768x768xf32, #tpu.memory_space<any>>
        tpu.enqueue_dma source(%dma_start3A_80 : memref<768x768xf32, #tpu.memory_space<any>>) target(%dma_start3A_76 : memref<768x768xf32, #tpu.memory_space<vmem>>) target_semaphore(%dma_start3A_72 : memref<!tpu.dma_semaphore, #tpu.memory_space<semaphore_mem>>)
      } else {
      }
      %lt3A_41 = arith.constant 1 : i32
      %lt3A_42 = arith.cmpi slt, %lt3A_41, %get3A_2 : i32
      %convert_element_type3A_43 = arith.extui %lt3A_42 : i1 to i32
      %cond3A_44 = arith.constant 1 : i32
      %cond3A_45 = arith.constant 0 : i32
      %cond3A_46 = arith.cmpi ne, %convert_element_type3A_43, %cond3A_45 : i32
      scf.if %cond3A_46 {
        %min3A = arith.constant 7 : i32
        %min3A_47 = arith.minsi %cond3A_44, %min3A : i32
        %get3A_48 = arith.index_cast %min3A_47 : i32 to index
        %get3A_49 = memref.load %arg3[%get3A_48] : memref<32xi32, #tpu.memory_space<smem>>
        %rem3A_50 = arith.constant 3 : i32
        %rem3A_51 = arith.remsi %cond3A_44, %rem3A_50 : i32
        %dma_start3A = tpu.memref_slice %arg15[%rem3A_51] : memref<3x!tpu.dma_semaphore, #tpu.memory_space<semaphore_mem>> -> memref<1x!tpu.dma_semaphore, #tpu.memory_space<semaphore_mem>>
        %dma_start3A_52 = tpu.memref_squeeze %dma_start3A : memref<1x!tpu.dma_semaphore, #tpu.memory_space<semaphore_mem>> -> memref<!tpu.dma_semaphore, #tpu.memory_space<semaphore_mem>>
        %dma_start3A_53 = arith.constant 0 : i32
        %dma_start3A_54 = arith.constant 0 : i32
        %dma_start3A_55 = tpu.memref_slice %arg12[%rem3A_51, %dma_start3A_53, %dma_start3A_54] : memref<3x768x768xf32, #tpu.memory_space<vmem>> -> memref<1x768x768xf32, #tpu.memory_space<vmem>>
        %dma_start3A_56 = tpu.memref_squeeze %dma_start3A_55 : memref<1x768x768xf32, #tpu.memory_space<vmem>> -> memref<768x768xf32, #tpu.memory_space<vmem>>
        %dma_start3A_57 = arith.constant 0 : i32
        %dma_start3A_58 = arith.constant 0 : i32
        %dma_start3A_59 = tpu.memref_slice %arg8[%get3A_49, %dma_start3A_57, %dma_start3A_58] : memref<8x768x768xf32, #tpu.memory_space<any>> -> memref<1x768x768xf32, #tpu.memory_space<any>>
        %dma_start3A_60 = tpu.memref_squeeze %dma_start3A_59 : memref<1x768x768xf32, #tpu.memory_space<any>> -> memref<768x768xf32, #tpu.memory_space<any>>
        tpu.enqueue_dma source(%dma_start3A_60 : memref<768x768xf32, #tpu.memory_space<any>>) target(%dma_start3A_56 : memref<768x768xf32, #tpu.memory_space<vmem>>) target_semaphore(%dma_start3A_52 : memref<!tpu.dma_semaphore, #tpu.memory_space<semaphore_mem>>)
        %dma_start3A_61 = tpu.memref_slice %arg16[%rem3A_51] : memref<3x!tpu.dma_semaphore, #tpu.memory_space<semaphore_mem>> -> memref<1x!tpu.dma_semaphore, #tpu.memory_space<semaphore_mem>>
        %dma_start3A_62 = tpu.memref_squeeze %dma_start3A_61 : memref<1x!tpu.dma_semaphore, #tpu.memory_space<semaphore_mem>> -> memref<!tpu.dma_semaphore, #tpu.memory_space<semaphore_mem>>
        %dma_start3A_63 = arith.constant 0 : i32
        %dma_start3A_64 = arith.constant 0 : i32
        %dma_start3A_65 = tpu.memref_slice %arg13[%rem3A_51, %dma_start3A_63, %dma_start3A_64] : memref<3x768x768xf32, #tpu.memory_space<vmem>> -> memref<1x768x768xf32, #tpu.memory_space<vmem>>
        %dma_start3A_66 = tpu.memref_squeeze %dma_start3A_65 : memref<1x768x768xf32, #tpu.memory_space<vmem>> -> memref<768x768xf32, #tpu.memory_space<vmem>>
        %dma_start3A_67 = arith.constant 0 : i32
        %dma_start3A_68 = arith.constant 0 : i32
        %dma_start3A_69 = tpu.memref_slice %arg9[%get3A_49, %dma_start3A_67, %dma_start3A_68] : memref<8x768x768xf32, #tpu.memory_space<any>> -> memref<1x768x768xf32, #tpu.memory_space<any>>
        %dma_start3A_70 = tpu.memref_squeeze %dma_start3A_69 : memref<1x768x768xf32, #tpu.memory_space<any>> -> memref<768x768xf32, #tpu.memory_space<any>>
        tpu.enqueue_dma source(%dma_start3A_70 : memref<768x768xf32, #tpu.memory_space<any>>) target(%dma_start3A_66 : memref<768x768xf32, #tpu.memory_space<vmem>>) target_semaphore(%dma_start3A_62 : memref<!tpu.dma_semaphore, #tpu.memory_space<semaphore_mem>>)
        %dma_start3A_71 = tpu.memref_slice %arg17[%rem3A_51] : memref<3x!tpu.dma_semaphore, #tpu.memory_space<semaphore_mem>> -> memref<1x!tpu.dma_semaphore, #tpu.memory_space<semaphore_mem>>
        %dma_start3A_72 = tpu.memref_squeeze %dma_start3A_71 : memref<1x!tpu.dma_semaphore, #tpu.memory_space<semaphore_mem>> -> memref<!tpu.dma_semaphore, #tpu.memory_space<semaphore_mem>>
        %dma_start3A_73 = arith.constant 0 : i32
        %dma_start3A_74 = arith.constant 0 : i32
        %dma_start3A_75 = tpu.memref_slice %arg14[%rem3A_51, %dma_start3A_73, %dma_start3A_74] : memref<3x768x768xf32, #tpu.memory_space<vmem>> -> memref<1x768x768xf32, #tpu.memory_space<vmem>>
        %dma_start3A_76 = tpu.memref_squeeze %dma_start3A_75 : memref<1x768x768xf32, #tpu.memory_space<vmem>> -> memref<768x768xf32, #tpu.memory_space<vmem>>
        %dma_start3A_77 = arith.constant 0 : i32
        %dma_start3A_78 = arith.constant 0 : i32
        %dma_start3A_79 = tpu.memref_slice %arg10[%get3A_49, %dma_start3A_77, %dma_start3A_78] : memref<8x768x768xf32, #tpu.memory_space<any>> -> memref<1x768x768xf32, #tpu.memory_space<any>>
        %dma_start3A_80 = tpu.memref_squeeze %dma_start3A_79 : memref<1x768x768xf32, #tpu.memory_space<any>> -> memref<768x768xf32, #tpu.memory_space<any>>
        tpu.enqueue_dma source(%dma_start3A_80 : memref<768x768xf32, #tpu.memory_space<any>>) target(%dma_start3A_76 : memref<768x768xf32, #tpu.memory_space<vmem>>) target_semaphore(%dma_start3A_72 : memref<!tpu.dma_semaphore, #tpu.memory_space<semaphore_mem>>)
      } else {
      }
    } else {
    }
    %lt3A = arith.cmpi slt, %arg0, %get3A_0 : i32
    %eq3A_25 = arith.constant 1 : i32
    %eq3A_26 = arith.cmpi eq, %sub3A_22, %eq3A_25 : i32
    %and3A_27 = arith.andi %lt3A, %eq3A_26 : i1
    %convert_element_type3A_28 = arith.extui %and3A_27 : i1 to i32
    %cond3A_29 = arith.constant 0 : i32
    %cond3A_30 = arith.cmpi ne, %convert_element_type3A_28, %cond3A_29 : i32
    scf.if %cond3A_30 {
      %add3A = arith.constant 2 : i32
      %add3A_35 = arith.addi %select_n3A, %add3A : i32
      %lt3A_36 = arith.cmpi slt, %add3A_35, %get3A_2 : i32
      %convert_element_type3A_37 = arith.extui %lt3A_36 : i1 to i32
      %cond3A_38 = arith.constant 0 : i32
      %cond3A_39 = arith.cmpi ne, %convert_element_type3A_37, %cond3A_38 : i32
      scf.if %cond3A_39 {
        %min3A_74 = arith.constant 7 : i32
        %min3A_75 = arith.minsi %add3A_35, %min3A_74 : i32
        %get3A_76 = arith.index_cast %min3A_75 : i32 to index
        %get3A_77 = memref.load %arg3[%get3A_76] : memref<32xi32, #tpu.memory_space<smem>>
        %rem3A_78 = arith.constant 3 : i32
        %rem3A_79 = arith.remsi %add3A_35, %rem3A_78 : i32
        %dma_start3A = tpu.memref_slice %arg15[%rem3A_79] : memref<3x!tpu.dma_semaphore, #tpu.memory_space<semaphore_mem>> -> memref<1x!tpu.dma_semaphore, #tpu.memory_space<semaphore_mem>>
        %dma_start3A_80 = tpu.memref_squeeze %dma_start3A : memref<1x!tpu.dma_semaphore, #tpu.memory_space<semaphore_mem>> -> memref<!tpu.dma_semaphore, #tpu.memory_space<semaphore_mem>>
        %dma_start3A_81 = arith.constant 0 : i32
        %dma_start3A_82 = arith.constant 0 : i32
        %dma_start3A_83 = tpu.memref_slice %arg12[%rem3A_79, %dma_start3A_81, %dma_start3A_82] : memref<3x768x768xf32, #tpu.memory_space<vmem>> -> memref<1x768x768xf32, #tpu.memory_space<vmem>>
        %dma_start3A_84 = tpu.memref_squeeze %dma_start3A_83 : memref<1x768x768xf32, #tpu.memory_space<vmem>> -> memref<768x768xf32, #tpu.memory_space<vmem>>
        %dma_start3A_85 = arith.constant 0 : i32
        %dma_start3A_86 = arith.constant 0 : i32
        %dma_start3A_87 = tpu.memref_slice %arg8[%get3A_77, %dma_start3A_85, %dma_start3A_86] : memref<8x768x768xf32, #tpu.memory_space<any>> -> memref<1x768x768xf32, #tpu.memory_space<any>>
        %dma_start3A_88 = tpu.memref_squeeze %dma_start3A_87 : memref<1x768x768xf32, #tpu.memory_space<any>> -> memref<768x768xf32, #tpu.memory_space<any>>
        tpu.enqueue_dma source(%dma_start3A_88 : memref<768x768xf32, #tpu.memory_space<any>>) target(%dma_start3A_84 : memref<768x768xf32, #tpu.memory_space<vmem>>) target_semaphore(%dma_start3A_80 : memref<!tpu.dma_semaphore, #tpu.memory_space<semaphore_mem>>)
        %dma_start3A_89 = tpu.memref_slice %arg16[%rem3A_79] : memref<3x!tpu.dma_semaphore, #tpu.memory_space<semaphore_mem>> -> memref<1x!tpu.dma_semaphore, #tpu.memory_space<semaphore_mem>>
        %dma_start3A_90 = tpu.memref_squeeze %dma_start3A_89 : memref<1x!tpu.dma_semaphore, #tpu.memory_space<semaphore_mem>> -> memref<!tpu.dma_semaphore, #tpu.memory_space<semaphore_mem>>
        %dma_start3A_91 = arith.constant 0 : i32
        %dma_start3A_92 = arith.constant 0 : i32
        %dma_start3A_93 = tpu.memref_slice %arg13[%rem3A_79, %dma_start3A_91, %dma_start3A_92] : memref<3x768x768xf32, #tpu.memory_space<vmem>> -> memref<1x768x768xf32, #tpu.memory_space<vmem>>
        %dma_start3A_94 = tpu.memref_squeeze %dma_start3A_93 : memref<1x768x768xf32, #tpu.memory_space<vmem>> -> memref<768x768xf32, #tpu.memory_space<vmem>>
        %dma_start3A_95 = arith.constant 0 : i32
        %dma_start3A_96 = arith.constant 0 : i32
        %dma_start3A_97 = tpu.memref_slice %arg9[%get3A_77, %dma_start3A_95, %dma_start3A_96] : memref<8x768x768xf32, #tpu.memory_space<any>> -> memref<1x768x768xf32, #tpu.memory_space<any>>
        %dma_start3A_98 = tpu.memref_squeeze %dma_start3A_97 : memref<1x768x768xf32, #tpu.memory_space<any>> -> memref<768x768xf32, #tpu.memory_space<any>>
        tpu.enqueue_dma source(%dma_start3A_98 : memref<768x768xf32, #tpu.memory_space<any>>) target(%dma_start3A_94 : memref<768x768xf32, #tpu.memory_space<vmem>>) target_semaphore(%dma_start3A_90 : memref<!tpu.dma_semaphore, #tpu.memory_space<semaphore_mem>>)
        %dma_start3A_99 = tpu.memref_slice %arg17[%rem3A_79] : memref<3x!tpu.dma_semaphore, #tpu.memory_space<semaphore_mem>> -> memref<1x!tpu.dma_semaphore, #tpu.memory_space<semaphore_mem>>
        %dma_start3A_100 = tpu.memref_squeeze %dma_start3A_99 : memref<1x!tpu.dma_semaphore, #tpu.memory_space<semaphore_mem>> -> memref<!tpu.dma_semaphore, #tpu.memory_space<semaphore_mem>>
        %dma_start3A_101 = arith.constant 0 : i32
        %dma_start3A_102 = arith.constant 0 : i32
        %dma_start3A_103 = tpu.memref_slice %arg14[%rem3A_79, %dma_start3A_101, %dma_start3A_102] : memref<3x768x768xf32, #tpu.memory_space<vmem>> -> memref<1x768x768xf32, #tpu.memory_space<vmem>>
        %dma_start3A_104 = tpu.memref_squeeze %dma_start3A_103 : memref<1x768x768xf32, #tpu.memory_space<vmem>> -> memref<768x768xf32, #tpu.memory_space<vmem>>
        %dma_start3A_105 = arith.constant 0 : i32
        %dma_start3A_106 = arith.constant 0 : i32
        %dma_start3A_107 = tpu.memref_slice %arg10[%get3A_77, %dma_start3A_105, %dma_start3A_106] : memref<8x768x768xf32, #tpu.memory_space<any>> -> memref<1x768x768xf32, #tpu.memory_space<any>>
        %dma_start3A_108 = tpu.memref_squeeze %dma_start3A_107 : memref<1x768x768xf32, #tpu.memory_space<any>> -> memref<768x768xf32, #tpu.memory_space<any>>
        tpu.enqueue_dma source(%dma_start3A_108 : memref<768x768xf32, #tpu.memory_space<any>>) target(%dma_start3A_104 : memref<768x768xf32, #tpu.memory_space<vmem>>) target_semaphore(%dma_start3A_100 : memref<!tpu.dma_semaphore, #tpu.memory_space<semaphore_mem>>)
      } else {
      }
      %min3A = arith.constant 7 : i32
      %min3A_40 = arith.minsi %select_n3A, %min3A : i32
      %get3A_41 = arith.index_cast %min3A_40 : i32 to index
      %get3A_42 = memref.load %arg3[%get3A_41] : memref<32xi32, #tpu.memory_space<smem>>
      %rem3A_43 = arith.constant 3 : i32
      %rem3A_44 = arith.remsi %select_n3A, %rem3A_43 : i32
      %dma_wait3A = tpu.memref_slice %arg15[%rem3A_44] : memref<3x!tpu.dma_semaphore, #tpu.memory_space<semaphore_mem>> -> memref<1x!tpu.dma_semaphore, #tpu.memory_space<semaphore_mem>>
      %dma_wait3A_45 = tpu.memref_squeeze %dma_wait3A : memref<1x!tpu.dma_semaphore, #tpu.memory_space<semaphore_mem>> -> memref<!tpu.dma_semaphore, #tpu.memory_space<semaphore_mem>>
      %dma_wait3A_46 = arith.constant 0 : i32
      %dma_wait3A_47 = arith.constant 0 : i32
      %dma_wait3A_48 = tpu.memref_slice %arg12[%rem3A_44, %dma_wait3A_46, %dma_wait3A_47] : memref<3x768x768xf32, #tpu.memory_space<vmem>> -> memref<1x768x768xf32, #tpu.memory_space<vmem>>
      %dma_wait3A_49 = tpu.memref_squeeze %dma_wait3A_48 : memref<1x768x768xf32, #tpu.memory_space<vmem>> -> memref<768x768xf32, #tpu.memory_space<vmem>>
      %dma_wait3A_50 = arith.constant 0 : i32
      %dma_wait3A_51 = arith.constant 0 : i32
      %dma_wait3A_52 = tpu.memref_slice %arg8[%get3A_42, %dma_wait3A_50, %dma_wait3A_51] : memref<8x768x768xf32, #tpu.memory_space<any>> -> memref<1x768x768xf32, #tpu.memory_space<any>>
      %dma_wait3A_53 = tpu.memref_squeeze %dma_wait3A_52 : memref<1x768x768xf32, #tpu.memory_space<any>> -> memref<768x768xf32, #tpu.memory_space<any>>
      tpu.wait_dma2 semaphore(%dma_wait3A_45 : memref<!tpu.dma_semaphore, #tpu.memory_space<semaphore_mem>>) src(%dma_wait3A_53 : memref<768x768xf32, #tpu.memory_space<any>>) dst(%dma_wait3A_49 : memref<768x768xf32, #tpu.memory_space<vmem>>)
      %dma_wait3A_54 = tpu.memref_slice %arg16[%rem3A_44] : memref<3x!tpu.dma_semaphore, #tpu.memory_space<semaphore_mem>> -> memref<1x!tpu.dma_semaphore, #tpu.memory_space<semaphore_mem>>
      %dma_wait3A_55 = tpu.memref_squeeze %dma_wait3A_54 : memref<1x!tpu.dma_semaphore, #tpu.memory_space<semaphore_mem>> -> memref<!tpu.dma_semaphore, #tpu.memory_space<semaphore_mem>>
      %dma_wait3A_56 = arith.constant 0 : i32
      %dma_wait3A_57 = arith.constant 0 : i32
      %dma_wait3A_58 = tpu.memref_slice %arg13[%rem3A_44, %dma_wait3A_56, %dma_wait3A_57] : memref<3x768x768xf32, #tpu.memory_space<vmem>> -> memref<1x768x768xf32, #tpu.memory_space<vmem>>
      %dma_wait3A_59 = tpu.memref_squeeze %dma_wait3A_58 : memref<1x768x768xf32, #tpu.memory_space<vmem>> -> memref<768x768xf32, #tpu.memory_space<vmem>>
      %dma_wait3A_60 = arith.constant 0 : i32
      %dma_wait3A_61 = arith.constant 0 : i32
      %dma_wait3A_62 = tpu.memref_slice %arg9[%get3A_42, %dma_wait3A_60, %dma_wait3A_61] : memref<8x768x768xf32, #tpu.memory_space<any>> -> memref<1x768x768xf32, #tpu.memory_space<any>>
      %dma_wait3A_63 = tpu.memref_squeeze %dma_wait3A_62 : memref<1x768x768xf32, #tpu.memory_space<any>> -> memref<768x768xf32, #tpu.memory_space<any>>
      tpu.wait_dma2 semaphore(%dma_wait3A_55 : memref<!tpu.dma_semaphore, #tpu.memory_space<semaphore_mem>>) src(%dma_wait3A_63 : memref<768x768xf32, #tpu.memory_space<any>>) dst(%dma_wait3A_59 : memref<768x768xf32, #tpu.memory_space<vmem>>)
      %dma_wait3A_64 = tpu.memref_slice %arg17[%rem3A_44] : memref<3x!tpu.dma_semaphore, #tpu.memory_space<semaphore_mem>> -> memref<1x!tpu.dma_semaphore, #tpu.memory_space<semaphore_mem>>
      %dma_wait3A_65 = tpu.memref_squeeze %dma_wait3A_64 : memref<1x!tpu.dma_semaphore, #tpu.memory_space<semaphore_mem>> -> memref<!tpu.dma_semaphore, #tpu.memory_space<semaphore_mem>>
      %dma_wait3A_66 = arith.constant 0 : i32
      %dma_wait3A_67 = arith.constant 0 : i32
      %dma_wait3A_68 = tpu.memref_slice %arg14[%rem3A_44, %dma_wait3A_66, %dma_wait3A_67] : memref<3x768x768xf32, #tpu.memory_space<vmem>> -> memref<1x768x768xf32, #tpu.memory_space<vmem>>
      %dma_wait3A_69 = tpu.memref_squeeze %dma_wait3A_68 : memref<1x768x768xf32, #tpu.memory_space<vmem>> -> memref<768x768xf32, #tpu.memory_space<vmem>>
      %dma_wait3A_70 = arith.constant 0 : i32
      %dma_wait3A_71 = arith.constant 0 : i32
      %dma_wait3A_72 = tpu.memref_slice %arg10[%get3A_42, %dma_wait3A_70, %dma_wait3A_71] : memref<8x768x768xf32, #tpu.memory_space<any>> -> memref<1x768x768xf32, #tpu.memory_space<any>>
      %dma_wait3A_73 = tpu.memref_squeeze %dma_wait3A_72 : memref<1x768x768xf32, #tpu.memory_space<any>> -> memref<768x768xf32, #tpu.memory_space<any>>
      tpu.wait_dma2 semaphore(%dma_wait3A_65 : memref<!tpu.dma_semaphore, #tpu.memory_space<semaphore_mem>>) src(%dma_wait3A_73 : memref<768x768xf32, #tpu.memory_space<any>>) dst(%dma_wait3A_69 : memref<768x768xf32, #tpu.memory_space<vmem>>)
    } else {
    }
    %lt3A_31 = arith.cmpi slt, %arg0, %get3A_0 : i32
    %convert_element_type3A_32 = arith.extui %lt3A_31 : i1 to i32
    %cond3A_33 = arith.constant 0 : i32
    %cond3A_34 = arith.cmpi ne, %convert_element_type3A_32, %cond3A_33 : i32
    scf.if %cond3A_34 {
      %rem3A_35 = arith.constant 3 : i32
      %rem3A_36 = arith.remsi %select_n3A, %rem3A_35 : i32
      %get3A_37 = arith.constant 0 : index
      %get3A_38 = arith.constant 0 : index
      %get3A_39 = vector.load %arg4[%get3A_37, %get3A_38] : memref<256x768xf32, #tpu.memory_space<vmem>>, vector<256x768xf32>
      %get3A_40 = arith.index_cast %rem3A_36 : i32 to index
      %get3A_41 = arith.constant 0 : index
      %get3A_42 = arith.constant 0 : index
      %get3A_43 = vector.load %arg12[%get3A_40, %get3A_41, %get3A_42] : memref<3x768x768xf32, #tpu.memory_space<vmem>>, vector<1x768x768xf32>
      %get3A_44 = vector.shape_cast %get3A_43 : vector<1x768x768xf32> to vector<768x768xf32>
      %dot_general3A = arith.constant dense<0.000000e+00> : vector<256x768xf32>
      %dot_general3A_45 = tpu.matmul %get3A_39, %get3A_44, %dot_general3A {dimension_numbers = #tpu.dot_dimension_numbers<[1], [1], [0], [0], [0, 0, 1, 0], [], []>, transpose_lhs_hint = false} : vector<256x768xf32>, vector<768x768xf32>, vector<256x768xf32> -> vector<256x768xf32>
      %get3A_46 = arith.constant 0 : index
      %get3A_47 = arith.constant 0 : index
      %get3A_48 = arith.constant 0 : index
      %get3A_49 = vector.load %arg5[%get3A_46, %get3A_47, %get3A_48] : memref<1x1x768xf32, #tpu.memory_space<vmem>>, vector<1x1x768xf32>
      %get3A_50 = vector.shape_cast %get3A_49 : vector<1x1x768xf32> to vector<1x768xf32>
      %add3A = vector.broadcast %get3A_50 : vector<1x768xf32> to vector<256x768xf32>
      %add3A_51 = arith.addf %dot_general3A_45, %add3A : vector<256x768xf32>
      %max3A = arith.constant 0.000000e+00 : f32
      %max3A_52 = vector.broadcast %max3A : f32 to vector<256x768xf32>
      %max3A_53 = arith.maximumf %add3A_51, %max3A_52 : vector<256x768xf32>
      %get3A_54 = arith.index_cast %rem3A_36 : i32 to index
      %get3A_55 = arith.constant 0 : index
      %get3A_56 = arith.constant 0 : index
      %get3A_57 = vector.load %arg13[%get3A_54, %get3A_55, %get3A_56] : memref<3x768x768xf32, #tpu.memory_space<vmem>>, vector<1x768x768xf32>
      %get3A_58 = vector.shape_cast %get3A_57 : vector<1x768x768xf32> to vector<768x768xf32>
      %dot_general3A_59 = arith.constant dense<0.000000e+00> : vector<256x768xf32>
      %dot_general3A_60 = tpu.matmul %max3A_53, %get3A_58, %dot_general3A_59 {dimension_numbers = #tpu.dot_dimension_numbers<[1], [1], [0], [0], [0, 0, 1, 0], [], []>, transpose_lhs_hint = false} : vector<256x768xf32>, vector<768x768xf32>, vector<256x768xf32> -> vector<256x768xf32>
      %get3A_61 = arith.constant 0 : index
      %get3A_62 = arith.constant 0 : index
      %get3A_63 = arith.constant 0 : index
      %get3A_64 = vector.load %arg6[%get3A_61, %get3A_62, %get3A_63] : memref<1x1x768xf32, #tpu.memory_space<vmem>>, vector<1x1x768xf32>
      %get3A_65 = vector.shape_cast %get3A_64 : vector<1x1x768xf32> to vector<1x768xf32>
      %add3A_66 = vector.broadcast %get3A_65 : vector<1x768xf32> to vector<256x768xf32>
      %add3A_67 = arith.addf %dot_general3A_60, %add3A_66 : vector<256x768xf32>
      %max3A_68 = arith.constant 0.000000e+00 : f32
      %max3A_69 = vector.broadcast %max3A_68 : f32 to vector<256x768xf32>
      %max3A_70 = arith.maximumf %add3A_67, %max3A_69 : vector<256x768xf32>
      %get3A_71 = arith.index_cast %rem3A_36 : i32 to index
      %get3A_72 = arith.constant 0 : index
      %get3A_73 = arith.constant 0 : index
      %get3A_74 = vector.load %arg14[%get3A_71, %get3A_72, %get3A_73] : memref<3x768x768xf32, #tpu.memory_space<vmem>>, vector<1x768x768xf32>
      %get3A_75 = vector.shape_cast %get3A_74 : vector<1x768x768xf32> to vector<768x768xf32>
      %dot_general3A_76 = arith.constant dense<0.000000e+00> : vector<256x768xf32>
      %dot_general3A_77 = tpu.matmul %max3A_70, %get3A_75, %dot_general3A_76 {dimension_numbers = #tpu.dot_dimension_numbers<[1], [1], [0], [0], [0, 0, 1, 0], [], []>, transpose_lhs_hint = false} : vector<256x768xf32>, vector<768x768xf32>, vector<256x768xf32> -> vector<256x768xf32>
      %get3A_78 = arith.constant 0 : index
      %get3A_79 = arith.constant 0 : index
      %get3A_80 = arith.constant 0 : index
      %get3A_81 = vector.load %arg7[%get3A_78, %get3A_79, %get3A_80] : memref<1x1x768xf32, #tpu.memory_space<vmem>>, vector<1x1x768xf32>
      %get3A_82 = vector.shape_cast %get3A_81 : vector<1x1x768xf32> to vector<1x768xf32>
      %add3A_83 = vector.broadcast %get3A_82 : vector<1x768xf32> to vector<256x768xf32>
      %add3A_84 = arith.addf %dot_general3A_77, %add3A_83 : vector<256x768xf32>
      %swap3A = arith.constant 0 : index
      %swap3A_85 = arith.constant 0 : index
      %swap3A_86 = vector.load %arg11[%swap3A, %swap3A_85] : memref<256x768xf32, #tpu.memory_space<vmem>>, vector<256x768xf32>
      tpu.vector_store %arg11[%swap3A, %swap3A_85], %add3A_84 {strides = array<i32>} : memref<256x768xf32, #tpu.memory_space<vmem>>, vector<256x768xf32>,
    } else {
    }
    return
  }
  func.func @transform_0(%arg0: i32, %arg1: memref<32xi32, #tpu.memory_space<smem>>, %arg2: memref<32xi32, #tpu.memory_space<smem>>, %arg3: memref<32xi32, #tpu.memory_space<smem>>) -> (i32, i32) {
    %c0_i32 = arith.constant 0 : i32
    %c0_i32_0 = arith.constant 0 : i32
    return %arg0, %c0_i32 : i32, i32
  }
  func.func @transform_1(%arg0: i32, %arg1: memref<32xi32, #tpu.memory_space<smem>>, %arg2: memref<32xi32, #tpu.memory_space<smem>>, %arg3: memref<32xi32, #tpu.memory_space<smem>>) -> (i32, i32, i32) {
    %get3A = arith.index_cast %arg0 : i32 to index
    %get3A_0 = memref.load %arg1[%get3A] : memref<32xi32, #tpu.memory_space<smem>>
    %c0_i32 = arith.constant 0 : i32
    %c0_i32_1 = arith.constant 0 : i32
    %c0_i32_2 = arith.constant 0 : i32
    return %get3A_0, %c0_i32, %c0_i32_1 : i32, i32, i32
  }
  func.func @transform_2(%arg0: i32, %arg1: memref<32xi32, #tpu.memory_space<smem>>, %arg2: memref<32xi32, #tpu.memory_space<smem>>, %arg3: memref<32xi32, #tpu.memory_space<smem>>) -> (i32, i32, i32) {
    %get3A = arith.index_cast %arg0 : i32 to index
    %get3A_0 = memref.load %arg1[%get3A] : memref<32xi32, #tpu.memory_space<smem>>
    %c0_i32 = arith.constant 0 : i32
    %c0_i32_1 = arith.constant 0 : i32
    %c0_i32_2 = arith.constant 0 : i32
    return %get3A_0, %c0_i32, %c0_i32_1 : i32, i32, i32
  }
  func.func @transform_3(%arg0: i32, %arg1: memref<32xi32, #tpu.memory_space<smem>>, %arg2: memref<32xi32, #tpu.memory_space<smem>>, %arg3: memref<32xi32, #tpu.memory_space<smem>>) -> (i32, i32, i32) {
    %get3A = arith.index_cast %arg0 : i32 to index
    %get3A_0 = memref.load %arg1[%get3A] : memref<32xi32, #tpu.memory_space<smem>>
    %c0_i32 = arith.constant 0 : i32
    %c0_i32_1 = arith.constant 0 : i32
    %c0_i32_2 = arith.constant 0 : i32
    return %get3A_0, %c0_i32, %c0_i32_1 : i32, i32, i32
  }
  func.func @transform_7(%arg0: i32, %arg1: memref<32xi32, #tpu.memory_space<smem>>, %arg2: memref<32xi32, #tpu.memory_space<smem>>, %arg3: memref<32xi32, #tpu.memory_space<smem>>) -> (i32, i32) {
    %c0_i32 = arith.constant 0 : i32
    %c0_i32_0 = arith.constant 0 : i32
    return %arg0, %c0_i32 : i32, i32
  }
}

</mosaic_0001>

<sc_bundles>
// kernel: kernel.6.cloned.1.call-start
scs
__scs_entry_jumppad:
0x0: {  	(pc) =	sbr.rel $0x88, $3  }
0x1: {  	(tag) =	ssettag $0x0;
	lr =	simm.s32 $0x1  }
0x2: {  	[smem:$0x3F98] =	sst lr;
	_ =	strace $0xD0000000  }
0x3: {  	_ = 	snop  }
0x4: {  	_ = 	snop  }
0x5: {  	_ = 	snop  }
0x6: {  	_ = 	snop  }
0x7: {  	_ = 	snop  }
__scs_overlays_trampoline_lowered:
0x8: {  	[smem:$0x3FA7] =	sst s0  }
0x9: {  	[smem:$0x3FA8] =	sst s1  }
0xa: {  	[smem:$0x3FA9] =	sst s2  }
0xb: {  	[smem:$0x3FAA] =	sst s3  }
0xc: {  	[smem:$0x3FAB] =	sst s4  }
0xd: {  	[smem:$0x3FAC] =	sst s5  }
0xe: {  	[smem:$0x3FAD] =	sst s6  }
0xf: {  	[smem:$0x3FAE] =	sst s7  }
0x10: {  	[smem:$0x3FAF] =	sst s8  }
0x11: {  	[smem:$0x3FB0] =	sst s9;
	s0 =	simm.s32 @!p0 $0x0  }
0x12: {  	s1 =	sld [smem:$0x3F96];
	s0 =	simm.s32 @p0 $0x1  }
0x13: {  	[smem:$0x3FB1] =	sst s0;
	s0 =	simm.s32 @!p1 $0x0  }
0x14: {  	s2 =	sld [smem:$0x3F95];
	s0 =	simm.s32 @p1 $0x1  }
0x15: {  	[smem:$0x3FB2] =	sst s0;
	s0 =	simm.s32 @!p2 $0x0  }
0x16: {  	s3 =	sld [smem:$0x3FDB];
	s0 =	simm.s32 @p2 $0x1  }
0x17: {  	s4 =	simm.s32 $0x1BF5;
	[smem:$0x3FB4] =	sst s0  }
0x18: {  	s0 =	sld [smem:$0x3F97];
	_ =	swait.ge [sflag:s4], $0x0  }
0x19: {  	s7 =	sld [smem:$0x3F98]  }
0x1a: {  	s8 =	sadd.s32 $0xFFFFE003, lr  }
0x1b: {  	s9 =	sadd.s32 $0xFFFFFEF7, lr;
	s5 =	simm.s32 $0xFFFFFFFF;
	p2 =	slt.u32 s8, $0xFFFFF086  }
0x1c: {  	p1 =	slt.u32 s9, $0xF7A;
	s5 =	simm.s32 @!p2 $0x0  }
0x1d: {  	s5 =	simm.s32 @p1 $0x1;
	p0 =	seq.s32 s7, s2  }
0x1e: {  	s7 =	smul.u32 @!p0 $0xF7A, s2;
	p2 =	seq.s32 @!p0 s5, $0x0  }
0x1f: {  	s9 =	smul.u32 $0xF7A, s1;
	s8 =	simm.s32 @!p0 $0x1BF5;
	p2 =	por !p2, p0  }
0x20: {  	[sflag:s8] =	ssyncset.s32 @!p0 $0xFFFFF086;
	s6 =	sadd.s32 @!p0 s3, s7;
	s7 =	simm.s32 @!p0 $0x108  }
0x21: {  	s3 =	sadd.s32 s3, s9;
	s6 =	sadd.s32 @!p0 $0x88, s6;
	s7 =	simm.s32 @p2 $0x1082  }
0x22: {  	[simem:s7], [sflag:s8] =	dma.local @!p0 [hbm:s6], $0xF7A  }
0x23: {  	s9 =	sor.u32 $0xD0000000, s2;
	s6 =	simm.s32 $0x108;
	_ =	swait.ge @!p0 [sflag:s8], $0x0  }
0x24: {  	s3 =	sadd.s32 $0x88, s3;
	s6 =	simm.s32 @!p1 $0x1082;
	[sflag:s4] =	ssyncset.s32 $0xFFFFF086  }
0x25: {  	[simem:s6], [sflag:s4] =	dma.local [hbm:s3], $0xF7A  }
0x26: {  	[smem:$0x3F98] =	sst s1;
	(tag) =	ssettag s2;
	_ =	strace s9  }
0x27: {  	s1 =	sld [smem:$0x3FA8]  }
0x28: {  	s2 =	sld [smem:$0x3FA9]  }
0x29: {  	s4 =	sld [smem:$0x3FAB]  }
0x2a: {  	p0 =	seq.s32 s5, $0x0;
	s5 =	sld [smem:$0x3FAC]  }
0x2b: {  	s6 =	sld [smem:$0x3FAD]  }
0x2c: {  	s7 =	sld [smem:$0x3FAE]  }
0x2d: {  	s3 =	simm.s32 $0x108;
	s8 =	sld [smem:$0x3FAF]  }
0x2e: {  	s3 =	simm.s32 @!p0 $0x1082;
	s9 =	sld [smem:$0x3FB0]  }
0x2f: {  	lr =	sadd.s32 s0, s3;
	s0 =	sld [smem:$0x3FA7]  }
0x30: {  	s3 =	sld [smem:$0x3FAA]  }
0x31: {  	[smem:$0x3FB3] =	sst s10  }
0x32: {  	s10 =	sld [smem:$0x3FB1];
	_ =	sdelay $0x3  }
0x33: {  	p0 =	seq.s32 s10, $0x1;
	s10 =	sld [smem:$0x3FB3];
	_ =	sdelay $0x3  }
0x34: {  	[smem:$0x3FB3] =	sst s10  }
0x35: {  	s10 =	sld [smem:$0x3FB2];
	_ =	sdelay $0x3  }
0x36: {  	p1 =	seq.s32 s10, $0x1;
	s10 =	sld [smem:$0x3FB3];
	_ =	sdelay $0x3  }
0x37: {  	[smem:$0x3FB3] =	sst s10  }
0x38: {  	s10 =	sld [smem:$0x3FB4]  }
0x39: {  	_ = 	snop;
	(pc) =	sbr.ind lr, $3  }
0x3a: {  	_ = 	snop  }
0x3b: {  	_ = 	snop  }
0x3c: {  	p2 =	seq.s32 s10, $0x1;
	s10 =	sld [smem:$0x3FB3]  }
0x3d: {  	_ =	shalt  }
0x3e: {  	_ =	shalt  }
0x3f: {  	_ =	shalt  }
0x40: {  	_ =	shalt  }
0x41: {  	_ =	shalt  }
0x42: {  	_ =	shalt  }
0x43: {  	_ =	shalt  }
0x44: {  	_ =	shalt  }
0x45: {  	_ =	shalt  }
0x46: {  	_ =	shalt  }
0x47: {  	_ =	shalt  }
0x48: {  	_ =	shalt  }
0x49: {  	_ =	shalt  }
0x4a: {  	_ =	shalt  }
0x4b: {  	_ =	shalt  }
0x4c: {  	_ =	shalt  }
0x4d: {  	_ =	shalt  }
0x4e: {  	_ =	shalt  }
0x4f: {  	_ =	shalt  }
0x50: {  	_ =	shalt  }
0x51: {  	_ =	shalt  }
0x52: {  	_ =	shalt  }
0x53: {  	_ =	shalt  }
0x54: {  	_ =	shalt  }
0x55: {  	_ =	shalt  }
0x56: {  	_ =	shalt  }
0x57: {  	_ =	shalt  }
0x58: {  	_ =	shalt  }
0x59: {  	_ =	shalt  }
0x5a: {  	_ =	shalt  }
0x5b: {  	_ =	shalt  }
0x5c: {  	_ =	shalt  }
0x5d: {  	_ =	shalt  }
0x5e: {  	_ =	shalt  }
0x5f: {  	_ =	shalt  }
0x60: {  	_ =	shalt  }
0x61: {  	_ =	shalt  }
0x62: {  	_ =	shalt  }
0x63: {  	_ =	shalt  }
0x64: {  	_ =	shalt  }
0x65: {  	_ =	shalt  }
0x66: {  	_ =	shalt  }
0x67: {  	_ =	shalt  }
0x68: {  	_ =	shalt  }
0x69: {  	_ =	shalt  }
0x6a: {  	_ =	shalt  }
0x6b: {  	_ =	shalt  }
0x6c: {  	_ =	shalt  }
0x6d: {  	_ =	shalt  }
0x6e: {  	_ =	shalt  }
0x6f: {  	_ =	shalt  }
0x70: {  	_ =	shalt  }
0x71: {  	_ =	shalt  }
0x72: {  	_ =	shalt  }
0x73: {  	_ =	shalt  }
0x74: {  	_ =	shalt  }
0x75: {  	_ =	shalt  }
0x76: {  	_ =	shalt  }
0x77: {  	_ =	shalt  }
0x78: {  	_ =	shalt  }
0x79: {  	_ =	shalt  }
0x7a: {  	_ =	shalt  }
0x7b: {  	_ =	shalt  }
0x7c: {  	_ =	shalt  }
0x7d: {  	_ =	shalt  }
0x7e: {  	_ =	shalt  }
0x7f: {  	_ =	shalt  }
0x80: {  	_ =	shalt  }
0x81: {  	_ =	shalt  }
0x82: {  	_ =	shalt  }
0x83: {  	_ =	shalt  }
0x84: {  	_ =	shalt  }
0x85: {  	_ =	shalt  }
0x86: {  	_ =	shalt  }
0x87: {  	_ =	shalt  }
.Lfunc_end0:
.L_simem_size_0:
called_computation_lowered:
.L_overlay_start_0:
0x88: {  	s2 =	sld [smem:$0x3FD9]  }
0x89: {  	s3 =	sld [smem:$0x3FFE];
	_ =	sdelay $0x1  }
0x8a: {  	s1 =	srdreg.scid  }
0x8b: {  	s0 =	sand.u32 $0x1, s1  }
0x8c: {  	s17 =	sshll.u32 s0, $0xA;
	s2 =	sadd.s32 s3, s2  }
0x8d: {  	s2 =	sadd.s32 s2, s17  }
0x8e: {  	[smem:$0x3FBF] =	sst s2  }
0x8f: {  	_ = 	snop  }
0x90: {  	s2 =	sld [smem:$0x3FC9];
	(tm) =	ssettm $0x1  }
0x91: {  	s18 =	sld [smem:$0x3FFB];
	_ =	sdelay $0x3  }
0x92: {  	_ =	strace s18  }
0x93: {  	s3 =	sld [smem:$0x3FFC];
	_ =	sdelay $0x3  }
0x94: {  	_ =	strace s3  }
0x95: {  	s3 =	sld [smem:$0x3FFD];
	_ =	sdelay $0x3  }
0x96: {  	_ =	strace s3  }
0x97: {  	_ =	strace $0x8FFFFFFF  }
0x98: {  	s19 =	sld [smem:$0x3FDB];
	_ =	sdelay $0x1  }
0x99: {  	s4 =	simm.s32 $_scs_section_size  }
0x9a: {  	s5 =	simm.s32 $_size__tile_overlayer_lowered;
	s6 =	simm.s32 $_tile_overlayer_lowered  }
0x9b: {  	s22 =	simm.s32 $0x1BFF;
	s21 =	sshll.u32 s6, $0x1;
	s3 =	sadd.s32 s4, s19  }
0x9c: {  	s7 =	simm.s32 $0x0;
	s20 =	sshll.u32 s5, $0x1;
	s5 =	sadd.s32 s21, s3  }
0x9d: {  	[timem:s7], [sflag:s22] =	dma.local [hbm:s5], s20  }
0x9e: {  	_ =	swait.ge [sflag:s22], s20  }
0x9f: {  	s4 =	ssub.s32 $0x0, s20;
	[sflag:s22] =	ssyncset.done $0x0  }
0xa0: {  	[sflag:s22] =	ssyncadd.s32 s4;
	_ =	sdelay $0x1  }
0xa1: {  	s23 =	simm.s32 $0x1B8B  }
0xa2: {  	_ =	swait.ge [sflag:s23], $0x1  }
0xa3: {  	[sflag:s23] =	ssyncset.done $0x0  }
0xa4: {  	s25 =	simm.s32 $0x1B8E;
	s24 =	sld [smem:$0x3FFE];
	[sflag:s23] =	ssyncadd.s32 $0xFFFFFFFF  }
0xa5: {  	s26 =	simm.s32 $execute0_lowered;
	[smem:$0x3FD2] =	sst s25  }
0xa6: {  	s5 =	sshll.u32 s26, $0x1;
	_ =	strace $0x80000046;
	[dreg:$0x1] =	wrdreg $0xFFFFFFFF  }
0xa7: {  	s28 =	simm.s32 $_size_execute0_lowered;
	s3 =	sadd.s32 s3, s5;
	[dreg:$0x0] =	wrdreg $0x0  }
0xa8: {  	s5 =	sshll.u32 s28, $0x1;
	[dreg:$0x2] =	wrdreg s3  }
0xa9: {  	[dreg:$0x3] =	wrdreg s5  }
0xaa: {  	[dreg:$0x4] =	wrdreg $0xC0  }
0xab: {  	_ =	task [dreg:s7], $0x5FFFF  }
0xac: {  	[dreg:$0x1] =	wrdreg $0xFFFFFFFF  }
0xad: {  	[dreg:$0x0] =	wrdreg $0x60  }
0xae: {  	[dreg:$0x2] =	wrdreg s2  }
0xaf: {  	[dreg:$0x3] =	wrdreg s24  }
0xb0: {  	[dreg:$0x4] =	wrdreg $0x9  }
0xb1: {  	_ =	task.clear_ibuf [dreg:s7], $0x5FFFF;
	_ =	strace $0x90000046  }
0xb2: {  	s29 =	simm.s32 $0x9;
	_ =	strace $0x80000048  }
0xb3: {  	_ =	swait.ge [sflag:s29], $0x1  }
0xb4: {  	[sflag:s29] =	ssyncadd.s32 $0xFFFFFFFF  }
0xb5: {  	_ =	strace $0x90000048  }
0xb6: {  	_ =	sfence  }
0xb7: {  	s30 =	sld [smem:$0x0];
	_ =	sdelay $0x2  }
0xb8: {  	s31 =	sshll.u32 s1, $0xD;
	s1 =	sshrl.u32 s1, $0x2  }
0xb9: {  	s3 =	sand.u32 $0x4000, s31;
	s1 =	sadd.s32 s1, s30  }
0xba: {  	s0 =	sor.u32 s3, s0;
	s1 =	sshll.u32 s1, $0x11  }
0xbb: {  	s0 =	sor.u32 s1, s0  }
0xbc: {  	s0 =	sadd.s32 $0x8F2B, s0  }
0xbd: {  	[sflag:s0] =	ssyncadd.remote.s32 $0x1  }
0xbe: {  	_ =	sfence.sel $0xFFFF  }
0xbf: {  	[dreg:$0x0] =	wrdreg $0xFFFFFFFF;
	(pc) =	sbr.abs _section_cstart, $3  }
0xc0: {  	[dreg:$0x1] =	wrdreg $0xFFFFFFFF  }
0xc1: {  	_ =	task.clear_ibuf [dreg:s7], $0x2FFFF;
	_ =	strace $0x9FFFFFFF  }
0xc2: {  	(tm) =	ssettm $0x7FFFFFFF  }
0xc3: {  	_ =	shalt  }
tec
execute0_lowered:
.L_overlay_start_1:
0x0: {  	(tag) =	ssettag $0x1  }
0x1: {  	s0 =	srdreg.scid  }
0x2: {  	s2 =	stileid.u32;
	s1 =	rddreg [dreg:$0x0]  }
0x3: {  	s5 =	rddreg [dreg:$0x1];
	s25 =	simm.s32 $0xC000;
	s26 =	simm.s32 $0xC080  }
0x4: {  	s7 =	simm.s32 $0x3;
	s10 =	simm.s32 $0x1800;
	s11 =	simm.s32 $0x2000  }
0x5: {  	s12 =	simm.s32 $0x2800;
	s13 =	simm.s32 $0x3000;
	s14 =	simm.s32 $0x3800  }
0x6: {  	s15 =	simm.s32 $0x4000;
	s16 =	simm.s32 $0x4800;
	s17 =	simm.s32 $0x5000  }
0x7: {  	s18 =	simm.s32 $0x5800;
	s19 =	simm.s32 $0x6000;
	s20 =	simm.s32 $0x6800  }
0x8: {  	s21 =	simm.s32 $0x7000;
	s28 =	simm.s32 $0xA000;
	s29 =	simm.s32 $0xA800  }
0x9: {  	s30 =	simm.s32 $0xB000;
	s31 =	simm.s32 $0xB800;
	s0 =	sand.u32 $0x1, s0  }
0xa: {  	s2 =	sshll.u32 s2, $0x4;
	s3 =	sshll.u32 s0, $0x3;
	s0 =	ssub.s32 $0x2, s0  }
0xb: {  	s3 =	sor.u32 s3, s2;
	s2 =	simm.s32 $0x0;
	s23 =	sshrl.u32 s0, $0x1  }
0xc: {  	s4 =	smul.u32 $0x300, s3;
	[smem:$0x7FF] =	sst s2;
	s3 =	sadd.s32 s3, s5  }
0xd: {  	s0 =	ssub.s32 s0, s23;
	s23 =	simm.s32 $0x8000;
	_ =	strace $0x80000047  }
0xe: {  	s22 =	sadd.s32 $0x1E00, s3;
	s24 =	sadd.s32 $0x2000, s3;
	[dreg:$0x6] =	wrdreg s25  }
0xf: {  	s3 =	sadd.s32 $0x2600, s5;
	s6 =	smax.u32 s0, $0x1;
	[dreg:$0x7] =	wrdreg s26  }
0x10: {  	s25 =	simm.s32 $0x9000;
	s26 =	simm.s32 $0x9800;
	[dreg:$0x4] =	wrdreg s22  }
0x11: {  	v2 =	vlaneseq.u32;
	s0 =	simm.s32 $0x2;
	s1 =	sadd.s32 s1, s4;
	[dreg:$0x5] =	wrdreg s24  }
0x12: {  	vm0 =	vmmov $0xffff;
	v1 =	vshrl.u32 v2, $0x3;
	s4 =	sadd.s32 $0x2700, s5;
	s5 =	sadd.s32 $0x2800, s5;
	s22 =	simm.s32 $0x7800  }
0x13: {  	v0 =	vand.u32 $0x7, v2;
	v2 =	vor.u32 $0x8, v2;
	v1 =	vmul.u32 $0x8, v1;
	s24 =	simm.s32 $0x8800;
	[dreg:$0x3] =	wrdreg s1;
	s1 =	simm.s32 $0x1  }
.LBB2_1:
0x14: {  	s8 =	rddreg [dreg:$0x3]  }
0x15: {  	[tilespmem:s2], [sflag:$0x3] =	stream.linear.gather [hbm4b:s8+s2], $0xC000, $0x38;
	[tilespmem:$0xC100] =	vst v63  }
0x16: {  	_ =	swait.ge [sflag:s7], $0xC000  }
0x17: {  	s8 =	rddreg [dreg:$0x4];
	[sflag:s7] =	ssyncset.done $0x0  }
0x18: {  	s9 =	rddreg [dreg:$0x6];
	[sflag:s7] =	ssyncadd.s32 $0xFFFF4000  }
0x19: {  	[tilespmem:s9], [sflag:$0x3] =	stream.linear.gather [hbm4b:s8+s2], $0x40, $0x38;
	[tilespmem:$0xC100] =	vst v63  }
0x1a: {  	_ =	swait.ge [sflag:s7], $0x40  }
0x1b: {  	s8 =	rddreg [dreg:$0x5];
	[sflag:s7] =	ssyncset.done $0x0  }
0x1c: {  	s9 =	rddreg [dreg:$0x7];
	[sflag:s7] =	ssyncadd.s32 $0xFFFFFFC0  }
0x1d: {  	[tilespmem:s9], [sflag:$0x3] =	stream.linear.gather [hbm4b:s8+s2], $0x40, $0x38;
	[tilespmem:$0xC100] =	vst v63  }
0x1e: {  	_ =	swait.ge [sflag:s7], $0x40  }
0x1f: {  	[sflag:s7] =	ssyncset.done $0x0  }
0x20: {  	[sflag:s7] =	ssyncadd.s32 $0xFFFFFFC0  }
0x21: {  	v3 =	vld [tilespmem:$0xC000];
	_ =	sdelay $0x4  }
0x22: {  	v4 =	vshrl.u32 v3, $0x3  }
0x23: {  	v4 =	vmul.u32 $0x30, v4  }
0x24: {  	v3 =	vand.u32 $0x7, v3  }
0x25: {  	v3 =	vor.u32 v3, v4  }
0x26: {  	v4 =	vperm.xlane v3, v0;
	_ =	sdelay $0x1  }
0x27: {  	v4 =	vadd.s32 v1, v4;
	_ =	sdelay $0x3  }
0x28: {  	v3 =	vperm.xlane v3, v2  }
0x29: {  	[hbm4b:s3+s2] =	stream.indirect_vreg.scatter [tilespmem:s2], [sflag:$0x1], $0x80, v4, vm0, $0xb8;
	[tilespmem:$0xC100] =	vst v63  }
0x2a: {  	s8 =	simm.s32 $0x800;
	v3 =	vadd.s32 v1, v3  }
0x2b: {  	[hbm4b:s4+s2] =	stream.indirect_vreg.scatter [tilespmem:s8], [sflag:$0x1], $0x80, v4, vm0, $0xb8;
	[tilespmem:$0xC100] =	vst v63  }
0x2c: {  	s9 =	simm.s32 $0x1000  }
0x2d: {  	[hbm4b:s5+s2] =	stream.indirect_vreg.scatter [tilespmem:s9], [sflag:$0x1], $0x80, v4, vm0, $0xb8;
	[tilespmem:$0xC100] =	vst v63  }
0x2e: {  	_ = 	snop  }
0x2f: {  	[hbm4b:s3+s2] =	stream.indirect_vreg.scatter [tilespmem:s10], [sflag:$0x1], $0x80, v3, vm0, $0xb8;
	[tilespmem:$0xC100] =	vst v63  }
0x30: {  	_ = 	snop  }
0x31: {  	[hbm4b:s4+s2] =	stream.indirect_vreg.scatter [tilespmem:s11], [sflag:$0x1], $0x80, v3, vm0, $0xb8;
	[tilespmem:$0xC100] =	vst v63  }
0x32: {  	_ = 	snop  }
0x33: {  	[hbm4b:s5+s2] =	stream.indirect_vreg.scatter [tilespmem:s12], [sflag:$0x1], $0x80, v3, vm0, $0xb8;
	[tilespmem:$0xC100] =	vst v63  }
0x34: {  	v3 =	vld [tilespmem:$0xC010];
	_ =	sdelay $0x4  }
0x35: {  	v57 =	vshrl.u32 v3, $0x3  }
0x36: {  	v4 =	vmul.u32 $0x30, v57  }
0x37: {  	v3 =	vand.u32 $0x7, v3  }
0x38: {  	v3 =	vor.u32 v3, v4  }
0x39: {  	v4 =	vperm.xlane v3, v0;
	_ =	sdelay $0x1  }
0x3a: {  	v4 =	vadd.s32 v1, v4;
	_ =	sdelay $0x3  }
0x3b: {  	v3 =	vperm.xlane v3, v2  }
0x3c: {  	[hbm4b:s3+s2] =	stream.indirect_vreg.scatter [tilespmem:s13], [sflag:$0x1], $0x80, v4, vm0, $0xb8;
	[tilespmem:$0xC100] =	vst v63  }
0x3d: {  	v3 =	vadd.s32 v1, v3  }
0x3e: {  	[hbm4b:s4+s2] =	stream.indirect_vreg.scatter [tilespmem:s14], [sflag:$0x1], $0x80, v4, vm0, $0xb8;
	[tilespmem:$0xC100] =	vst v63  }
0x3f: {  	_ = 	snop  }
0x40: {  	[hbm4b:s5+s2] =	stream.indirect_vreg.scatter [tilespmem:s15], [sflag:$0x1], $0x80, v4, vm0, $0xb8;
	[tilespmem:$0xC100] =	vst v63  }
0x41: {  	_ = 	snop  }
0x42: {  	[hbm4b:s3+s2] =	stream.indirect_vreg.scatter [tilespmem:s16], [sflag:$0x1], $0x80, v3, vm0, $0xb8;
	[tilespmem:$0xC100] =	vst v63  }
0x43: {  	_ = 	snop  }
0x44: {  	[hbm4b:s4+s2] =	stream.indirect_vreg.scatter [tilespmem:s17], [sflag:$0x1], $0x80, v3, vm0, $0xb8;
	[tilespmem:$0xC100] =	vst v63  }
0x45: {  	_ = 	snop  }
0x46: {  	[hbm4b:s5+s2] =	stream.indirect_vreg.scatter [tilespmem:s18], [sflag:$0x1], $0x80, v3, vm0, $0xb8;
	[tilespmem:$0xC100] =	vst v63  }
0x47: {  	v3 =	vld [tilespmem:$0xC020];
	_ =	sdelay $0x4  }
0x48: {  	v58 =	vshrl.u32 v3, $0x3  }
0x49: {  	v4 =	vmul.u32 $0x30, v58  }
0x4a: {  	v3 =	vand.u32 $0x7, v3  }
0x4b: {  	v3 =	vor.u32 v3, v4  }
0x4c: {  	v4 =	vperm.xlane v3, v0;
	_ =	sdelay $0x1  }
0x4d: {  	v4 =	vadd.s32 v1, v4;
	_ =	sdelay $0x3  }
0x4e: {  	v3 =	vperm.xlane v3, v2  }
0x4f: {  	[hbm4b:s3+s2] =	stream.indirect_vreg.scatter [tilespmem:s19], [sflag:$0x1], $0x80, v4, vm0, $0xb8;
	[tilespmem:$0xC100] =	vst v63  }
0x50: {  	v3 =	vadd.s32 v1, v3  }
0x51: {  	[hbm4b:s4+s2] =	stream.indirect_vreg.scatter [tilespmem:s20], [sflag:$0x1], $0x80, v4, vm0, $0xb8;
	[tilespmem:$0xC100] =	vst v63  }
0x52: {  	_ = 	snop  }
0x53: {  	[hbm4b:s5+s2] =	stream.indirect_vreg.scatter [tilespmem:s21], [sflag:$0x1], $0x80, v4, vm0, $0xb8;
	[tilespmem:$0xC100] =	vst v63  }
0x54: {  	_ = 	snop  }
0x55: {  	[hbm4b:s3+s2] =	stream.indirect_vreg.scatter [tilespmem:s22], [sflag:$0x1], $0x80, v3, vm0, $0xb8;
	[tilespmem:$0xC100] =	vst v63  }
0x56: {  	_ = 	snop  }
0x57: {  	[hbm4b:s4+s2] =	stream.indirect_vreg.scatter [tilespmem:s23], [sflag:$0x1], $0x80, v3, vm0, $0xb8;
	[tilespmem:$0xC100] =	vst v63  }
0x58: {  	_ = 	snop  }
0x59: {  	[hbm4b:s5+s2] =	stream.indirect_vreg.scatter [tilespmem:s24], [sflag:$0x1], $0x80, v3, vm0, $0xb8;
	[tilespmem:$0xC100] =	vst v63  }
0x5a: {  	v3 =	vld [tilespmem:$0xC030];
	_ =	sdelay $0x4  }
0x5b: {  	v59 =	vshrl.u32 v3, $0x3  }
0x5c: {  	v4 =	vmul.u32 $0x30, v59  }
0x5d: {  	v3 =	vand.u32 $0x7, v3  }
0x5e: {  	v3 =	vor.u32 v3, v4  }
0x5f: {  	v4 =	vperm.xlane v3, v0;
	_ =	sdelay $0x1  }
0x60: {  	v4 =	vadd.s32 v1, v4;
	_ =	sdelay $0x3  }
0x61: {  	v3 =	vperm.xlane v3, v2  }
0x62: {  	[hbm4b:s3+s2] =	stream.indirect_vreg.scatter [tilespmem:s25], [sflag:$0x1], $0x80, v4, vm0, $0xb8;
	[tilespmem:$0xC100] =	vst v63  }
0x63: {  	v3 =	vadd.s32 v1, v3  }
0x64: {  	[hbm4b:s4+s2] =	stream.indirect_vreg.scatter [tilespmem:s26], [sflag:$0x1], $0x80, v4, vm0, $0xb8;
	[tilespmem:$0xC100] =	vst v63  }
0x65: {  	_ = 	snop  }
0x66: {  	[hbm4b:s5+s2] =	stream.indirect_vreg.scatter [tilespmem:s28], [sflag:$0x1], $0x80, v4, vm0, $0xb8;
	[tilespmem:$0xC100] =	vst v63  }
0x67: {  	_ = 	snop  }
0x68: {  	[hbm4b:s3+s2] =	stream.indirect_vreg.scatter [tilespmem:s29], [sflag:$0x1], $0x80, v3, vm0, $0xb8;
	[tilespmem:$0xC100] =	vst v63  }
0x69: {  	_ = 	snop  }
0x6a: {  	[hbm4b:s4+s2] =	stream.indirect_vreg.scatter [tilespmem:s30], [sflag:$0x1], $0x80, v3, vm0, $0xb8;
	[tilespmem:$0xC100] =	vst v63  }
0x6b: {  	_ = 	snop  }
0x6c: {  	[hbm4b:s5+s2] =	stream.indirect_vreg.scatter [tilespmem:s31], [sflag:$0x1], $0x80, v3, vm0, $0xb8;
	[tilespmem:$0xC100] =	vst v63  }
0x6d: {  	v3 =	vld [tilespmem:$0xC080];
	_ =	sdelay $0x4  }
0x6e: {  	v60 =	vshrl.u32 v3, $0x3  }
0x6f: {  	v4 =	vmul.u32 $0x30, v60  }
0x70: {  	v3 =	vand.u32 $0x7, v3  }
0x71: {  	v3 =	vor.u32 v3, v4  }
0x72: {  	v4 =	vperm.xlane v3, v0;
	_ =	sdelay $0x1  }
0x73: {  	v4 =	vadd.s32 v1, v4;
	_ =	sdelay $0x3  }
0x74: {  	v3 =	vperm.xlane v3, v2  }
0x75: {  	[hbm4b:s3+s2] =	stream.indirect_vreg.scatter [tilespmem:s2], [sflag:$0x2], $0x80, v4, vm0, $0xb8;
	[tilespmem:$0xC100] =	vst v63  }
0x76: {  	v3 =	vadd.s32 v1, v3  }
0x77: {  	[hbm4b:s4+s2] =	stream.indirect_vreg.scatter [tilespmem:s8], [sflag:$0x2], $0x80, v4, vm0, $0xb8;
	[tilespmem:$0xC100] =	vst v63  }
0x78: {  	_ = 	snop  }
0x79: {  	[hbm4b:s5+s2] =	stream.indirect_vreg.scatter [tilespmem:s9], [sflag:$0x2], $0x80, v4, vm0, $0xb8;
	[tilespmem:$0xC100] =	vst v63  }
0x7a: {  	_ = 	snop  }
0x7b: {  	[hbm4b:s3+s2] =	stream.indirect_vreg.scatter [tilespmem:s10], [sflag:$0x2], $0x80, v3, vm0, $0xb8;
	[tilespmem:$0xC100] =	vst v63  }
0x7c: {  	_ = 	snop  }
0x7d: {  	[hbm4b:s4+s2] =	stream.indirect_vreg.scatter [tilespmem:s11], [sflag:$0x2], $0x80, v3, vm0, $0xb8;
	[tilespmem:$0xC100] =	vst v63  }
0x7e: {  	_ = 	snop  }
0x7f: {  	[hbm4b:s5+s2] =	stream.indirect_vreg.scatter [tilespmem:s12], [sflag:$0x2], $0x80, v3, vm0, $0xb8;
	[tilespmem:$0xC100] =	vst v63  }
0x80: {  	v3 =	vld [tilespmem:$0xC090];
	_ =	sdelay $0x4  }
0x81: {  	v61 =	vshrl.u32 v3, $0x3  }
0x82: {  	v4 =	vmul.u32 $0x30, v61  }
0x83: {  	v3 =	vand.u32 $0x7, v3  }
0x84: {  	v3 =	vor.u32 v3, v4  }
0x85: {  	v4 =	vperm.xlane v3, v0;
	_ =	sdelay $0x1  }
0x86: {  	v4 =	vadd.s32 v1, v4;
	_ =	sdelay $0x3  }
0x87: {  	v3 =	vperm.xlane v3, v2  }
0x88: {  	[hbm4b:s3+s2] =	stream.indirect_vreg.scatter [tilespmem:s13], [sflag:$0x2], $0x80, v4, vm0, $0xb8;
	[tilespmem:$0xC100] =	vst v63  }
0x89: {  	v3 =	vadd.s32 v1, v3  }
0x8a: {  	[hbm4b:s4+s2] =	stream.indirect_vreg.scatter [tilespmem:s14], [sflag:$0x2], $0x80, v4, vm0, $0xb8;
	[tilespmem:$0xC100] =	vst v63  }
0x8b: {  	_ = 	snop  }
0x8c: {  	[hbm4b:s5+s2] =	stream.indirect_vreg.scatter [tilespmem:s15], [sflag:$0x2], $0x80, v4, vm0, $0xb8;
	[tilespmem:$0xC100] =	vst v63  }
0x8d: {  	_ = 	snop  }
0x8e: {  	[hbm4b:s3+s2] =	stream.indirect_vreg.scatter [tilespmem:s16], [sflag:$0x2], $0x80, v3, vm0, $0xb8;
	[tilespmem:$0xC100] =	vst v63  }
0x8f: {  	_ = 	snop  }
0x90: {  	[hbm4b:s4+s2] =	stream.indirect_vreg.scatter [tilespmem:s17], [sflag:$0x2], $0x80, v3, vm0, $0xb8;
	[tilespmem:$0xC100] =	vst v63  }
0x91: {  	_ = 	snop  }
0x92: {  	[hbm4b:s5+s2] =	stream.indirect_vreg.scatter [tilespmem:s18], [sflag:$0x2], $0x80, v3, vm0, $0xb8;
	[tilespmem:$0xC100] =	vst v63  }
0x93: {  	v3 =	vld [tilespmem:$0xC0A0];
	_ =	sdelay $0x4  }
0x94: {  	v62 =	vshrl.u32 v3, $0x3  }
0x95: {  	v4 =	vmul.u32 $0x30, v62  }
0x96: {  	v3 =	vand.u32 $0x7, v3  }
0x97: {  	v3 =	vor.u32 v3, v4  }
0x98: {  	v4 =	vperm.xlane v3, v0;
	_ =	sdelay $0x1  }
0x99: {  	v4 =	vadd.s32 v1, v4;
	_ =	sdelay $0x3  }
0x9a: {  	v3 =	vperm.xlane v3, v2  }
0x9b: {  	[hbm4b:s3+s2] =	stream.indirect_vreg.scatter [tilespmem:s19], [sflag:$0x2], $0x80, v4, vm0, $0xb8;
	[tilespmem:$0xC100] =	vst v63  }
0x9c: {  	v3 =	vadd.s32 v1, v3  }
0x9d: {  	[hbm4b:s4+s2] =	stream.indirect_vreg.scatter [tilespmem:s20], [sflag:$0x2], $0x80, v4, vm0, $0xb8;
	[tilespmem:$0xC100] =	vst v63  }
0x9e: {  	_ = 	snop  }
0x9f: {  	[hbm4b:s5+s2] =	stream.indirect_vreg.scatter [tilespmem:s21], [sflag:$0x2], $0x80, v4, vm0, $0xb8;
	[tilespmem:$0xC100] =	vst v63  }
0xa0: {  	_ = 	snop  }
0xa1: {  	[hbm4b:s3+s2] =	stream.indirect_vreg.scatter [tilespmem:s22], [sflag:$0x2], $0x80, v3, vm0, $0xb8;
	[tilespmem:$0xC100] =	vst v63  }
0xa2: {  	_ = 	snop  }
0xa3: {  	[hbm4b:s4+s2] =	stream.indirect_vreg.scatter [tilespmem:s23], [sflag:$0x2], $0x80, v3, vm0, $0xb8;
	[tilespmem:$0xC100] =	vst v63  }
0xa4: {  	_ = 	snop  }
0xa5: {  	[hbm4b:s5+s2] =	stream.indirect_vreg.scatter [tilespmem:s24], [sflag:$0x2], $0x80, v3, vm0, $0xb8;
	[tilespmem:$0xC100] =	vst v63  }
0xa6: {  	v3 =	vld [tilespmem:$0xC0B0];
	_ =	sdelay $0x4  }
0xa7: {  	v63 =	vshrl.u32 v3, $0x3  }
0xa8: {  	v4 =	vmul.u32 $0x30, v63  }
0xa9: {  	v3 =	vand.u32 $0x7, v3  }
0xaa: {  	v3 =	vor.u32 v3, v4  }
0xab: {  	v4 =	vperm.xlane v3, v0;
	_ =	sdelay $0x1  }
0xac: {  	v4 =	vadd.s32 v1, v4;
	_ =	sdelay $0x3  }
0xad: {  	v3 =	vperm.xlane v3, v2  }
0xae: {  	[hbm4b:s3+s2] =	stream.indirect_vreg.scatter [tilespmem:s25], [sflag:$0x2], $0x80, v4, vm0, $0xb8;
	[tilespmem:$0xC100] =	vst v63  }
0xaf: {  	v3 =	vadd.s32 v1, v3  }
0xb0: {  	[hbm4b:s4+s2] =	stream.indirect_vreg.scatter [tilespmem:s26], [sflag:$0x2], $0x80, v4, vm0, $0xb8;
	[tilespmem:$0xC100] =	vst v63  }
0xb1: {  	_ = 	snop  }
0xb2: {  	[hbm4b:s5+s2] =	stream.indirect_vreg.scatter [tilespmem:s28], [sflag:$0x2], $0x80, v4, vm0, $0xb8;
	[tilespmem:$0xC100] =	vst v63  }
0xb3: {  	_ = 	snop  }
0xb4: {  	[hbm4b:s3+s2] =	stream.indirect_vreg.scatter [tilespmem:s29], [sflag:$0x2], $0x80, v3, vm0, $0xb8;
	[tilespmem:$0xC100] =	vst v63  }
0xb5: {  	_ = 	snop  }
0xb6: {  	[hbm4b:s4+s2] =	stream.indirect_vreg.scatter [tilespmem:s30], [sflag:$0x2], $0x80, v3, vm0, $0xb8;
	[tilespmem:$0xC100] =	vst v63  }
0xb7: {  	_ = 	snop  }
0xb8: {  	[hbm4b:s5+s2] =	stream.indirect_vreg.scatter [tilespmem:s31], [sflag:$0x2], $0x80, v3, vm0, $0xb8;
	[tilespmem:$0xC100] =	vst v63  }
0xb9: {  	p0 =	sne.s32 s6, $0x1;
	_ =	swait.ge [sflag:s1], $0xC000  }
.Ltmp0:
0xba: {  	[sflag:s1] =	ssyncset.done $0x0;
	(pc) =	sbr.rel @p0 .LBB2_1-.Ltmp0, $4  }
0xbb: {  	[sflag:s1] =	ssyncadd.s32 $0xFFFF4000  }
0xbc: {  	_ =	swait.ge [sflag:s0], $0xC000  }
0xbd: {  	[sflag:s0] =	ssyncset.done $0x0  }
0xbe: {  	s6 =	sadd.s32 $0xFFFFFFFF, s6;
	[sflag:s0] =	ssyncadd.s32 $0xFFFF4000  }
0xbf: {  	_ =	sfence.sel $0x180000  }
0xc0: {  	[bflag:$0x0] =	sbarrier.arrive $0xFFFF  }
0xc1: {  	_ =	strace $0x90000047  }
0xc2: {  	s0 =	stileid.u32;
	[bflag:$0x2] =	sbarrier.arrive $0xFFFF  }
0xc3: {  	p0 =	sne.s32 s0, $0x0;
	s0 =	rddreg [dreg:$0x2]  }
0xc4: {  	s0 =	sadd.s32 @!p0 $0x100000, s0  }
0xc5: {  	[sflag:s0] =	ssyncadd.tile.s32 @!p0 $0x1;
	_ =	shalt  }
.Lfunc_end2:
_tile_overlayer_lowered:
.L_overlay_start_2:
0xc6: {  	(tag) =	ssettag $0x2  }
0xc7: {  	s0 =	rddreg [dreg:$0x0];
	s2 =	stileid.u32  }
0xc8: {  	s1 =	rddreg [dreg:$0x1];
	p0 =	sne.s32 s2, $0x0  }
0xc9: {  	s3 =	rddreg [dreg:$0x2];
	[bflag:$0x3] =	sbarrier.arrive $0xFFFF;
	s2 =	simm.s32 @!p0 $0x1C03  }
0xca: {  	[timem:s3], [sflag:s2] =	dma.local @!p0 [hbm:s0], s1  }
0xcb: {  	s0 =	simm.s32 @!p0 $0x3  }
0xcc: {  	_ =	swait.ge @!p0 [sflag:s0], s1  }
0xcd: {  	s1 =	ssub.s32 @!p0 $0x0, s1;
	[sflag:s0] =	ssyncset.done @!p0 $0x0  }
0xce: {  	[sflag:s0] =	ssyncadd.s32 @!p0 s1  }
0xcf: {  	[bflag:$0x3] =	sbarrier.arrive $0xFFFF  }
0xd0: {  	_ =	shalt  }

// kernel: kernel.9.cloned.1.call-start
scs
__scs_entry_jumppad:
0x0: {  	(pc) =	sbr.rel $0x88, $3  }
0x1: {  	(tag) =	ssettag $0x0;
	lr =	simm.s32 $0x1  }
0x2: {  	[smem:$0x3F98] =	sst lr;
	_ =	strace $0xD0000000  }
0x3: {  	_ = 	snop  }
0x4: {  	_ = 	snop  }
0x5: {  	_ = 	snop  }
0x6: {  	_ = 	snop  }
0x7: {  	_ = 	snop  }
__scs_overlays_trampoline_lowered:
0x8: {  	[smem:$0x3FA7] =	sst s0  }
0x9: {  	[smem:$0x3FA8] =	sst s1  }
0xa: {  	[smem:$0x3FA9] =	sst s2  }
0xb: {  	[smem:$0x3FAA] =	sst s3  }
0xc: {  	[smem:$0x3FAB] =	sst s4  }
0xd: {  	[smem:$0x3FAC] =	sst s5  }
0xe: {  	[smem:$0x3FAD] =	sst s6  }
0xf: {  	[smem:$0x3FAE] =	sst s7  }
0x10: {  	[smem:$0x3FAF] =	sst s8  }
0x11: {  	[smem:$0x3FB0] =	sst s9;
	s0 =	simm.s32 @!p0 $0x0  }
0x12: {  	s1 =	sld [smem:$0x3F96];
	s0 =	simm.s32 @p0 $0x1  }
0x13: {  	[smem:$0x3FB1] =	sst s0;
	s0 =	simm.s32 @!p1 $0x0  }
0x14: {  	s2 =	sld [smem:$0x3F95];
	s0 =	simm.s32 @p1 $0x1  }
0x15: {  	[smem:$0x3FB2] =	sst s0;
	s0 =	simm.s32 @!p2 $0x0  }
0x16: {  	s3 =	sld [smem:$0x3FDB];
	s0 =	simm.s32 @p2 $0x1  }
0x17: {  	s4 =	simm.s32 $0x1BF5;
	[smem:$0x3FB4] =	sst s0  }
0x18: {  	s0 =	sld [smem:$0x3F97];
	_ =	swait.ge [sflag:s4], $0x0  }
0x19: {  	s7 =	sld [smem:$0x3F98]  }
0x1a: {  	s8 =	sadd.s32 $0xFFFFE003, lr  }
0x1b: {  	s9 =	sadd.s32 $0xFFFFFEF7, lr;
	s5 =	simm.s32 $0xFFFFFFFF;
	p2 =	slt.u32 s8, $0xFFFFF086  }
0x1c: {  	p1 =	slt.u32 s9, $0xF7A;
	s5 =	simm.s32 @!p2 $0x0  }
0x1d: {  	s5 =	simm.s32 @p1 $0x1;
	p0 =	seq.s32 s7, s2  }
0x1e: {  	s7 =	smul.u32 @!p0 $0xF7A, s2;
	p2 =	seq.s32 @!p0 s5, $0x0  }
0x1f: {  	s9 =	smul.u32 $0xF7A, s1;
	s8 =	simm.s32 @!p0 $0x1BF5;
	p2 =	por !p2, p0  }
0x20: {  	[sflag:s8] =	ssyncset.s32 @!p0 $0xFFFFF086;
	s6 =	sadd.s32 @!p0 s3, s7;
	s7 =	simm.s32 @!p0 $0x108  }
0x21: {  	s3 =	sadd.s32 s3, s9;
	s6 =	sadd.s32 @!p0 $0x88, s6;
	s7 =	simm.s32 @p2 $0x1082  }
0x22: {  	[simem:s7], [sflag:s8] =	dma.local @!p0 [hbm:s6], $0xF7A  }
0x23: {  	s9 =	sor.u32 $0xD0000000, s2;
	s6 =	simm.s32 $0x108;
	_ =	swait.ge @!p0 [sflag:s8], $0x0  }
0x24: {  	s3 =	sadd.s32 $0x88, s3;
	s6 =	simm.s32 @!p1 $0x1082;
	[sflag:s4] =	ssyncset.s32 $0xFFFFF086  }
0x25: {  	[simem:s6], [sflag:s4] =	dma.local [hbm:s3], $0xF7A  }
0x26: {  	[smem:$0x3F98] =	sst s1;
	(tag) =	ssettag s2;
	_ =	strace s9  }
0x27: {  	s1 =	sld [smem:$0x3FA8]  }
0x28: {  	s2 =	sld [smem:$0x3FA9]  }
0x29: {  	s4 =	sld [smem:$0x3FAB]  }
0x2a: {  	p0 =	seq.s32 s5, $0x0;
	s5 =	sld [smem:$0x3FAC]  }
0x2b: {  	s6 =	sld [smem:$0x3FAD]  }
0x2c: {  	s7 =	sld [smem:$0x3FAE]  }
0x2d: {  	s3 =	simm.s32 $0x108;
	s8 =	sld [smem:$0x3FAF]  }
0x2e: {  	s3 =	simm.s32 @!p0 $0x1082;
	s9 =	sld [smem:$0x3FB0]  }
0x2f: {  	lr =	sadd.s32 s0, s3;
	s0 =	sld [smem:$0x3FA7]  }
0x30: {  	s3 =	sld [smem:$0x3FAA]  }
0x31: {  	[smem:$0x3FB3] =	sst s10  }
0x32: {  	s10 =	sld [smem:$0x3FB1];
	_ =	sdelay $0x3  }
0x33: {  	p0 =	seq.s32 s10, $0x1;
	s10 =	sld [smem:$0x3FB3];
	_ =	sdelay $0x3  }
0x34: {  	[smem:$0x3FB3] =	sst s10  }
0x35: {  	s10 =	sld [smem:$0x3FB2];
	_ =	sdelay $0x3  }
0x36: {  	p1 =	seq.s32 s10, $0x1;
	s10 =	sld [smem:$0x3FB3];
	_ =	sdelay $0x3  }
0x37: {  	[smem:$0x3FB3] =	sst s10  }
0x38: {  	s10 =	sld [smem:$0x3FB4]  }
0x39: {  	_ = 	snop;
	(pc) =	sbr.ind lr, $3  }
0x3a: {  	_ = 	snop  }
0x3b: {  	_ = 	snop  }
0x3c: {  	p2 =	seq.s32 s10, $0x1;
	s10 =	sld [smem:$0x3FB3]  }
0x3d: {  	_ =	shalt  }
0x3e: {  	_ =	shalt  }
0x3f: {  	_ =	shalt  }
0x40: {  	_ =	shalt  }
0x41: {  	_ =	shalt  }
0x42: {  	_ =	shalt  }
0x43: {  	_ =	shalt  }
0x44: {  	_ =	shalt  }
0x45: {  	_ =	shalt  }
0x46: {  	_ =	shalt  }
0x47: {  	_ =	shalt  }
0x48: {  	_ =	shalt  }
0x49: {  	_ =	shalt  }
0x4a: {  	_ =	shalt  }
0x4b: {  	_ =	shalt  }
0x4c: {  	_ =	shalt  }
0x4d: {  	_ =	shalt  }
0x4e: {  	_ =	shalt  }
0x4f: {  	_ =	shalt  }
0x50: {  	_ =	shalt  }
0x51: {  	_ =	shalt  }
0x52: {  	_ =	shalt  }
0x53: {  	_ =	shalt  }
0x54: {  	_ =	shalt  }
0x55: {  	_ =	shalt  }
0x56: {  	_ =	shalt  }
0x57: {  	_ =	shalt  }
0x58: {  	_ =	shalt  }
0x59: {  	_ =	shalt  }
0x5a: {  	_ =	shalt  }
0x5b: {  	_ =	shalt  }
0x5c: {  	_ =	shalt  }
0x5d: {  	_ =	shalt  }
0x5e: {  	_ =	shalt  }
0x5f: {  	_ =	shalt  }
0x60: {  	_ =	shalt  }
0x61: {  	_ =	shalt  }
0x62: {  	_ =	shalt  }
0x63: {  	_ =	shalt  }
0x64: {  	_ =	shalt  }
0x65: {  	_ =	shalt  }
0x66: {  	_ =	shalt  }
0x67: {  	_ =	shalt  }
0x68: {  	_ =	shalt  }
0x69: {  	_ =	shalt  }
0x6a: {  	_ =	shalt  }
0x6b: {  	_ =	shalt  }
0x6c: {  	_ =	shalt  }
0x6d: {  	_ =	shalt  }
0x6e: {  	_ =	shalt  }
0x6f: {  	_ =	shalt  }
0x70: {  	_ =	shalt  }
0x71: {  	_ =	shalt  }
0x72: {  	_ =	shalt  }
0x73: {  	_ =	shalt  }
0x74: {  	_ =	shalt  }
0x75: {  	_ =	shalt  }
0x76: {  	_ =	shalt  }
0x77: {  	_ =	shalt  }
0x78: {  	_ =	shalt  }
0x79: {  	_ =	shalt  }
0x7a: {  	_ =	shalt  }
0x7b: {  	_ =	shalt  }
0x7c: {  	_ =	shalt  }
0x7d: {  	_ =	shalt  }
0x7e: {  	_ =	shalt  }
0x7f: {  	_ =	shalt  }
0x80: {  	_ =	shalt  }
0x81: {  	_ =	shalt  }
0x82: {  	_ =	shalt  }
0x83: {  	_ =	shalt  }
0x84: {  	_ =	shalt  }
0x85: {  	_ =	shalt  }
0x86: {  	_ =	shalt  }
0x87: {  	_ =	shalt  }
.Lfunc_end0:
.L_simem_size_0:
called_computation.1_lowered:
.L_overlay_start_0:
0x88: {  	s2 =	sld [smem:$0x3FD9]  }
0x89: {  	s3 =	sld [smem:$0x3FFE];
	_ =	sdelay $0x1  }
0x8a: {  	s1 =	srdreg.scid  }
0x8b: {  	s0 =	sand.u32 $0x1, s1  }
0x8c: {  	s17 =	sshll.u32 s0, $0xA;
	s2 =	sadd.s32 s3, s2  }
0x8d: {  	s2 =	sadd.s32 s2, s17  }
0x8e: {  	[smem:$0x3FBF] =	sst s2  }
0x8f: {  	_ = 	snop  }
0x90: {  	s2 =	sld [smem:$0x3FD0];
	(tm) =	ssettm $0x1  }
0x91: {  	s18 =	sld [smem:$0x3FFB];
	_ =	sdelay $0x3  }
0x92: {  	_ =	strace s18  }
0x93: {  	s3 =	sld [smem:$0x3FFC];
	_ =	sdelay $0x3  }
0x94: {  	_ =	strace s3  }
0x95: {  	s3 =	sld [smem:$0x3FFD];
	_ =	sdelay $0x3  }
0x96: {  	_ =	strace s3  }
0x97: {  	_ =	strace $0x8FFFFFFF  }
0x98: {  	s19 =	sld [smem:$0x3FDB];
	_ =	sdelay $0x1  }
0x99: {  	s4 =	simm.s32 $_scs_section_size  }
0x9a: {  	s5 =	simm.s32 $_size__tile_overlayer_lowered;
	s6 =	simm.s32 $_tile_overlayer_lowered  }
0x9b: {  	s22 =	simm.s32 $0x1BFF;
	s21 =	sshll.u32 s6, $0x1;
	s3 =	sadd.s32 s4, s19  }
0x9c: {  	s7 =	simm.s32 $0x0;
	s20 =	sshll.u32 s5, $0x1;
	s5 =	sadd.s32 s21, s3  }
0x9d: {  	[timem:s7], [sflag:s22] =	dma.local [hbm:s5], s20  }
0x9e: {  	_ =	swait.ge [sflag:s22], s20  }
0x9f: {  	s4 =	ssub.s32 $0x0, s20;
	[sflag:s22] =	ssyncset.done $0x0  }
0xa0: {  	[sflag:s22] =	ssyncadd.s32 s4;
	_ =	sdelay $0x1  }
0xa1: {  	s23 =	simm.s32 $0x1B8B  }
0xa2: {  	_ =	swait.ge [sflag:s23], $0x1  }
0xa3: {  	[sflag:s23] =	ssyncset.done $0x0  }
0xa4: {  	s25 =	simm.s32 $0x1B8E;
	s24 =	sld [smem:$0x3FFE];
	[sflag:s23] =	ssyncadd.s32 $0xFFFFFFFF  }
0xa5: {  	s26 =	simm.s32 $execute0_lowered;
	[smem:$0x3FD2] =	sst s25  }
0xa6: {  	s5 =	sshll.u32 s26, $0x1;
	_ =	strace $0x80000049;
	[dreg:$0x1] =	wrdreg $0xFFFFFFFF  }
0xa7: {  	s28 =	simm.s32 $_size_execute0_lowered;
	s3 =	sadd.s32 s3, s5;
	[dreg:$0x0] =	wrdreg $0x0  }
0xa8: {  	s5 =	sshll.u32 s28, $0x1;
	[dreg:$0x2] =	wrdreg s3  }
0xa9: {  	[dreg:$0x3] =	wrdreg s5  }
0xaa: {  	[dreg:$0x4] =	wrdreg $0xC0  }
0xab: {  	_ =	task [dreg:s7], $0x5FFFF  }
0xac: {  	[dreg:$0x1] =	wrdreg $0xFFFFFFFF  }
0xad: {  	[dreg:$0x0] =	wrdreg $0x60  }
0xae: {  	[dreg:$0x2] =	wrdreg s24  }
0xaf: {  	[dreg:$0x3] =	wrdreg s2  }
0xb0: {  	[dreg:$0x4] =	wrdreg $0x9  }
0xb1: {  	_ =	task.clear_ibuf [dreg:s7], $0x5FFFF;
	_ =	strace $0x90000049  }
0xb2: {  	s29 =	simm.s32 $0x9;
	_ =	strace $0x8000004B  }
0xb3: {  	_ =	swait.ge [sflag:s29], $0x1  }
0xb4: {  	[sflag:s29] =	ssyncadd.s32 $0xFFFFFFFF  }
0xb5: {  	_ =	strace $0x9000004B  }
0xb6: {  	_ =	sfence  }
0xb7: {  	s30 =	sld [smem:$0x0];
	_ =	sdelay $0x2  }
0xb8: {  	s31 =	sshll.u32 s1, $0xD;
	s1 =	sshrl.u32 s1, $0x2  }
0xb9: {  	s3 =	sand.u32 $0x4000, s31;
	s1 =	sadd.s32 s1, s30  }
0xba: {  	s0 =	sor.u32 s3, s0;
	s1 =	sshll.u32 s1, $0x11  }
0xbb: {  	s0 =	sor.u32 s1, s0  }
0xbc: {  	s0 =	sadd.s32 $0x8F2B, s0  }
0xbd: {  	[sflag:s0] =	ssyncadd.remote.s32 $0x1  }
0xbe: {  	_ =	sfence.sel $0xFFFF  }
0xbf: {  	[dreg:$0x0] =	wrdreg $0xFFFFFFFF;
	(pc) =	sbr.abs _section_cstart, $3  }
0xc0: {  	[dreg:$0x1] =	wrdreg $0xFFFFFFFF  }
0xc1: {  	_ =	task.clear_ibuf [dreg:s7], $0x2FFFF;
	_ =	strace $0x9FFFFFFF  }
0xc2: {  	(tm) =	ssettm $0x7FFFFFFF  }
0xc3: {  	_ =	shalt  }
tec
execute0_lowered:
.L_overlay_start_1:
0x0: {  	(tag) =	ssettag $0x1  }
0x1: {  	s0 =	rddreg [dreg:$0x0]  }
0x2: {  	s1 =	rddreg [dreg:$0x1]  }
0x3: {  	s2 =	simm.s32 $0x0;
	s3 =	srdreg.scid;
	s4 =	stileid.u32  }
0x4: {  	s12 =	simm.s32 $0x3;
	s13 =	simm.s32 $0x200;
	s20 =	simm.s32 $0x16A00  }
0x5: {  	s21 =	simm.s32 $0x17200;
	s22 =	simm.s32 $0x17A00;
	s23 =	simm.s32 $0x100  }
0x6: {  	s24 =	simm.s32 $0x180;
	s25 =	simm.s32 $0x1;
	s26 =	simm.s32 $0x2  }
0x7: {  	s28 =	simm.s32 $0x0;
	[smem:$0x7FF] =	sst s2;
	s3 =	sand.u32 $0x1, s3  }
0x8: {  	s4 =	sshll.u32 s4, $0x4;
	s5 =	sshll.u32 s3, $0x3;
	s6 =	ssub.s32 $0x2, s3  }
0x9: {  	_ =	strace $0x8000004A;
	s7 =	sor.u32 s5, s4;
	s31 =	sshrl.u32 s6, $0x1  }
0xa: {  	s3 =	sadd.s32 $0x2600, s0;
	s9 =	sadd.s32 s7, s0;
	s11 =	ssub.s32 s6, s31  }
0xb: {  	v2 =	vlaneseq.u32;
	s10 =	smul.u32 $0x300, s7;
	s6 =	sadd.s32 $0x2700, s0;
	s7 =	sadd.s32 $0x2800, s0  }
0xc: {  	vm0 =	vmmov $0xffff;
	v1 =	vshrl.u32 v2, $0x3;
	s4 =	sadd.s32 $0x1E00, s9;
	s5 =	sadd.s32 $0x2000, s9;
	s8 =	sadd.s32 $0x2200, s9  }
0xd: {  	v0 =	vand.u32 $0x7, v2;
	v2 =	vor.u32 $0x8, v2;
	v1 =	vmul.u32 $0x8, v1;
	s9 =	sadd.s32 $0x2400, s9;
	s11 =	smax.u32 s11, $0x1;
	s10 =	sadd.s32 s1, s10  }
.LBB2_1:
0xe: {  	[tilespmem:s2], [sflag:$0x3] =	stream.linear.gather [hbm4b:s4+s2], $0x40, $0x38;
	[tilespmem:$0x18200] =	vst v63  }
0xf: {  	_ =	swait.ge [sflag:s12], $0x40  }
0x10: {  	[sflag:s12] =	ssyncset.done $0x0  }
0x11: {  	s29 =	simm.s32 $0x80;
	[sflag:s12] =	ssyncadd.s32 $0xFFFFFFC0  }
0x12: {  	[tilespmem:s29], [sflag:$0x3] =	stream.linear.gather [hbm4b:s5+s2], $0x40, $0x38;
	[tilespmem:$0x18200] =	vst v63  }
0x13: {  	_ =	swait.ge [sflag:s12], $0x40  }
0x14: {  	[sflag:s12] =	ssyncset.done $0x0  }
0x15: {  	[sflag:s12] =	ssyncadd.s32 $0xFFFFFFC0  }
0x16: {  	v3 =	vld [tilespmem:$0x0];
	_ =	sdelay $0x4  }
0x17: {  	v4 =	vshrl.u32 v3, $0x3  }
0x18: {  	v4 =	vmul.u32 $0x30, v4  }
0x19: {  	v3 =	vand.u32 $0x7, v3  }
0x1a: {  	v3 =	vor.u32 v3, v4  }
0x1b: {  	v4 =	vperm.xlane v3, v0;
	_ =	sdelay $0x1  }
0x1c: {  	v4 =	vadd.s32 v1, v4;
	_ =	sdelay $0x3  }
0x1d: {  	v3 =	vperm.xlane v3, v2  }
0x1e: {  	[tilespmem:s13], [sflag:$0x1] =	stream.indirect_vreg.gather [hbm4b:s3+s2], $0x80, v4, vm0, $0xb8;
	[tilespmem:$0x18200] =	vst v63  }
0x1f: {  	s0 =	simm.s32 $0xA00;
	v3 =	vadd.s32 v1, v3  }
0x20: {  	[tilespmem:s0], [sflag:$0x1] =	stream.indirect_vreg.gather [hbm4b:s6+s2], $0x80, v4, vm0, $0xb8;
	[tilespmem:$0x18200] =	vst v63  }
0x21: {  	s18 =	simm.s32 $0x1200  }
0x22: {  	[tilespmem:s18], [sflag:$0x1] =	stream.indirect_vreg.gather [hbm4b:s7+s2], $0x80, v4, vm0, $0xb8;
	[tilespmem:$0x18200] =	vst v63  }
0x23: {  	s19 =	simm.s32 $0x1A00  }
0x24: {  	[tilespmem:s19], [sflag:$0x1] =	stream.indirect_vreg.gather [hbm4b:s3+s2], $0x80, v3, vm0, $0xb8;
	[tilespmem:$0x18200] =	vst v63  }
0x25: {  	s31 =	simm.s32 $0x2200  }
0x26: {  	[tilespmem:s31], [sflag:$0x1] =	stream.indirect_vreg.gather [hbm4b:s6+s2], $0x80, v3, vm0, $0xb8;
	[tilespmem:$0x18200] =	vst v63  }
0x27: {  	s1 =	simm.s32 $0x2A00  }
0x28: {  	[tilespmem:s1], [sflag:$0x1] =	stream.indirect_vreg.gather [hbm4b:s7+s2], $0x80, v3, vm0, $0xb8;
	[tilespmem:$0x18200] =	vst v63  }
0x29: {  	v3 =	vld [tilespmem:$0x10];
	_ =	sdelay $0x4  }
0x2a: {  	v57 =	vshrl.u32 v3, $0x3  }
0x2b: {  	v4 =	vmul.u32 $0x30, v57  }
0x2c: {  	v3 =	vand.u32 $0x7, v3  }
0x2d: {  	v3 =	vor.u32 v3, v4  }
0x2e: {  	v4 =	vperm.xlane v3, v0;
	_ =	sdelay $0x1  }
0x2f: {  	v4 =	vadd.s32 v1, v4;
	_ =	sdelay $0x3  }
0x30: {  	s14 =	simm.s32 $0x3200;
	v3 =	vperm.xlane v3, v2  }
0x31: {  	[tilespmem:s14], [sflag:$0x1] =	stream.indirect_vreg.gather [hbm4b:s3+s2], $0x80, v4, vm0, $0xb8;
	[tilespmem:$0x18200] =	vst v63  }
0x32: {  	s15 =	simm.s32 $0x3A00;
	v3 =	vadd.s32 v1, v3  }
0x33: {  	[tilespmem:s15], [sflag:$0x1] =	stream.indirect_vreg.gather [hbm4b:s6+s2], $0x80, v4, vm0, $0xb8;
	[tilespmem:$0x18200] =	vst v63  }
0x34: {  	s16 =	simm.s32 $0x4200  }
0x35: {  	[tilespmem:s16], [sflag:$0x1] =	stream.indirect_vreg.gather [hbm4b:s7+s2], $0x80, v4, vm0, $0xb8;
	[tilespmem:$0x18200] =	vst v63  }
0x36: {  	s17 =	simm.s32 $0x4A00  }
0x37: {  	[tilespmem:s17], [sflag:$0x1] =	stream.indirect_vreg.gather [hbm4b:s3+s2], $0x80, v3, vm0, $0xb8;
	[tilespmem:$0x18200] =	vst v63  }
0x38: {  	s18 =	simm.s32 $0x5200  }
0x39: {  	[tilespmem:s18], [sflag:$0x1] =	stream.indirect_vreg.gather [hbm4b:s6+s2], $0x80, v3, vm0, $0xb8;
	[tilespmem:$0x18200] =	vst v63  }
0x3a: {  	s19 =	simm.s32 $0x5A00  }
0x3b: {  	[tilespmem:s19], [sflag:$0x1] =	stream.indirect_vreg.gather [hbm4b:s7+s2], $0x80, v3, vm0, $0xb8;
	[tilespmem:$0x18200] =	vst v63  }
0x3c: {  	v3 =	vld [tilespmem:$0x20];
	_ =	sdelay $0x4  }
0x3d: {  	v58 =	vshrl.u32 v3, $0x3  }
0x3e: {  	v4 =	vmul.u32 $0x30, v58  }
0x3f: {  	v3 =	vand.u32 $0x7, v3  }
0x40: {  	v3 =	vor.u32 v3, v4  }
0x41: {  	v4 =	vperm.xlane v3, v0;
	_ =	sdelay $0x1  }
0x42: {  	v4 =	vadd.s32 v1, v4;
	_ =	sdelay $0x3  }
0x43: {  	s31 =	simm.s32 $0x6200;
	v3 =	vperm.xlane v3, v2  }
0x44: {  	[tilespmem:s31], [sflag:$0x1] =	stream.indirect_vreg.gather [hbm4b:s3+s2], $0x80, v4, vm0, $0xb8;
	[tilespmem:$0x18200] =	vst v63  }
0x45: {  	s1 =	simm.s32 $0x6A00;
	v3 =	vadd.s32 v1, v3  }
0x46: {  	[tilespmem:s1], [sflag:$0x1] =	stream.indirect_vreg.gather [hbm4b:s6+s2], $0x80, v4, vm0, $0xb8;
	[tilespmem:$0x18200] =	vst v63  }
0x47: {  	s14 =	simm.s32 $0x7200  }
0x48: {  	[tilespmem:s14], [sflag:$0x1] =	stream.indirect_vreg.gather [hbm4b:s7+s2], $0x80, v4, vm0, $0xb8;
	[tilespmem:$0x18200] =	vst v63  }
0x49: {  	s15 =	simm.s32 $0x7A00  }
0x4a: {  	[tilespmem:s15], [sflag:$0x1] =	stream.indirect_vreg.gather [hbm4b:s3+s2], $0x80, v3, vm0, $0xb8;
	[tilespmem:$0x18200] =	vst v63  }
0x4b: {  	s16 =	simm.s32 $0x8200  }
0x4c: {  	[tilespmem:s16], [sflag:$0x1] =	stream.indirect_vreg.gather [hbm4b:s6+s2], $0x80, v3, vm0, $0xb8;
	[tilespmem:$0x18200] =	vst v63  }
0x4d: {  	s17 =	simm.s32 $0x8A00  }
0x4e: {  	[tilespmem:s17], [sflag:$0x1] =	stream.indirect_vreg.gather [hbm4b:s7+s2], $0x80, v3, vm0, $0xb8;
	[tilespmem:$0x18200] =	vst v63  }
0x4f: {  	v3 =	vld [tilespmem:$0x30];
	_ =	sdelay $0x4  }
0x50: {  	v59 =	vshrl.u32 v3, $0x3  }
0x51: {  	v4 =	vmul.u32 $0x30, v59  }
0x52: {  	v3 =	vand.u32 $0x7, v3  }
0x53: {  	v3 =	vor.u32 v3, v4  }
0x54: {  	v4 =	vperm.xlane v3, v0;
	_ =	sdelay $0x1  }
0x55: {  	v4 =	vadd.s32 v1, v4;
	_ =	sdelay $0x3  }
0x56: {  	s18 =	simm.s32 $0x9200;
	v3 =	vperm.xlane v3, v2  }
0x57: {  	[tilespmem:s18], [sflag:$0x1] =	stream.indirect_vreg.gather [hbm4b:s3+s2], $0x80, v4, vm0, $0xb8;
	[tilespmem:$0x18200] =	vst v63  }
0x58: {  	s19 =	simm.s32 $0x9A00;
	v3 =	vadd.s32 v1, v3  }
0x59: {  	[tilespmem:s19], [sflag:$0x1] =	stream.indirect_vreg.gather [hbm4b:s6+s2], $0x80, v4, vm0, $0xb8;
	[tilespmem:$0x18200] =	vst v63  }
0x5a: {  	s31 =	simm.s32 $0xA200  }
0x5b: {  	[tilespmem:s31], [sflag:$0x1] =	stream.indirect_vreg.gather [hbm4b:s7+s2], $0x80, v4, vm0, $0xb8;
	[tilespmem:$0x18200] =	vst v63  }
0x5c: {  	s1 =	simm.s32 $0xAA00  }
0x5d: {  	[tilespmem:s1], [sflag:$0x1] =	stream.indirect_vreg.gather [hbm4b:s3+s2], $0x80, v3, vm0, $0xb8;
	[tilespmem:$0x18200] =	vst v63  }
0x5e: {  	s14 =	simm.s32 $0xB200  }
0x5f: {  	[tilespmem:s14], [sflag:$0x1] =	stream.indirect_vreg.gather [hbm4b:s6+s2], $0x80, v3, vm0, $0xb8;
	[tilespmem:$0x18200] =	vst v63  }
0x60: {  	s15 =	simm.s32 $0xBA00  }
0x61: {  	[tilespmem:s15], [sflag:$0x1] =	stream.indirect_vreg.gather [hbm4b:s7+s2], $0x80, v3, vm0, $0xb8;
	[tilespmem:$0x18200] =	vst v63  }
0x62: {  	v3 =	vld [tilespmem:$0x80];
	_ =	sdelay $0x4  }
0x63: {  	v60 =	vshrl.u32 v3, $0x3  }
0x64: {  	v4 =	vmul.u32 $0x30, v60  }
0x65: {  	v3 =	vand.u32 $0x7, v3  }
0x66: {  	v3 =	vor.u32 v3, v4  }
0x67: {  	v4 =	vperm.xlane v3, v0;
	_ =	sdelay $0x1  }
0x68: {  	v4 =	vadd.s32 v1, v4;
	_ =	sdelay $0x3  }
0x69: {  	s16 =	simm.s32 $0xC200;
	v3 =	vperm.xlane v3, v2  }
0x6a: {  	[tilespmem:s16], [sflag:$0x2] =	stream.indirect_vreg.gather [hbm4b:s3+s2], $0x80, v4, vm0, $0xb8;
	[tilespmem:$0x18200] =	vst v63  }
0x6b: {  	s17 =	simm.s32 $0xCA00;
	v3 =	vadd.s32 v1, v3  }
0x6c: {  	[tilespmem:s17], [sflag:$0x2] =	stream.indirect_vreg.gather [hbm4b:s6+s2], $0x80, v4, vm0, $0xb8;
	[tilespmem:$0x18200] =	vst v63  }
0x6d: {  	s18 =	simm.s32 $0xD200  }
0x6e: {  	[tilespmem:s18], [sflag:$0x2] =	stream.indirect_vreg.gather [hbm4b:s7+s2], $0x80, v4, vm0, $0xb8;
	[tilespmem:$0x18200] =	vst v63  }
0x6f: {  	s19 =	simm.s32 $0xDA00  }
0x70: {  	[tilespmem:s19], [sflag:$0x2] =	stream.indirect_vreg.gather [hbm4b:s3+s2], $0x80, v3, vm0, $0xb8;
	[tilespmem:$0x18200] =	vst v63  }
0x71: {  	s31 =	simm.s32 $0xE200  }
0x72: {  	[tilespmem:s31], [sflag:$0x2] =	stream.indirect_vreg.gather [hbm4b:s6+s2], $0x80, v3, vm0, $0xb8;
	[tilespmem:$0x18200] =	vst v63  }
0x73: {  	s1 =	simm.s32 $0xEA00  }
0x74: {  	[tilespmem:s1], [sflag:$0x2] =	stream.indirect_vreg.gather [hbm4b:s7+s2], $0x80, v3, vm0, $0xb8;
	[tilespmem:$0x18200] =	vst v63  }
0x75: {  	v3 =	vld [tilespmem:$0x90];
	_ =	sdelay $0x4  }
0x76: {  	v61 =	vshrl.u32 v3, $0x3  }
0x77: {  	v4 =	vmul.u32 $0x30, v61  }
0x78: {  	v3 =	vand.u32 $0x7, v3  }
0x79: {  	v3 =	vor.u32 v3, v4  }
0x7a: {  	v4 =	vperm.xlane v3, v0;
	_ =	sdelay $0x1  }
0x7b: {  	v4 =	vadd.s32 v1, v4;
	_ =	sdelay $0x3  }
0x7c: {  	s14 =	simm.s32 $0xF200;
	v3 =	vperm.xlane v3, v2  }
0x7d: {  	[tilespmem:s14], [sflag:$0x2] =	stream.indirect_vreg.gather [hbm4b:s3+s2], $0x80, v4, vm0, $0xb8;
	[tilespmem:$0x18200] =	vst v63  }
0x7e: {  	s15 =	simm.s32 $0xFA00;
	v3 =	vadd.s32 v1, v3  }
0x7f: {  	[tilespmem:s15], [sflag:$0x2] =	stream.indirect_vreg.gather [hbm4b:s6+s2], $0x80, v4, vm0, $0xb8;
	[tilespmem:$0x18200] =	vst v63  }
0x80: {  	s16 =	simm.s32 $0x10200  }
0x81: {  	[tilespmem:s16], [sflag:$0x2] =	stream.indirect_vreg.gather [hbm4b:s7+s2], $0x80, v4, vm0, $0xb8;
	[tilespmem:$0x18200] =	vst v63  }
0x82: {  	s17 =	simm.s32 $0x10A00  }
0x83: {  	[tilespmem:s17], [sflag:$0x2] =	stream.indirect_vreg.gather [hbm4b:s3+s2], $0x80, v3, vm0, $0xb8;
	[tilespmem:$0x18200] =	vst v63  }
0x84: {  	s18 =	simm.s32 $0x11200  }
0x85: {  	[tilespmem:s18], [sflag:$0x2] =	stream.indirect_vreg.gather [hbm4b:s6+s2], $0x80, v3, vm0, $0xb8;
	[tilespmem:$0x18200] =	vst v63  }
0x86: {  	s19 =	simm.s32 $0x11A00  }
0x87: {  	[tilespmem:s19], [sflag:$0x2] =	stream.indirect_vreg.gather [hbm4b:s7+s2], $0x80, v3, vm0, $0xb8;
	[tilespmem:$0x18200] =	vst v63  }
0x88: {  	v3 =	vld [tilespmem:$0xA0];
	_ =	sdelay $0x4  }
0x89: {  	v62 =	vshrl.u32 v3, $0x3  }
0x8a: {  	v4 =	vmul.u32 $0x30, v62  }
0x8b: {  	v3 =	vand.u32 $0x7, v3  }
0x8c: {  	v3 =	vor.u32 v3, v4  }
0x8d: {  	v4 =	vperm.xlane v3, v0;
	_ =	sdelay $0x1  }
0x8e: {  	v4 =	vadd.s32 v1, v4;
	_ =	sdelay $0x3  }
0x8f: {  	s31 =	simm.s32 $0x12200;
	v3 =	vperm.xlane v3, v2  }
0x90: {  	[tilespmem:s31], [sflag:$0x2] =	stream.indirect_vreg.gather [hbm4b:s3+s2], $0x80, v4, vm0, $0xb8;
	[tilespmem:$0x18200] =	vst v63  }
0x91: {  	s1 =	simm.s32 $0x12A00;
	v3 =	vadd.s32 v1, v3  }
0x92: {  	[tilespmem:s1], [sflag:$0x2] =	stream.indirect_vreg.gather [hbm4b:s6+s2], $0x80, v4, vm0, $0xb8;
	[tilespmem:$0x18200] =	vst v63  }
0x93: {  	s14 =	simm.s32 $0x13200  }
0x94: {  	[tilespmem:s14], [sflag:$0x2] =	stream.indirect_vreg.gather [hbm4b:s7+s2], $0x80, v4, vm0, $0xb8;
	[tilespmem:$0x18200] =	vst v63  }
0x95: {  	s15 =	simm.s32 $0x13A00  }
0x96: {  	[tilespmem:s15], [sflag:$0x2] =	stream.indirect_vreg.gather [hbm4b:s3+s2], $0x80, v3, vm0, $0xb8;
	[tilespmem:$0x18200] =	vst v63  }
0x97: {  	s16 =	simm.s32 $0x14200  }
0x98: {  	[tilespmem:s16], [sflag:$0x2] =	stream.indirect_vreg.gather [hbm4b:s6+s2], $0x80, v3, vm0, $0xb8;
	[tilespmem:$0x18200] =	vst v63  }
0x99: {  	s17 =	simm.s32 $0x14A00  }
0x9a: {  	[tilespmem:s17], [sflag:$0x2] =	stream.indirect_vreg.gather [hbm4b:s7+s2], $0x80, v3, vm0, $0xb8;
	[tilespmem:$0x18200] =	vst v63  }
0x9b: {  	v3 =	vld [tilespmem:$0xB0];
	_ =	sdelay $0x4  }
0x9c: {  	v63 =	vshrl.u32 v3, $0x3  }
0x9d: {  	v4 =	vmul.u32 $0x30, v63  }
0x9e: {  	v3 =	vand.u32 $0x7, v3  }
0x9f: {  	v3 =	vor.u32 v3, v4  }
0xa0: {  	v4 =	vperm.xlane v3, v0;
	_ =	sdelay $0x1  }
0xa1: {  	v4 =	vadd.s32 v1, v4;
	_ =	sdelay $0x3  }
0xa2: {  	s18 =	simm.s32 $0x15200;
	v3 =	vperm.xlane v3, v2  }
0xa3: {  	[tilespmem:s18], [sflag:$0x2] =	stream.indirect_vreg.gather [hbm4b:s3+s2], $0x80, v4, vm0, $0xb8;
	[tilespmem:$0x18200] =	vst v63  }
0xa4: {  	s19 =	simm.s32 $0x15A00;
	v3 =	vadd.s32 v1, v3  }
0xa5: {  	[tilespmem:s19], [sflag:$0x2] =	stream.indirect_vreg.gather [hbm4b:s6+s2], $0x80, v4, vm0, $0xb8;
	[tilespmem:$0x18200] =	vst v63  }
0xa6: {  	s31 =	simm.s32 $0x16200  }
0xa7: {  	[tilespmem:s31], [sflag:$0x2] =	stream.indirect_vreg.gather [hbm4b:s7+s2], $0x80, v4, vm0, $0xb8;
	[tilespmem:$0x18200] =	vst v63  }
0xa8: {  	_ = 	snop  }
0xa9: {  	[tilespmem:s20], [sflag:$0x2] =	stream.indirect_vreg.gather [hbm4b:s3+s2], $0x80, v3, vm0, $0xb8;
	[tilespmem:$0x18200] =	vst v63  }
0xaa: {  	_ = 	snop  }
0xab: {  	[tilespmem:s21], [sflag:$0x2] =	stream.indirect_vreg.gather [hbm4b:s6+s2], $0x80, v3, vm0, $0xb8;
	[tilespmem:$0x18200] =	vst v63  }
0xac: {  	_ = 	snop  }
0xad: {  	[tilespmem:s22], [sflag:$0x2] =	stream.indirect_vreg.gather [hbm4b:s7+s2], $0x80, v3, vm0, $0xb8;
	[tilespmem:$0x18200] =	vst v63  }
0xae: {  	_ = 	snop  }
0xaf: {  	[tilespmem:s23], [sflag:$0x3] =	stream.linear.gather [hbm4b:s8+s2], $0x40, $0x38;
	[tilespmem:$0x18200] =	vst v63  }
0xb0: {  	_ =	swait.ge [sflag:s12], $0x40  }
0xb1: {  	[sflag:s12] =	ssyncset.done $0x0  }
0xb2: {  	[sflag:s12] =	ssyncadd.s32 $0xFFFFFFC0  }
0xb3: {  	[tilespmem:s24], [sflag:$0x3] =	stream.linear.gather [hbm4b:s9+s2], $0x40, $0x38;
	[tilespmem:$0x18200] =	vst v63  }
0xb4: {  	_ =	swait.ge [sflag:s12], $0x40  }
0xb5: {  	[sflag:s12] =	ssyncset.done $0x0  }
0xb6: {  	[sflag:s12] =	ssyncadd.s32 $0xFFFFFFC0  }
0xb7: {  	_ =	swait.ge [sflag:s25], $0xC000  }
0xb8: {  	[sflag:s25] =	ssyncset.done $0x0  }
0xb9: {  	[sflag:s25] =	ssyncadd.s32 $0xFFFF4000  }
0xba: {  	_ =	swait.ge [sflag:s26], $0xC000  }
0xbb: {  	[sflag:s26] =	ssyncset.done $0x0  }
0xbc: {  	s30 =	simm.s32 $0x0;
	[sflag:s26] =	ssyncadd.s32 $0xFFFF4000  }
.LBB2_2:
0xbd: {  	s0 =	sshrl.u32 s30, $0x3  }
0xbe: {  	s1 =	sand.u32 $0x30, s30;
	s14 =	sadd.s32 $0xFFFFFF80, s29;
	s0 =	smul.u32 $0x1800, s0  }
0xbf: {  	v5 =	vld [tilespmem:s1+$0x100];
	s31 =	sand.u32 $0x300, s14  }
0xc0: {  	v6 =	vld [tilespmem:s1+$0x180];
	s16 =	sor.u32 s31, s0  }
0xc1: {  	v7 =	vld [tilespmem:s16+$0x200]  }
0xc2: {  	v8 =	vld [tilespmem:s16+$0xC200]  }
0xc3: {  	v9 =	vld [tilespmem:s16+$0x210]  }
0xc4: {  	v10 =	vld [tilespmem:s16+$0xC210]  }
0xc5: {  	v11 =	vld [tilespmem:s16+$0x220]  }
0xc6: {  	v12 =	vld [tilespmem:s16+$0xC220]  }
0xc7: {  	v13 =	vld [tilespmem:s16+$0x230]  }
0xc8: {  	v14 =	vld [tilespmem:s16+$0xC230]  }
0xc9: {  	v15 =	vld [tilespmem:s16+$0x240]  }
0xca: {  	v16 =	vld [tilespmem:s16+$0xC240]  }
0xcb: {  	v17 =	vld [tilespmem:s16+$0x250]  }
0xcc: {  	v18 =	vld [tilespmem:s16+$0xC250]  }
0xcd: {  	v19 =	vld [tilespmem:s16+$0x260]  }
0xce: {  	v20 =	vld [tilespmem:s16+$0xC260]  }
0xcf: {  	v21 =	vld [tilespmem:s16+$0x270]  }
0xd0: {  	v22 =	vld [tilespmem:s16+$0xC270]  }
0xd1: {  	v23 =	vld [tilespmem:s16+$0x600]  }
0xd2: {  	s18 =	sand.u32 $0xE, s30;
	v24 =	vld [tilespmem:s16+$0xC600]  }
0xd3: {  	v4 =	vmov s18;
	v25 =	vld [tilespmem:s16+$0x610]  }
0xd4: {  	v26 =	vld [tilespmem:s16+$0xC610];
	v3 =	vperm.xlane v5, v4;
	v4 =	vperm.xlane v6, v4  }
0xd5: {  	v27 =	vld [tilespmem:s16+$0x620]  }
0xd6: {  	v28 =	vld [tilespmem:s16+$0xC620];
	v7 =	vmul.f32 v7, v3;
	v8 =	vmul.f32 v8, v4  }
0xd7: {  	v29 =	vld [tilespmem:s16+$0x630];
	v9 =	vmul.f32 v9, v3;
	v10 =	vmul.f32 v10, v4  }
0xd8: {  	v47 =	vld [tilespmem:s16+$0xC630];
	v45 =	vmul.f32 v11, v3;
	v46 =	vmul.f32 v12, v4;
	v7 =	vadd.f32 v8, v7  }
0xd9: {  	v50 =	vld [tilespmem:s16+$0x640];
	v48 =	vmul.f32 v13, v3;
	v49 =	vmul.f32 v14, v4;
	v9 =	vadd.f32 v10, v9  }
0xda: {  	v54 =	vld [tilespmem:s16+$0xC640];
	v52 =	vmul.f32 v15, v3;
	v53 =	vmul.f32 v16, v4;
	v51 =	vadd.f32 v46, v45;
	[tilespmem:s16+$0x200] =	vst v7  }
0xdb: {  	v58 =	vld [tilespmem:s16+$0x650];
	v56 =	vmul.f32 v17, v3;
	v57 =	vmul.f32 v18, v4;
	v55 =	vadd.f32 v49, v48;
	[tilespmem:s16+$0x210] =	vst v9  }
0xdc: {  	v62 =	vld [tilespmem:s16+$0xC650];
	v60 =	vmul.f32 v19, v3;
	v61 =	vmul.f32 v20, v4;
	v59 =	vadd.f32 v53, v52;
	[tilespmem:s16+$0x220] =	vst v51  }
0xdd: {  	v30 =	vld [tilespmem:s16+$0x660];
	v21 =	vmul.f32 v21, v3;
	v22 =	vmul.f32 v22, v4;
	v63 =	vadd.f32 v57, v56;
	[tilespmem:s16+$0x230] =	vst v55  }
0xde: {  	v34 =	vld [tilespmem:s16+$0xC660];
	v32 =	vmul.f32 v23, v3;
	v33 =	vmul.f32 v24, v4;
	v31 =	vadd.f32 v61, v60;
	[tilespmem:s16+$0x240] =	vst v59  }
0xdf: {  	v38 =	vld [tilespmem:s16+$0x670];
	v36 =	vmul.f32 v25, v3;
	v37 =	vmul.f32 v26, v4;
	v35 =	vadd.f32 v22, v21;
	[tilespmem:s16+$0x250] =	vst v63  }
0xe0: {  	s1 =	sand.u32 $0x380, s29;
	v42 =	vld [tilespmem:s16+$0xC670];
	v40 =	vmul.f32 v27, v3;
	v41 =	vmul.f32 v28, v4;
	v39 =	vadd.f32 v33, v32;
	[tilespmem:s16+$0x260] =	vst v31  }
0xe1: {  	s18 =	sor.u32 s0, s1;
	v44 =	vmul.f32 v29, v3;
	v12 =	vmul.f32 v47, v4;
	v43 =	vadd.f32 v37, v36;
	[tilespmem:s16+$0x270] =	vst v35  }
0xe2: {  	v47 =	vmul.f32 v54, v4;
	v11 =	vld [tilespmem:s18+$0xC260];
	v45 =	vadd.f32 v41, v40;
	v46 =	vmul.f32 v50, v3;
	[tilespmem:s16+$0x600] =	vst v39  }
0xe3: {  	v13 =	vld [tilespmem:s18+$0x270];
	v48 =	vadd.f32 v12, v44;
	v49 =	vmul.f32 v58, v3;
	v50 =	vmul.f32 v62, v4;
	[tilespmem:s16+$0x610] =	vst v43  }
0xe4: {  	s15 =	sadd.s32 $0x800, s0;
	v18 =	vld [tilespmem:s18+$0xC600];
	v52 =	vmul.f32 v30, v3;
	v53 =	vmul.f32 v34, v4;
	[tilespmem:s16+$0x620] =	vst v45;
	v51 =	vadd.f32 v47, v46  }
0xe5: {  	s17 =	sor.u32 s31, s15;
	v19 =	vld [tilespmem:s18+$0x610];
	v56 =	vmul.f32 v42, v4;
	[tilespmem:s16+$0x630] =	vst v48;
	v54 =	vadd.f32 v50, v49;
	v55 =	vmul.f32 v38, v3  }
0xe6: {  	v57 =	vadd.f32 v53, v52;
	v59 =	vld [tilespmem:s17+$0x200];
	[tilespmem:s16+$0x640] =	vst v51  }
0xe7: {  	[tilespmem:s16+$0x650] =	vst v54;
	v58 =	vadd.f32 v56, v55;
	v60 =	vld [tilespmem:s17+$0x210]  }
0xe8: {  	[tilespmem:s16+$0x660] =	vst v57;
	v62 =	vld [tilespmem:s17+$0x220]  }
0xe9: {  	v24 =	vld [tilespmem:s17+$0x230];
	[tilespmem:s16+$0x670] =	vst v58  }
0xea: {  	v8 =	vld [tilespmem:s17+$0xC200]  }
0xeb: {  	v61 =	vld [tilespmem:s17+$0xC210]  }
0xec: {  	v63 =	vld [tilespmem:s17+$0xC220]  }
0xed: {  	v25 =	vld [tilespmem:s17+$0xC230]  }
0xee: {  	v26 =	vld [tilespmem:s17+$0x240]  }
0xef: {  	v28 =	vld [tilespmem:s17+$0x250]  }
0xf0: {  	v29 =	vld [tilespmem:s17+$0xC250]  }
0xf1: {  	v30 =	vld [tilespmem:s17+$0x260]  }
0xf2: {  	v31 =	vld [tilespmem:s17+$0xC260]  }
0xf3: {  	v32 =	vld [tilespmem:s17+$0x270];
	v7 =	vmul.f32 v59, v3  }
0xf4: {  	v35 =	vld [tilespmem:s17+$0xC270];
	v9 =	vmul.f32 v60, v3;
	v33 =	vmul.f32 v62, v3  }
0xf5: {  	v27 =	vld [tilespmem:s17+$0xC240];
	v36 =	vmul.f32 v24, v3;
	v8 =	vmul.f32 v8, v4  }
0xf6: {  	v10 =	vmul.f32 v61, v4;
	v45 =	vmul.f32 v30, v3;
	v30 =	vld [tilespmem:s18+$0xC230]  }
0xf7: {  	v34 =	vmul.f32 v63, v4;
	v46 =	vmul.f32 v31, v4;
	v31 =	vld [tilespmem:s18+$0x240]  }
0xf8: {  	v42 =	vmul.f32 v28, v3;
	v48 =	vmul.f32 v32, v3;
	v32 =	vld [tilespmem:s18+$0xC240]  }
0xf9: {  	v43 =	vmul.f32 v29, v4;
	v12 =	vmul.f32 v35, v4;
	v35 =	vld [tilespmem:s18+$0x260];
	v7 =	vadd.f32 v8, v7  }
0xfa: {  	v37 =	vmul.f32 v25, v4;
	v39 =	vmul.f32 v26, v3;
	v28 =	vld [tilespmem:s18+$0x670];
	v9 =	vadd.f32 v10, v9  }
0xfb: {  	v40 =	vmul.f32 v27, v4;
	v38 =	vadd.f32 v34, v33;
	v47 =	vadd.f32 v43, v42;
	v42 =	vld [tilespmem:s18+$0x200];
	[tilespmem:s17+$0x200] =	vst v7  }
0xfc: {  	v41 =	vadd.f32 v37, v36;
	v43 =	vld [tilespmem:s18+$0xC200];
	[tilespmem:s17+$0x210] =	vst v9  }
0xfd: {  	v44 =	vadd.f32 v40, v39;
	v49 =	vadd.f32 v46, v45;
	v45 =	vld [tilespmem:s18+$0xC210];
	[tilespmem:s17+$0x220] =	vst v38  }
0xfe: {  	v46 =	vld [tilespmem:s18+$0x220];
	[tilespmem:s17+$0x230] =	vst v41  }
0xff: {  	v50 =	vadd.f32 v12, v48;
	v48 =	vld [tilespmem:s18+$0x230];
	[tilespmem:s17+$0x240] =	vst v44  }
0x100: {  	s14 =	sadd.s32 $0xC00, s0;
	v33 =	vld [tilespmem:s18+$0x250];
	[tilespmem:s17+$0x250] =	vst v47  }
0x101: {  	s16 =	sor.u32 s31, s14;
	v34 =	vld [tilespmem:s18+$0xC250];
	[tilespmem:s17+$0x260] =	vst v49  }
0x102: {  	[tilespmem:s17+$0x270] =	vst v50;
	v51 =	vld [tilespmem:s16+$0x200]  }
0x103: {  	v8 =	vld [tilespmem:s16+$0xC200]  }
0x104: {  	v52 =	vld [tilespmem:s16+$0x210]  }
0x105: {  	v53 =	vld [tilespmem:s16+$0xC210]  }
0x106: {  	v54 =	vld [tilespmem:s16+$0x220]  }
0x107: {  	v55 =	vld [tilespmem:s16+$0xC220]  }
0x108: {  	v56 =	vld [tilespmem:s16+$0x230]  }
0x109: {  	v57 =	vld [tilespmem:s16+$0xC230]  }
0x10a: {  	v58 =	vld [tilespmem:s16+$0x240]  }
0x10b: {  	v59 =	vld [tilespmem:s16+$0xC240]  }
0x10c: {  	v60 =	vld [tilespmem:s16+$0x250]  }
0x10d: {  	s19 =	sand.u32 $0xF, s30;
	v61 =	vld [tilespmem:s16+$0xC250];
	v7 =	vmul.f32 v51, v3  }
0x10e: {  	s17 =	sadd.s32 $0x1, s19;
	v62 =	vld [tilespmem:s16+$0x260];
	v8 =	vmul.f32 v8, v4;
	v9 =	vmul.f32 v52, v3  }
0x10f: {  	v63 =	vld [tilespmem:s16+$0xC260];
	v36 =	vmov s17;
	v10 =	vmul.f32 v53, v4;
	v49 =	vmul.f32 v54, v3  }
0x110: {  	v40 =	vld [tilespmem:s16+$0x270];
	v36 =	vand.u32 $0xF, v36;
	v50 =	vmul.f32 v55, v4;
	v51 =	vmul.f32 v56, v3  }
0x111: {  	v41 =	vld [tilespmem:s16+$0xC270];
	v14 =	vmul.f32 v57, v4;
	v15 =	vmul.f32 v58, v3;
	v7 =	vadd.f32 v8, v7  }
0x112: {  	v37 =	vld [tilespmem:s18+$0xC270];
	v16 =	vmul.f32 v59, v4;
	v17 =	vmul.f32 v60, v3;
	v9 =	vadd.f32 v10, v9  }
0x113: {  	v44 =	vld [tilespmem:s18+$0x210];
	v53 =	vmul.f32 v61, v4;
	v54 =	vbroadcast v36, $0x0;
	v52 =	vadd.f32 v50, v49;
	[tilespmem:s16+$0x200] =	vst v7  }
0x114: {  	v47 =	vld [tilespmem:s18+$0xC220];
	v56 =	vmul.f32 v62, v3;
	v57 =	vmul.f32 v63, v4;
	v55 =	vadd.f32 v14, v51;
	[tilespmem:s16+$0x210] =	vst v9  }
0x115: {  	v38 =	vld [tilespmem:s18+$0x600];
	v58 =	vadd.f32 v16, v15;
	v5 =	vperm.xlane v5, v54;
	v6 =	vperm.xlane v6, v54;
	[tilespmem:s16+$0x220] =	vst v52  }
0x116: {  	v59 =	vmul.f32 v40, v3;
	v60 =	vmul.f32 v41, v4;
	v40 =	vld [tilespmem:s18+$0x630];
	v8 =	vadd.f32 v53, v17;
	[tilespmem:s16+$0x230] =	vst v55  }
0x117: {  	v10 =	vld [tilespmem:s18+$0xC610];
	v61 =	vadd.f32 v57, v56;
	[tilespmem:s16+$0x240] =	vst v58;
	v62 =	vmul.f32 v42, v5;
	v63 =	vmul.f32 v43, v6  }
0x118: {  	v16 =	vld [tilespmem:s18+$0x620];
	v24 =	vadd.f32 v60, v59;
	[tilespmem:s16+$0x250] =	vst v8;
	v36 =	vmul.f32 v44, v5;
	v39 =	vmul.f32 v45, v6  }
0x119: {  	v17 =	vld [tilespmem:s18+$0xC620];
	[tilespmem:s16+$0x260] =	vst v61;
	v42 =	vmul.f32 v46, v5;
	v43 =	vmul.f32 v47, v6;
	v41 =	vadd.f32 v63, v62  }
0x11a: {  	v56 =	vld [tilespmem:s18+$0xC650];
	[tilespmem:s16+$0x270] =	vst v24;
	v46 =	vmul.f32 v48, v5;
	v47 =	vmul.f32 v30, v6;
	v45 =	vadd.f32 v39, v36  }
0x11b: {  	v59 =	vld [tilespmem:s18+$0x660];
	v50 =	vmul.f32 v31, v5;
	v51 =	vmul.f32 v32, v6;
	v49 =	vadd.f32 v43, v42;
	[tilespmem:s18+$0x200] =	vst v41  }
0x11c: {  	v44 =	vld [tilespmem:s18+$0xC630];
	v54 =	vmul.f32 v33, v5;
	v55 =	vmul.f32 v34, v6;
	v53 =	vadd.f32 v47, v46;
	[tilespmem:s18+$0x210] =	vst v45  }
0x11d: {  	v48 =	vld [tilespmem:s18+$0x640];
	v58 =	vmul.f32 v35, v5;
	v11 =	vmul.f32 v11, v6;
	v57 =	vadd.f32 v51, v50;
	[tilespmem:s18+$0x220] =	vst v49  }
0x11e: {  	v52 =	vld [tilespmem:s18+$0x650];
	v26 =	vmul.f32 v38, v5;
	v27 =	vmul.f32 v18, v6;
	v60 =	vadd.f32 v55, v54;
	[tilespmem:s18+$0x230] =	vst v53  }
0x11f: {  	v61 =	vmul.f32 v13, v5;
	v31 =	vld [tilespmem:s18+$0xC670];
	v62 =	vmul.f32 v37, v6;
	v25 =	vadd.f32 v11, v58;
	[tilespmem:s18+$0x240] =	vst v57  }
0x120: {  	s16 =	sadd.s32 $0x1000, s0;
	v30 =	vmul.f32 v19, v5;
	v35 =	vld [tilespmem:s18+$0xC640];
	v32 =	vadd.f32 v27, v26;
	v10 =	vmul.f32 v10, v6;
	[tilespmem:s18+$0x250] =	vst v60  }
0x121: {  	s17 =	sor.u32 s31, s16;
	v63 =	vld [tilespmem:s18+$0xC660];
	v33 =	vmul.f32 v16, v5;
	v34 =	vmul.f32 v17, v6;
	v29 =	vadd.f32 v62, v61;
	[tilespmem:s18+$0x260] =	vst v25  }
0x122: {  	v37 =	vmul.f32 v40, v5;
	v19 =	vld [tilespmem:s17+$0xC200];
	[tilespmem:s18+$0x600] =	vst v32;
	v36 =	vadd.f32 v10, v30;
	v38 =	vmul.f32 v44, v6  }
0x123: {  	v20 =	vld [tilespmem:s17+$0x210];
	v41 =	vmul.f32 v56, v6;
	v39 =	vadd.f32 v34, v33;
	v40 =	vmul.f32 v52, v5;
	[tilespmem:s18+$0x270] =	vst v29  }
0x124: {  	v14 =	vld [tilespmem:s17+$0xC210];
	v46 =	vmul.f32 v28, v5;
	v47 =	vmul.f32 v31, v6;
	[tilespmem:s18+$0x610] =	vst v36;
	v42 =	vadd.f32 v38, v37  }
0x125: {  	v13 =	vld [tilespmem:s17+$0x220];
	v48 =	vmul.f32 v48, v5;
	v49 =	vmul.f32 v35, v6;
	[tilespmem:s18+$0x620] =	vst v39;
	v45 =	vadd.f32 v41, v40  }
0x126: {  	v11 =	vld [tilespmem:s17+$0x230];
	v43 =	vmul.f32 v59, v5;
	v44 =	vmul.f32 v63, v6;
	v50 =	vadd.f32 v47, v46;
	[tilespmem:s18+$0x630] =	vst v42  }
0x127: {  	v17 =	vld [tilespmem:s17+$0x200];
	v8 =	vadd.f32 v49, v48;
	[tilespmem:s18+$0x650] =	vst v45  }
0x128: {  	v10 =	vld [tilespmem:s17+$0xC220];
	v9 =	vadd.f32 v44, v43;
	[tilespmem:s18+$0x670] =	vst v50  }
0x129: {  	s19 =	sor.u32 s1, s15;
	v33 =	vld [tilespmem:s17+$0x240];
	[tilespmem:s18+$0x640] =	vst v8  }
0x12a: {  	v53 =	vld [tilespmem:s19+$0x220];
	[tilespmem:s18+$0x660] =	vst v9  }
0x12b: {  	v7 =	vld [tilespmem:s19+$0x200]  }
0x12c: {  	v8 =	vld [tilespmem:s19+$0xC200]  }
0x12d: {  	v51 =	vld [tilespmem:s19+$0x210]  }
0x12e: {  	v52 =	vld [tilespmem:s19+$0xC210]  }
0x12f: {  	v54 =	vld [tilespmem:s19+$0xC220]  }
0x130: {  	v55 =	vld [tilespmem:s19+$0x230]  }
0x131: {  	v56 =	vld [tilespmem:s19+$0xC230]  }
0x132: {  	v57 =	vld [tilespmem:s19+$0x240]  }
0x133: {  	v58 =	vld [tilespmem:s19+$0x250]  }
0x134: {  	v59 =	vld [tilespmem:s19+$0xC250]  }
0x135: {  	v60 =	vld [tilespmem:s19+$0x260]  }
0x136: {  	v61 =	vld [tilespmem:s19+$0xC260]  }
0x137: {  	v62 =	vld [tilespmem:s19+$0x270];
	v7 =	vmul.f32 v7, v5;
	v8 =	vmul.f32 v8, v6  }
0x138: {  	v63 =	vld [tilespmem:s19+$0xC270];
	v12 =	vmul.f32 v51, v5;
	v15 =	vmul.f32 v52, v6  }
0x139: {  	v32 =	vld [tilespmem:s19+$0xC240];
	v30 =	vmul.f32 v53, v5;
	v31 =	vmul.f32 v54, v6;
	v7 =	vadd.f32 v8, v7  }
0x13a: {  	v34 =	vld [tilespmem:s17+$0xC240];
	v21 =	vmul.f32 v55, v5;
	v22 =	vmul.f32 v56, v6;
	v12 =	vadd.f32 v15, v12  }
0x13b: {  	v37 =	vld [tilespmem:s17+$0x250];
	v35 =	vmul.f32 v58, v5;
	v36 =	vmul.f32 v59, v6;
	v8 =	vadd.f32 v31, v30;
	[tilespmem:s19+$0x200] =	vst v7  }
0x13c: {  	v41 =	vld [tilespmem:s17+$0xC250];
	v39 =	vmul.f32 v60, v5;
	v40 =	vmul.f32 v61, v6;
	v38 =	vadd.f32 v22, v21;
	[tilespmem:s19+$0x210] =	vst v12  }
0x13d: {  	v47 =	vld [tilespmem:s17+$0xC260];
	v43 =	vmul.f32 v62, v5;
	v44 =	vmul.f32 v63, v6;
	v42 =	vadd.f32 v36, v35;
	[tilespmem:s19+$0x220] =	vst v8  }
0x13e: {  	v49 =	vld [tilespmem:s17+$0x270];
	v46 =	vmul.f32 v57, v5;
	v18 =	vmul.f32 v32, v6;
	v21 =	vadd.f32 v40, v39;
	[tilespmem:s19+$0x230] =	vst v38  }
0x13f: {  	v45 =	vld [tilespmem:s17+$0x260];
	v48 =	vadd.f32 v44, v43;
	[tilespmem:s19+$0x250] =	vst v42  }
0x140: {  	v50 =	vld [tilespmem:s17+$0xC270];
	v12 =	vadd.f32 v18, v46;
	[tilespmem:s19+$0x260] =	vst v21  }
0x141: {  	v9 =	vld [tilespmem:s17+$0xC230];
	s18 =	sor.u32 s1, s14;
	[tilespmem:s19+$0x270] =	vst v48  }
0x142: {  	v8 =	vld [tilespmem:s18+$0x200];
	[tilespmem:s19+$0x240] =	vst v12  }
0x143: {  	v12 =	vld [tilespmem:s18+$0xC200]  }
0x144: {  	v21 =	vld [tilespmem:s18+$0x210]  }
0x145: {  	v51 =	vld [tilespmem:s18+$0xC210]  }
0x146: {  	v52 =	vld [tilespmem:s18+$0x220]  }
0x147: {  	v20 =	vmul.f32 v20, v3;
	v14 =	vmul.f32 v14, v4;
	v53 =	vld [tilespmem:s18+$0xC220]  }
0x148: {  	v19 =	vmul.f32 v19, v4;
	v17 =	vmul.f32 v17, v3;
	v54 =	vld [tilespmem:s18+$0x230]  }
0x149: {  	v13 =	vmul.f32 v13, v3;
	v14 =	vadd.f32 v14, v20;
	v10 =	vmul.f32 v10, v4;
	v55 =	vld [tilespmem:s18+$0xC230]  }
0x14a: {  	v11 =	vmul.f32 v11, v3;
	v17 =	vadd.f32 v19, v17;
	v9 =	vmul.f32 v9, v4;
	v56 =	vld [tilespmem:s18+$0x240]  }
0x14b: {  	[tilespmem:s17+$0x210] =	vst v14;
	v10 =	vadd.f32 v10, v13;
	v59 =	vmul.f32 v37, v3;
	v60 =	vmul.f32 v41, v4;
	v58 =	vld [tilespmem:s18+$0x250]  }
0x14c: {  	[tilespmem:s17+$0x200] =	vst v17;
	v62 =	vmul.f32 v45, v3;
	v63 =	vmul.f32 v47, v4;
	v9 =	vadd.f32 v9, v11;
	v61 =	vld [tilespmem:s18+$0xC250]  }
0x14d: {  	v27 =	vmul.f32 v49, v3;
	[tilespmem:s17+$0x220] =	vst v10;
	v26 =	vadd.f32 v60, v59;
	v30 =	vmul.f32 v50, v4;
	v25 =	vld [tilespmem:s18+$0x260]  }
0x14e: {  	v57 =	vmul.f32 v33, v3;
	v32 =	vadd.f32 v63, v62;
	[tilespmem:s17+$0x230] =	vst v9;
	v7 =	vmul.f32 v34, v4;
	v31 =	vld [tilespmem:s18+$0xC260]  }
0x14f: {  	[tilespmem:s17+$0x250] =	vst v26;
	v35 =	vadd.f32 v30, v27;
	v34 =	vld [tilespmem:s18+$0x270];
	v8 =	vmul.f32 v8, v5;
	v33 =	vmul.f32 v12, v6  }
0x150: {  	[tilespmem:s17+$0x260] =	vst v32;
	v7 =	vadd.f32 v7, v57;
	s19 =	sadd.s32 $0x1400, s0;
	v38 =	vld [tilespmem:s18+$0xC270];
	v36 =	vmul.f32 v21, v5;
	v37 =	vmul.f32 v51, v6  }
0x151: {  	[tilespmem:s17+$0x270] =	vst v35;
	s0 =	sor.u32 s31, s19;
	v42 =	vld [tilespmem:s18+$0xC240];
	v40 =	vmul.f32 v52, v5;
	v41 =	vmul.f32 v53, v6;
	v39 =	vadd.f32 v33, v8  }
0x152: {  	[tilespmem:s17+$0x240] =	vst v7;
	v9 =	vld [tilespmem:s0+$0x200];
	v43 =	vmul.f32 v54, v5;
	v19 =	vmul.f32 v55, v6;
	v11 =	vadd.f32 v37, v36  }
0x153: {  	v15 =	vld [tilespmem:s0+$0x210];
	v45 =	vmul.f32 v58, v5;
	v46 =	vmul.f32 v61, v6;
	v44 =	vadd.f32 v41, v40;
	[tilespmem:s18+$0x200] =	vst v39  }
0x154: {  	v17 =	vld [tilespmem:s0+$0xC210];
	v48 =	vmul.f32 v25, v5;
	v16 =	vmul.f32 v31, v6;
	v47 =	vadd.f32 v19, v43;
	[tilespmem:s18+$0x210] =	vst v11  }
0x155: {  	v21 =	vld [tilespmem:s0+$0xC200];
	v50 =	vmul.f32 v34, v5;
	v51 =	vmul.f32 v38, v6;
	v49 =	vadd.f32 v46, v45;
	[tilespmem:s18+$0x220] =	vst v44  }
0x156: {  	v12 =	vld [tilespmem:s0+$0x220];
	v52 =	vmul.f32 v56, v5;
	v53 =	vmul.f32 v42, v6;
	v13 =	vadd.f32 v16, v48;
	[tilespmem:s18+$0x230] =	vst v47  }
0x157: {  	v16 =	vld [tilespmem:s0+$0xC220];
	v54 =	vadd.f32 v51, v50;
	[tilespmem:s18+$0x250] =	vst v49  }
0x158: {  	v8 =	vld [tilespmem:s0+$0x230];
	v55 =	vadd.f32 v53, v52;
	[tilespmem:s18+$0x260] =	vst v13  }
0x159: {  	s16 =	sor.u32 s1, s16;
	v40 =	vld [tilespmem:s0+$0xC240];
	[tilespmem:s18+$0x270] =	vst v54  }
0x15a: {  	[tilespmem:s18+$0x240] =	vst v55;
	v7 =	vld [tilespmem:s16+$0x200]  }
0x15b: {  	v10 =	vld [tilespmem:s16+$0xC200]  }
0x15c: {  	v13 =	vld [tilespmem:s16+$0x210]  }
0x15d: {  	v56 =	vld [tilespmem:s16+$0xC210]  }
0x15e: {  	v57 =	vld [tilespmem:s16+$0x220]  }
0x15f: {  	v58 =	vld [tilespmem:s16+$0xC220]  }
0x160: {  	v59 =	vld [tilespmem:s16+$0x230]  }
0x161: {  	v60 =	vld [tilespmem:s16+$0xC230]  }
0x162: {  	v61 =	vld [tilespmem:s16+$0x240]  }
0x163: {  	v62 =	vld [tilespmem:s16+$0x250]  }
0x164: {  	v63 =	vld [tilespmem:s16+$0xC250]  }
0x165: {  	v32 =	vld [tilespmem:s16+$0x260]  }
0x166: {  	v33 =	vld [tilespmem:s16+$0xC260]  }
0x167: {  	v34 =	vld [tilespmem:s16+$0x270];
	v7 =	vmul.f32 v7, v5;
	v10 =	vmul.f32 v10, v6  }
0x168: {  	v35 =	vld [tilespmem:s16+$0xC270];
	v13 =	vmul.f32 v13, v5;
	v14 =	vmul.f32 v56, v6  }
0x169: {  	v38 =	vld [tilespmem:s16+$0xC240];
	v36 =	vmul.f32 v57, v5;
	v37 =	vmul.f32 v58, v6;
	v7 =	vadd.f32 v10, v7  }
0x16a: {  	v43 =	vld [tilespmem:s0+$0x250];
	v20 =	vmul.f32 v59, v5;
	v22 =	vmul.f32 v60, v6;
	v13 =	vadd.f32 v14, v13  }
0x16b: {  	v51 =	vld [tilespmem:s0+$0x260];
	v41 =	vmul.f32 v62, v5;
	v42 =	vmul.f32 v63, v6;
	v10 =	vadd.f32 v37, v36;
	[tilespmem:s16+$0x200] =	vst v7  }
0x16c: {  	v53 =	vld [tilespmem:s0+$0xC260];
	v45 =	vmul.f32 v32, v5;
	v46 =	vmul.f32 v33, v6;
	v44 =	vadd.f32 v22, v20;
	[tilespmem:s16+$0x210] =	vst v13  }
0x16d: {  	v11 =	vld [tilespmem:s0+$0xC230];
	v49 =	vmul.f32 v34, v5;
	v50 =	vmul.f32 v35, v6;
	v48 =	vadd.f32 v42, v41;
	[tilespmem:s16+$0x220] =	vst v10  }
0x16e: {  	v39 =	vld [tilespmem:s0+$0x240];
	v52 =	vmul.f32 v61, v5;
	v19 =	vmul.f32 v38, v6;
	v20 =	vadd.f32 v46, v45;
	[tilespmem:s16+$0x230] =	vst v44  }
0x16f: {  	v47 =	vld [tilespmem:s0+$0xC250];
	v54 =	vadd.f32 v50, v49;
	[tilespmem:s16+$0x250] =	vst v48  }
0x170: {  	v55 =	vld [tilespmem:s0+$0x270];
	v13 =	vadd.f32 v19, v52;
	[tilespmem:s16+$0x260] =	vst v20  }
0x171: {  	s1 =	sor.u32 s1, s19;
	v56 =	vld [tilespmem:s0+$0xC270];
	[tilespmem:s16+$0x270] =	vst v54  }
0x172: {  	v10 =	vld [tilespmem:s1+$0x200];
	[tilespmem:s16+$0x240] =	vst v13  }
0x173: {  	v13 =	vld [tilespmem:s1+$0xC200]  }
0x174: {  	v20 =	vld [tilespmem:s1+$0x210]  }
0x175: {  	v57 =	vld [tilespmem:s1+$0xC210]  }
0x176: {  	v58 =	vld [tilespmem:s1+$0x220]  }
0x177: {  	v15 =	vmul.f32 v15, v3;
	v17 =	vmul.f32 v17, v4;
	v59 =	vld [tilespmem:s1+$0xC220]  }
0x178: {  	v9 =	vmul.f32 v9, v3;
	v21 =	vmul.f32 v21, v4;
	v60 =	vld [tilespmem:s1+$0x230]  }
0x179: {  	v15 =	vadd.f32 v17, v15;
	v12 =	vmul.f32 v12, v3;
	v16 =	vmul.f32 v16, v4;
	v61 =	vld [tilespmem:s1+$0xC230]  }
0x17a: {  	v9 =	vadd.f32 v21, v9;
	v8 =	vmul.f32 v8, v3;
	v11 =	vmul.f32 v11, v4;
	v62 =	vld [tilespmem:s1+$0x240]  }
0x17b: {  	[tilespmem:s0+$0x210] =	vst v15;
	v63 =	vadd.f32 v16, v12;
	v32 =	vmul.f32 v43, v3;
	v33 =	vmul.f32 v47, v4;
	v31 =	vld [tilespmem:s1+$0xC240]  }
0x17c: {  	[tilespmem:s0+$0x200] =	vst v9;
	v35 =	vmul.f32 v51, v3;
	v8 =	vadd.f32 v11, v8;
	v36 =	vmul.f32 v53, v4;
	v34 =	vld [tilespmem:s1+$0x250]  }
0x17d: {  	v30 =	vmul.f32 v39, v3;
	[tilespmem:s0+$0x220] =	vst v63;
	v38 =	vadd.f32 v33, v32;
	v7 =	vmul.f32 v40, v4;
	v37 =	vld [tilespmem:s1+$0xC250]  }
0x17e: {  	v3 =	vmul.f32 v55, v3;
	[tilespmem:s0+$0x230] =	vst v8;
	v40 =	vadd.f32 v36, v35;
	v4 =	vmul.f32 v56, v4;
	v39 =	vld [tilespmem:s1+$0x260]  }
0x17f: {  	[tilespmem:s0+$0x250] =	vst v38;
	v7 =	vadd.f32 v7, v30;
	v43 =	vld [tilespmem:s1+$0xC260];
	v41 =	vmul.f32 v10, v5;
	v42 =	vmul.f32 v13, v6  }
0x180: {  	[tilespmem:s0+$0x260] =	vst v40;
	v3 =	vadd.f32 v4, v3;
	v46 =	vld [tilespmem:s1+$0x270];
	v44 =	vmul.f32 v20, v5;
	v45 =	vmul.f32 v57, v6  }
0x181: {  	v50 =	vld [tilespmem:s1+$0xC270];
	[tilespmem:s0+$0x240] =	vst v7;
	v48 =	vmul.f32 v58, v5;
	v49 =	vmul.f32 v59, v6;
	v47 =	vadd.f32 v42, v41  }
0x182: {  	[tilespmem:s0+$0x270] =	vst v3;
	v51 =	vmul.f32 v60, v5;
	v52 =	vmul.f32 v61, v6;
	v3 =	vadd.f32 v45, v44  }
0x183: {  	v54 =	vmul.f32 v62, v5;
	v55 =	vmul.f32 v31, v6;
	v53 =	vadd.f32 v49, v48;
	[tilespmem:s1+$0x200] =	vst v47  }
0x184: {  	v56 =	vmul.f32 v34, v5;
	v57 =	vmul.f32 v37, v6;
	[tilespmem:s1+$0x210] =	vst v3;
	v3 =	vadd.f32 v52, v51  }
0x185: {  	p0 =	slt.u32 s30, $0x3E;
	v59 =	vmul.f32 v39, v5;
	v60 =	vmul.f32 v43, v6;
	v58 =	vadd.f32 v55, v54;
	[tilespmem:s1+$0x220] =	vst v53  }
.Ltmp0:
0x186: {  	v61 =	vmul.f32 v46, v5;
	v62 =	vmul.f32 v50, v6;
	[tilespmem:s1+$0x230] =	vst v3;
	v3 =	vadd.f32 v57, v56;
	(pc) =	sbr.rel @p0 .LBB2_2-.Ltmp0, $4  }
0x187: {  	v63 =	vadd.f32 v60, v59;
	[tilespmem:s1+$0x240] =	vst v58  }
0x188: {  	[tilespmem:s1+$0x250] =	vst v3;
	v3 =	vadd.f32 v62, v61  }
0x189: {  	s31 =	sadd.s32 $0x2, s30;
	[tilespmem:s1+$0x260] =	vst v63  }
0x18a: {  	s29 =	sadd.s32 $0x100, s29;
	s30 =	smov.u32 s31;
	[tilespmem:s1+$0x270] =	vst v3  }
0x18b: {  	s28 =	sadd.s32 $0x1, s28  }
0x18c: {  	p0 =	sne.s32 s28, s11  }
.Ltmp1:
0x18d: {  	_ = 	snop;
	(pc) =	sbr.rel @p0 .LBB2_1-.Ltmp1, $4  }
0x18e: {  	[hbm4b:s10+s2] =	stream.linear.scatter [tilespmem:s13], [sflag:$0x3], $0xC000, $0x38;
	[tilespmem:$0x18200] =	vst v63  }
0x18f: {  	_ =	swait.ge [sflag:s12], $0xC000  }
0x190: {  	[sflag:s12] =	ssyncset.done $0x0  }
0x191: {  	[sflag:s12] =	ssyncadd.s32 $0xFFFF4000  }
0x192: {  	_ =	sfence.sel $0x180000  }
0x193: {  	[bflag:$0x0] =	sbarrier.arrive $0xFFFF  }
0x194: {  	_ =	strace $0x9000004A  }
0x195: {  	s0 =	stileid.u32;
	[bflag:$0x2] =	sbarrier.arrive $0xFFFF  }
0x196: {  	p0 =	sne.s32 s0, $0x0;
	s0 =	rddreg [dreg:$0x2]  }
0x197: {  	s0 =	sadd.s32 @!p0 $0x100000, s0  }
0x198: {  	[sflag:s0] =	ssyncadd.tile.s32 @!p0 $0x1;
	_ =	shalt  }
.Lfunc_end2:
_tile_overlayer_lowered:
.L_overlay_start_2:
0x199: {  	(tag) =	ssettag $0x2  }
0x19a: {  	s0 =	rddreg [dreg:$0x0];
	s2 =	stileid.u32  }
0x19b: {  	s1 =	rddreg [dreg:$0x1];
	p0 =	sne.s32 s2, $0x0  }
0x19c: {  	s3 =	rddreg [dreg:$0x2];
	[bflag:$0x3] =	sbarrier.arrive $0xFFFF;
	s2 =	simm.s32 @!p0 $0x1C03  }
0x19d: {  	[timem:s3], [sflag:s2] =	dma.local @!p0 [hbm:s0], s1  }
0x19e: {  	s0 =	simm.s32 @!p0 $0x3  }
0x19f: {  	_ =	swait.ge @!p0 [sflag:s0], s1  }
0x1a0: {  	s1 =	ssub.s32 @!p0 $0x0, s1;
	[sflag:s0] =	ssyncset.done @!p0 $0x0  }
0x1a1: {  	[sflag:s0] =	ssyncadd.s32 @!p0 s1  }
0x1a2: {  	[bflag:$0x3] =	sbarrier.arrive $0xFFFF  }
0x1a3: {  	_ =	shalt  }

</sc_bundles>
